<compile_context>
chip_gen: v7x
topology: tpu7x:2x2x1
jax: 0.10.2.dev20260603
libtpu: 0.0.44.dev20260713+nightly
codegen_flags: <defaults>
</compile_context>

<pallas_src>
import functools

import jax
import jax.numpy as jnp
from jax import lax
from jax.experimental import pallas as pl
from jax.experimental.pallas import tpu as pltpu
from jax.experimental.pallas import tpu_sc as plsc

N = 10000
E = 320000
D = 128
NP = 10240
NW = 32
EPW = E // NW
EC = 112
NFULL = EPW // EC
ECT = EPW - NFULL * EC
MC = 80
ROWS_PER_TILE = 640
ZR = 80


def _edge_agg(x, edge_index):
    mesh = plsc.VectorSubcoreMesh(core_axis_name="c", subcore_axis_name="s")

    @functools.partial(
        pl.kernel,
        out_type=[
            jax.ShapeDtypeStruct((2, N, D), jnp.float32),
            jax.ShapeDtypeStruct((2, 2, N), jnp.float32),
        ],
        mesh=mesh,
        scratch_types=[
            pltpu.VMEM((EC,), jnp.int32),
            pltpu.VMEM((EC,), jnp.int32),
            pltpu.VMEM((EC,), jnp.int32),
            pltpu.VMEM((EC,), jnp.int32),
            pltpu.VMEM((EC,), jnp.int32),
            pltpu.VMEM((ECT,), jnp.int32),
            pltpu.VMEM((MC,), jnp.int32),
            pltpu.VMEM((EC, D), jnp.float32),
            pltpu.VMEM((EC, D), jnp.float32),
            pltpu.VMEM((N,), jnp.float32),
            pltpu.VMEM((N,), jnp.float32),
            pltpu.VMEM_SHARED((N, D), jnp.float32),
            pltpu.VMEM_SHARED((N,), jnp.float32),
            pltpu.VMEM_SHARED((N,), jnp.float32),
            pltpu.SemaphoreType.DMA,
            pltpu.SemaphoreType.DMA,
            pltpu.SemaphoreType.DMA,
            pltpu.SemaphoreType.DMA,
            pltpu.SemaphoreType.DMA,
            pltpu.SemaphoreType.DMA,
        ],
        compiler_params=pltpu.CompilerParams(needs_layout_passes=False),
    )
    def k(x_hbm, ei_hbm, agg_out, hist_out,
          srcA, dstA, srcB, dstB, dstS, dstT, mrgI, rows_a, rows_b,
          hd_loc, hs_loc,
          agg_sh, hd_sh, hs_sh, sia, sib, sra, srb, ssa, ssb):
        c = lax.axis_index("c")
        sid = lax.axis_index("s")
        z16 = jnp.zeros((16,), jnp.float32)
        ones16 = jnp.ones((16,), jnp.float32)
        wid = sid * 2 + c

        def start_idx(kk, sv, dv, sem):
            off = pl.multiple_of(wid * EPW + kk * EC, 8)
            pltpu.async_copy(ei_hbm.at[pl.ds(off, EC)], sv, sem)
            pltpu.async_copy(ei_hbm.at[pl.ds(E + off, EC)], dv, sem)

        def wait_idx(sv, dv, sem):
            pltpu.make_async_copy(ei_hbm.at[pl.ds(0, EC)], sv, sem).wait()
            pltpu.make_async_copy(ei_hbm.at[pl.ds(0, EC)], dv, sem).wait()

        def start_gather(sv, buf, sem):
            pltpu.async_copy(x_hbm.at[sv], buf, sem)

        def wait_gather(buf, sem):
            pltpu.make_async_copy(x_hbm.at[srcA], buf, sem).wait()

        def hists_and_stage(sv, dv, ds_buf):
            for j in range(EC // 16):
                di = dv[pl.ds(j * 16, 16)]
                si = sv[pl.ds(j * 16, 16)]
                ds_buf[pl.ds(j * 16, 16)] = di
                plsc.addupdate_scatter(hd_loc, [di], ones16)
                plsc.addupdate_scatter(hs_loc, [si], ones16)

        def wait_scatter(rows, ds_buf, sem):
            pltpu.make_async_copy(rows, agg_sh.at[ds_buf], sem).wait()

        start_idx(0, srcA, dstA, sia)
        start_idx(1, srcB, dstB, sib)

        def zloop(i, _):
            hd_loc[pl.ds(i * 16, 16)] = z16
            hs_loc[pl.ds(i * 16, 16)] = z16
            return 0
        lax.fori_loop(0, N // 16, zloop, 0)

        def zloop2(i, _):
            for j in range(D // 16):
                rows_a[i, pl.ds(j * 16, 16)] = z16
            return 0
        lax.fori_loop(0, EC, zloop2, 0)

        r0 = sid * ROWS_PER_TILE
        @pl.when(sid < 15)
        def _():
            for t in range(ROWS_PER_TILE // ZR):
                pltpu.sync_copy(rows_a.at[0:ZR, :],
                                agg_sh.at[pl.ds(r0 + t * ZR, ZR), :])
        @pl.when(sid == 15)
        def _():
            for t in range((N - 15 * ROWS_PER_TILE) // ZR):
                pltpu.sync_copy(rows_a.at[0:ZR, :],
                                agg_sh.at[pl.ds(r0 + t * ZR, ZR), :])
        @pl.when(sid == 0)
        def _():
            pltpu.sync_copy(hd_loc, hd_sh)
            pltpu.sync_copy(hs_loc, hs_sh)

        plsc.subcore_barrier()

        wait_idx(srcA, dstA, sia)
        start_gather(srcA, rows_a, sra)
        wait_idx(srcB, dstB, sib)
        start_gather(srcB, rows_b, srb)

        def half(kk, sv, dv, dsb, rows, si_, sr_, ss_):
            wait_gather(rows, sr_)
            hists_and_stage(sv, dv, dsb)
            pltpu.async_copy(rows, agg_sh.at[dsb], ss_, add=True)
            @pl.when(kk + 2 < NFULL)
            def _():
                start_idx(kk + 2, sv, dv, si_)
            wait_scatter(rows, dsb, ss_)
            @pl.when(kk + 2 < NFULL)
            def _():
                wait_idx(sv, dv, si_)
                start_gather(sv, rows, sr_)

        def body(i, _):
            ka = 2 * i
            half(ka, srcA, dstA, dstS, rows_a, sia, sra, ssa)
            half(ka + 1, srcB, dstB, dstS, rows_b, sib, srb, ssb)
            return 0

        lax.fori_loop(0, NFULL // 2, body, 0)
        half(NFULL - 1, srcA, dstA, dstS, rows_a, sia, sra, ssa)
        off_t = pl.multiple_of(wid * EPW + NFULL * EC, 8)
        pltpu.async_copy(ei_hbm.at[pl.ds(off_t, ECT)], srcA.at[0:ECT], sia)
        pltpu.async_copy(ei_hbm.at[pl.ds(E + off_t, ECT)], dstA.at[0:ECT], sib)
        pltpu.make_async_copy(ei_hbm.at[pl.ds(0, ECT)], srcA.at[0:ECT], sia).wait()
        pltpu.make_async_copy(ei_hbm.at[pl.ds(0, ECT)], dstA.at[0:ECT], sib).wait()
        pltpu.async_copy(x_hbm.at[srcA.at[0:ECT]], rows_a.at[0:ECT, :], sra)
        pltpu.make_async_copy(x_hbm.at[srcA.at[0:ECT]], rows_a.at[0:ECT, :], sra).wait()
        for j in range(ECT // 16):
            di = dstA[pl.ds(j * 16, 16)]
            si = srcA[pl.ds(j * 16, 16)]
            dstT[pl.ds(j * 16, 16)] = di
            plsc.addupdate_scatter(hd_loc, [di], ones16)
            plsc.addupdate_scatter(hs_loc, [si], ones16)
        pltpu.sync_copy(rows_a.at[0:ECT, :], agg_sh.at[dstT], add=True)
        plsc.subcore_barrier()

        def merge(e, _):
            off = e * MC
            for j in range(MC // 16):
                mrgI[pl.ds(j * 16, 16)] = off + j * 16 + lax.iota(jnp.int32, 16)
            pltpu.sync_copy(hd_loc.at[pl.ds(off, MC)], hd_sh.at[mrgI], add=True)
            pltpu.sync_copy(hs_loc.at[pl.ds(off, MC)], hs_sh.at[mrgI], add=True)
            return 0

        lax.fori_loop(0, N // MC, merge, 0)
        plsc.subcore_barrier()

        @pl.when(sid < 15)
        def _():
            pltpu.sync_copy(agg_sh.at[pl.ds(r0, ROWS_PER_TILE), :],
                            agg_out.at[c, pl.ds(r0, ROWS_PER_TILE), :])
        @pl.when(sid == 15)
        def _():
            pltpu.sync_copy(agg_sh.at[pl.ds(r0, N - 15 * ROWS_PER_TILE), :],
                            agg_out.at[c, pl.ds(r0, N - 15 * ROWS_PER_TILE), :])
        @pl.when(sid == 0)
        def _():
            pltpu.sync_copy(hd_sh, hist_out.at[c, 0, :])
            pltpu.sync_copy(hs_sh, hist_out.at[c, 1, :])

    return k(x, edge_index.reshape(2 * E))


BN = 1000


def _dense_body(x_ref, a0_ref, a1_ref, cd0_ref, cd1_ref, cs0_ref, cs1_ref,
                si_ref,
                wl_ref, bl_ref, wr_ref, wr1_ref, br1_ref, wr2_ref, br2_ref,
                wdel_ref, wc_ref, wres_ref, wd_ref, bd_ref,
                scores_ref, delta_ref, res_ref, ucs_ref):
    i = pl.program_id(0)
    x = x_ref[...]
    cnt = cd0_ref[...] + cd1_ref[...]
    deg = cnt + cs0_ref[...] + cs1_ref[...]
    mean = (a0_ref[0] + a1_ref[0]) / jnp.maximum(cnt, 1.0)

    def mm(a, w_ref):
        return lax.dot_general(a, w_ref[...], (((1,), (1,)), ((), ())),
                               preferred_element_type=jnp.float32)

    pre = mm(mean, wl_ref) + bl_ref[...] + mm(x, wr_ref) + x
    x_gnn = 0.5 * pre * (1.0 + lax.erf(pre * 0.7071067811865476))
    h1 = jnp.maximum(mm(x_gnn, wr1_ref) + br1_ref[...], 0.0)
    sc = jnp.sum(h1 * wr2_ref[...], axis=1, keepdims=True) + br2_ref[0, 0]
    scores_ref[...] = sc + deg

    dpre = mm(x_gnn, wdel_ref)
    cc = mm(x_gnn, wc_ref)
    res_ref[...] = mm(x_gnn, wres_ref)
    z = mm(dpre, wd_ref) + bd_ref[...]
    delta_ref[...] = jnp.maximum(z, 0.0) + jnp.log1p(jnp.exp(-jnp.abs(z)))

    @pl.when(i == 0)
    def _():
        ucs_ref[...] = jnp.zeros_like(ucs_ref)
    ucs_ref[0:1, :] += jnp.sum(x_gnn * cc, axis=0, keepdims=True)
    ucs_ref[1:2, :] += jnp.sum(cc, axis=0, keepdims=True)


def _dense(x, aggp, hist, sinit, Wl, bl, Wr, Wr1, br1, Wr2, br2,
           Wdel, Wc, Wres, Wd, bd):
    grid = N // BN
    row = lambda i: (i, 0)
    full = lambda i: (0, 0)
    rspec = pl.BlockSpec((BN, D), row)
    aspec0 = pl.BlockSpec((1, BN, D), lambda i: (0, i, 0))
    aspec1 = pl.BlockSpec((1, BN, D), lambda i: (1, i, 0))
    cspec = pl.BlockSpec((BN, 1), row)
    return pl.pallas_call(
        _dense_body,
        grid=(grid,),
        in_specs=[rspec, aspec0, aspec1,
                  cspec, cspec, cspec, cspec,
                  pl.BlockSpec((BN, 1), row),
                  pl.BlockSpec((D, D), full), pl.BlockSpec((1, D), full),
                  pl.BlockSpec((D, D), full),
                  pl.BlockSpec((32, D), full), pl.BlockSpec((1, 32), full),
                  pl.BlockSpec((1, 32), full), pl.BlockSpec((1, 1), full),
                  pl.BlockSpec((D, D), full), pl.BlockSpec((D, D), full),
                  pl.BlockSpec((D, D), full), pl.BlockSpec((D, D), full),
                  pl.BlockSpec((1, D), full)],
        out_specs=[pl.BlockSpec((BN, 1), row), rspec, rspec,
                   pl.BlockSpec((8, D), full)],
        out_shape=[jax.ShapeDtypeStruct((NP, 1), jnp.float32),
                   jax.ShapeDtypeStruct((NP, D), jnp.float32),
                   jax.ShapeDtypeStruct((NP, D), jnp.float32),
                   jax.ShapeDtypeStruct((8, D), jnp.float32)],
        input_output_aliases={7: 0},
        compiler_params=pltpu.CompilerParams(
            dimension_semantics=("arbitrary",)),
    )(x, aggp, aggp, hist[0, 0, :, None], hist[1, 0, :, None],
      hist[0, 1, :, None], hist[1, 1, :, None], sinit, Wl, bl, Wr, Wr1, br1,
      Wr2, br2, Wdel, Wc, Wres, Wd, bd)
RB = 128
RC = 128


def _rank_body(si_ref, srow_ref, rank_ref):
    ib = pl.program_id(0)
    si = jnp.broadcast_to(si_ref[...], (RB, RC))

    one = jnp.float32(1.0)
    zero = jnp.float32(0.0)

    def pre1(k, acc):
        sj = jnp.broadcast_to(srow_ref[0:1, pl.ds(k * RC, RC)], (RB, RC))
        return acc + jnp.where(sj >= si, one, zero)

    def post1(k, acc):
        sj = jnp.broadcast_to(srow_ref[0:1, pl.ds(k * RC, RC)], (RB, RC))
        return acc + jnp.where(sj > si, one, zero)

    def pre2(t, acc):
        return pre1(2 * t + 1, pre1(2 * t, acc))

    acc = jnp.zeros((RB, RC), jnp.float32)
    acc = lax.fori_loop(0, ib // 2, pre2, acc)
    acc = lax.cond(ib % 2 == 1, lambda a: pre1(ib - 1, a), lambda a: a, acc)
    npost = (NP // RC) - ib - 1
    acc = lax.cond(npost % 2 == 1, lambda a: post1(ib + 1, a), lambda a: a, acc)
    p0 = ib + 1 + (npost % 2)

    def post2(t, acc):
        return post1(p0 + 2 * t + 1, post1(p0 + 2 * t, acc))

    acc = lax.fori_loop(0, npost // 2, post2, acc)
    sj = jnp.broadcast_to(srow_ref[0:1, pl.ds(ib * RC, RC)], (RB, RC))
    gi = lax.broadcasted_iota(jnp.int32, (RB, RC), 0)
    gj = lax.broadcasted_iota(jnp.int32, (RB, RC), 1)
    cmp = (sj > si) | ((sj == si) & (gj < gi))
    acc = acc + jnp.where(cmp, one, zero)
    rank_ref[...] = jnp.sum(acc, axis=1, keepdims=True).astype(jnp.int32)


def _rank(s_col, s_row):
    return pl.pallas_call(
        _rank_body,
        grid=(NP // RB,),
        in_specs=[pl.BlockSpec((RB, 1), lambda i: (i, 0)),
                  pl.BlockSpec((1, NP), lambda i: (0, 0))],
        out_specs=pl.BlockSpec((RB, 1), lambda i: (i, 0)),
        out_shape=jax.ShapeDtypeStruct((NP, 1), jnp.int32),
        compiler_params=pltpu.CompilerParams(
            dimension_semantics=("arbitrary",)),
    )(s_col, s_row)


RPW = NP // NW
RCH = 80


def _permute_rows(rows, rank, scatter: bool):
    mesh = plsc.VectorSubcoreMesh(core_axis_name="c", subcore_axis_name="s")

    @functools.partial(
        pl.kernel,
        out_type=jax.ShapeDtypeStruct((NP, D), jnp.float32),
        mesh=mesh,
        scratch_types=[
            pltpu.VMEM((RCH,), jnp.int32),
            pltpu.VMEM((RCH, D), jnp.float32),
            pltpu.SemaphoreType.DMA,
        ],
        compiler_params=pltpu.CompilerParams(needs_layout_passes=False),
    )
    def k(rows_hbm, rank_hbm, out_hbm, idx_v, buf_v, sem):
        c = lax.axis_index("c")
        sid = lax.axis_index("s")
        base = (sid * 2 + c) * RPW

        def body(e, _):
            off = base + e * RCH
            pltpu.sync_copy(rank_hbm.at[pl.ds(off, RCH)], idx_v)
            if scatter:
                pltpu.sync_copy(rows_hbm.at[pl.ds(off, RCH), :], buf_v)
                pltpu.async_copy(buf_v, out_hbm.at[idx_v], sem).wait()
            else:
                pltpu.async_copy(rows_hbm.at[idx_v], buf_v, sem).wait()
                pltpu.sync_copy(buf_v, out_hbm.at[pl.ds(off, RCH), :])
            return 0

        lax.fori_loop(0, RPW // RCH, body, 0)

    return k(rows, rank)


CB = 512


def _cumsum_body(x_ref, o_ref, carry_ref):
    i = pl.program_id(0)

    @pl.when(i == 0)
    def _():
        carry_ref[...] = jnp.zeros_like(carry_ref)

    blk = x_ref[...]
    ri = lax.broadcasted_iota(jnp.int32, (CB, CB), 0)
    ci = lax.broadcasted_iota(jnp.int32, (CB, CB), 1)
    L = (ri >= ci).astype(jnp.float32)
    c = carry_ref[0:1, :]
    o_ref[...] = lax.dot_general(L, blk, (((1,), (0,)), ((), ())),
                                 preferred_element_type=jnp.float32) + c
    carry_ref[0:1, :] = c + jnp.sum(blk, axis=0, keepdims=True)


def _cumsum(xs):
    return pl.pallas_call(
        _cumsum_body,
        grid=(NP // CB,),
        in_specs=[pl.BlockSpec((CB, D), lambda i: (i, 0))],
        out_specs=pl.BlockSpec((CB, D), lambda i: (i, 0)),
        out_shape=jax.ShapeDtypeStruct((NP, D), jnp.float32),
        scratch_shapes=[pltpu.VMEM((8, D), jnp.float32)],
        compiler_params=pltpu.CompilerParams(
            dimension_semantics=("arbitrary",)),
    )(xs)


def _final_body(x_ref, d_ref, p_ref, r_ref, ucs_ref, a_ref, bp_ref, dp_ref,
                o_ref):
    a = a_ref[...]
    bp = bp_ref[...]
    c1 = bp * ucs_ref[0:1, :]
    c2 = bp * ucs_ref[1:2, :]
    dp = dp_ref[0, 0]
    y = jnp.exp(d_ref[...] * a) * c1 + p_ref[...] * c2
    o = y + r_ref[...] * dp
    mu = jnp.mean(o, axis=1, keepdims=True)
    dev = o - mu
    var = jnp.mean(dev * dev, axis=1, keepdims=True)
    o_ref[...] = x_ref[...] + dev * lax.rsqrt(var + 1e-5)


def _final(x, delta, P, res, ucs, a, bp, dp):
    row = lambda i: (i, 0)
    full = lambda i: (0, 0)
    rspec = pl.BlockSpec((BN, D), row)
    return pl.pallas_call(
        _final_body,
        grid=(N // BN,),
        in_specs=[rspec, rspec, rspec, rspec,
                  pl.BlockSpec((8, D), full), pl.BlockSpec((1, D), full),
                  pl.BlockSpec((1, D), full), pl.BlockSpec((1, 1), full)],
        out_specs=rspec,
        out_shape=jax.ShapeDtypeStruct((N, D), jnp.float32),
        compiler_params=pltpu.CompilerParams(
            dimension_semantics=("arbitrary",)),
    )(x, delta, P, res, ucs, a, bp, dp)


def kernel(x, edge_index, Wl, bl, Wr, Wr1, br1, Wr2, br2, Wproj, A, Bp, Dp,
           Wd, bd):
    aggp, hist = _edge_agg(x, edge_index)

    sinit = jnp.full((NP, 1), -jnp.inf, jnp.float32)
    scores, delta, res, ucs = _dense(
        x, aggp, hist, sinit,
        Wl, bl.reshape(1, D), Wr, Wr1, br1.reshape(1, 32),
        Wr2, br2.reshape(1, 1),
        Wproj[:D], Wproj[2 * D:3 * D], Wproj[3 * D:], Wd, bd.reshape(1, D))

    rank = _rank(scores, scores.reshape(1, NP))
    rank_flat = rank.reshape(NP)

    ds = _permute_rows(delta, rank_flat, scatter=True)
    Ps = _cumsum(ds)
    Ppad = _permute_rows(Ps, rank_flat, scatter=False)

    return _final(x, delta, Ppad, res, ucs,
                  A.reshape(1, D), Bp.reshape(1, D), Dp.reshape(1, 1))

# --- scband reference (transcript-rebuilt; emitter-appended) ---
"""Pipeline reference for scband-mamba-gnnblock-1133871366246 (READ-ONLY COPY).

The authoritative reference and input builder live on the scoring server;
editing this copy changes nothing except your own understanding.
"""

import jax, jax.numpy as jnp
import numpy as np

N = 10000
E = 320000
D = 128

def setup_inputs(seed: int = 0):
    key = jax.random.key(seed)
    ks = jax.random.split(key, 16)
    inp = {}
    inp["x"] = jax.random.normal(ks[0], (N, D), dtype=jnp.float32)
    inp["edge_index"] = jax.random.randint(ks[1], (2, E), 0, N, dtype=jnp.int32)
    inp["Wl"] = jax.random.normal(ks[2], (D, D), dtype=jnp.float32) * 0.02
    inp["bl"] = jnp.zeros((D,), dtype=jnp.float32)
    inp["Wr"] = jax.random.normal(ks[3], (D, D), dtype=jnp.float32) * 0.02
    inp["Wr1"] = jax.random.normal(ks[4], (32, D), dtype=jnp.float32) * 0.05
    inp["br1"] = jnp.zeros((32,), dtype=jnp.float32)
    inp["Wr2"] = jax.random.normal(ks[5], (1, 32), dtype=jnp.float32) * 0.05
    inp["br2"] = jnp.zeros((1,), dtype=jnp.float32)
    inp["Wproj"] = jax.random.normal(ks[6], (4 * D, D), dtype=jnp.float32) * 0.02
    inp["A"] = jax.random.normal(ks[7], (1, 1, D), dtype=jnp.float32) * 0.02
    inp["Bp"] = jax.random.normal(ks[8], (1, D, 1), dtype=jnp.float32) * 0.02
    inp["Dp"] = jnp.ones((1,), dtype=jnp.float32)
    inp["Wd"] = jax.random.normal(ks[9], (D, D), dtype=jnp.float32) * 0.02
    inp["bd"] = jnp.zeros((D,), dtype=jnp.float32)
    return inp

def reference(x, edge_index, Wl, bl, Wr, Wr1, br1, Wr2, br2, Wproj, A, Bp, Dp, Wd, bd):
    Nn = x.shape[0]
    src = edge_index[0]
    dst = edge_index[1]
    # SAGEConv (mean aggregation): out = lin_l(mean_j x_j) + lin_r(x_i)
    msg = x[src]
    agg = jax.ops.segment_sum(msg, dst, num_segments=Nn)
    cnt = jax.ops.segment_sum(jnp.ones((src.shape[0],), x.dtype), dst, num_segments=Nn)
    mean = jnp.where(cnt[:, None] > 0, agg / jnp.maximum(cnt, 1.0)[:, None], 0.0)
    x_gnn = mean @ Wl.T + bl + x @ Wr.T + x
    x_gnn = jax.nn.gelu(x_gnn, approximate=False)
    # dynamic_sort (global path): rank_net score + degree; only the ordering is used
    h1 = jax.nn.relu(x_gnn @ Wr1.T + br1)
    scores = (h1 @ Wr2.T + br2)[:, 0]
    deg = jnp.zeros((Nn,), x.dtype).at[src].add(1.0).at[dst].add(1.0)
    scores = scores + deg
    scores = scores[None, :]
    sorted_idx = jnp.argsort(-scores, axis=-1)  # soft_rank is order-preserving -> same ordering
    x_sorted = x_gnn[sorted_idx]  # [1, N, D]
    # MambaBlock
    proj = x_sorted @ Wproj.T  # [1, N, 4D]
    delta, Bc, Cc, residual = jnp.split(proj, 4, axis=-1)
    delta = jax.nn.softplus(delta @ Wd.T + bd)  # [1, N, D]
    dA = jnp.transpose(jnp.exp(delta * A), (0, 2, 1)) * Bp  # [1, D, N]
    dB = jnp.cumsum(delta[..., None] * Bp[None], axis=1)  # [1, N, D, 1]
    dB = jnp.transpose(dB, (0, 2, 3, 1))  # [1, D, 1, N]
    u = jnp.transpose(x_sorted, (0, 2, 1))  # [1, D, N]
    Cm = jnp.transpose(Cc, (0, 2, 1))  # [1, D, N]
    # kernel[b,h,n,l] = dA[b,h,l]*u[b,h,n] + dB[b,h,0,l]; y[b,h,l] = sum_n kernel*Cm[b,h,n]
    uc = jnp.sum(u * Cm, axis=-1, keepdims=True)  # [1, D, 1]
    cs = jnp.sum(Cm, axis=-1, keepdims=True)  # [1, D, 1]
    y = dA * uc + dB[:, :, 0, :] * cs  # [1, D, N]
    y = jnp.transpose(y, (0, 2, 1))  # [1, N, D]
    output = y + residual * Dp
    mamba_out = output[0]  # [N, D]
    mu = jnp.mean(mamba_out, axis=-1, keepdims=True)
    var = jnp.var(mamba_out, axis=-1, keepdims=True)
    mamba_out = (mamba_out - mu) / jnp.sqrt(var + 1e-5)
    inv = jnp.argsort(sorted_idx, axis=-1)  # [1, N]
    mo = mamba_out[inv]  # [1, N, D]
    out = x + mo  # broadcast -> [1, N, D]
    return out[0]

if __name__ == "__main__":
    import jax
    _d = setup_inputs()
    print(jax.jit(kernel)(*tuple(_d.values())))

</pallas_src>

<mosaic_0001>
#map = affine_map<(d0, d1) -> (0, 0)>
#map1 = affine_map<(d0, d1) -> (0)>
module attributes {stable_mosaic.version = 14 : i64} {
  func.func @k(%arg0: i32, %arg1: i32, %arg2: memref<10240x128xf32, #tpu.memory_space<hbm>>, %arg3: memref<10240xi32, #tpu.memory_space<hbm>>, %arg4: memref<10240x128xf32, #tpu.memory_space<hbm>>, %arg5: memref<80xi32, #tpu.memory_space<vmem>>, %arg6: memref<80x128xf32, #tpu.memory_space<vmem>>, %arg7: memref<!tpu.dma_semaphore, #tpu.memory_space<semaphore_mem>>) attributes {dimension_semantics = [#tpu.dimension_semantics<core_parallel>, #tpu.dimension_semantics<subcore_parallel>], iteration_bounds = array<i64: 2, 16>, scalar_prefetch = 0 : i64, scratch_operands = 3 : i64, tpu.core_type = #tpu.core_type<sc_vector_subcore>, window_params = [{transform_indices = #map}, {transform_indices = #map1}, {transform_indices = #map}]} {
    %mul3A = arith.constant 2 : i32
    %mul3A_0 = arith.muli %arg1, %mul3A : i32
    %add3A = arith.addi %mul3A_0, %arg0 : i32
    %mul3A_1 = arith.constant 320 : i32
    %mul3A_2 = arith.muli %add3A, %mul3A_1 : i32
    %scan3A = arith.constant 0 : i32
    %scan3A_3 = arith.constant 0 : i32
    %scan3A_4 = arith.constant 4 : i32
    %scan3A_5 = arith.addi %scan3A_3, %scan3A_4 : i32
    %scan3A_6 = arith.constant 1 : i32
    %scan3A_7 = scf.for %scan3A_9 = %scan3A_3 to %scan3A_5 step %scan3A_6 iter_args(%scan3A_10 = %scan3A) -> (i32)  : i32 {
      %mul3A_11 = arith.constant 80 : i32
      %mul3A_12 = arith.muli %scan3A_9, %mul3A_11 : i32
      %add3A_13 = arith.addi %mul3A_2, %mul3A_12 : i32
      "tpu.region"() ({
        %run_scoped3A = tpu.sem_alloc : memref<!tpu.dma_semaphore, #tpu.memory_space<semaphore_mem>>
        %dma_start3A_19 = tpu.memref_slice %arg3[%add3A_13] : memref<10240xi32, #tpu.memory_space<hbm>> -> memref<80xi32, #tpu.memory_space<hbm>>
        %dma_start3A_20 = tpu.memref_slice %arg3[%add3A_13] : memref<10240xi32, #tpu.memory_space<hbm>> -> memref<80xi32, #tpu.memory_space<hbm>>
        tpu.enqueue_dma source(%dma_start3A_20 : memref<80xi32, #tpu.memory_space<hbm>>) target(%arg5 : memref<80xi32, #tpu.memory_space<vmem>>) target_semaphore(%run_scoped3A : memref<!tpu.dma_semaphore, #tpu.memory_space<semaphore_mem>>)
        %dma_wait3A_21 = tpu.memref_slice %arg3[%add3A_13] : memref<10240xi32, #tpu.memory_space<hbm>> -> memref<80xi32, #tpu.memory_space<hbm>>
        %dma_wait3A_22 = tpu.memref_slice %arg3[%add3A_13] : memref<10240xi32, #tpu.memory_space<hbm>> -> memref<80xi32, #tpu.memory_space<hbm>>
        tpu.wait_dma2 semaphore(%run_scoped3A : memref<!tpu.dma_semaphore, #tpu.memory_space<semaphore_mem>>) src(%dma_wait3A_22 : memref<80xi32, #tpu.memory_space<hbm>>) dst(%arg5 : memref<80xi32, #tpu.memory_space<vmem>>)
        tpu.yield
      }) : () -> ()
      "tpu.region"() ({
        %run_scoped3A = tpu.sem_alloc : memref<!tpu.dma_semaphore, #tpu.memory_space<semaphore_mem>>
        %dma_start3A_19 = arith.constant 0 : i32
        %dma_start3A_20 = tpu.memref_slice %arg2[%add3A_13, %dma_start3A_19] : memref<10240x128xf32, #tpu.memory_space<hbm>> -> memref<80x128xf32, #tpu.memory_space<hbm>>
        %dma_start3A_21 = arith.constant 0 : i32
        %dma_start3A_22 = tpu.memref_slice %arg2[%add3A_13, %dma_start3A_21] : memref<10240x128xf32, #tpu.memory_space<hbm>> -> memref<80x128xf32, #tpu.memory_space<hbm>>
        tpu.enqueue_dma source(%dma_start3A_22 : memref<80x128xf32, #tpu.memory_space<hbm>>) target(%arg6 : memref<80x128xf32, #tpu.memory_space<vmem>>) target_semaphore(%run_scoped3A : memref<!tpu.dma_semaphore, #tpu.memory_space<semaphore_mem>>)
        %dma_wait3A_23 = arith.constant 0 : i32
        %dma_wait3A_24 = tpu.memref_slice %arg2[%add3A_13, %dma_wait3A_23] : memref<10240x128xf32, #tpu.memory_space<hbm>> -> memref<80x128xf32, #tpu.memory_space<hbm>>
        %dma_wait3A_25 = arith.constant 0 : i32
        %dma_wait3A_26 = tpu.memref_slice %arg2[%add3A_13, %dma_wait3A_25] : memref<10240x128xf32, #tpu.memory_space<hbm>> -> memref<80x128xf32, #tpu.memory_space<hbm>>
        tpu.wait_dma2 semaphore(%run_scoped3A : memref<!tpu.dma_semaphore, #tpu.memory_space<semaphore_mem>>) src(%dma_wait3A_26 : memref<80x128xf32, #tpu.memory_space<hbm>>) dst(%arg6 : memref<80x128xf32, #tpu.memory_space<vmem>>)
        tpu.yield
      }) : () -> ()
      %dma_start3A = arith.constant 0 : i32
      %dma_start3A_14 = arith.constant 0 : i32
      %dma_start3A_15 = tpu.memref_slice %arg4[%dma_start3A, %dma_start3A_14] : memref<10240x128xf32, #tpu.memory_space<hbm>> -> memref<10240x128xf32, #tpu.memory_space<hbm>>
      tpu.enqueue_indirect_dma source(%arg6 : memref<80x128xf32, #tpu.memory_space<vmem>>) target(%dma_start3A_15 : memref<10240x128xf32, #tpu.memory_space<hbm>>) offsets(%arg5 : memref<80xi32, #tpu.memory_space<vmem>>) semaphore(%arg7 : memref<!tpu.dma_semaphore, #tpu.memory_space<semaphore_mem>>)
      %dma_wait3A = arith.constant 0 : i32
      %dma_wait3A_16 = arith.constant 0 : i32
      %dma_wait3A_17 = tpu.memref_slice %arg4[%dma_wait3A, %dma_wait3A_16] : memref<10240x128xf32, #tpu.memory_space<hbm>> -> memref<10240x128xf32, #tpu.memory_space<hbm>>
      tpu.wait_indirect_dma semaphore(%arg7 : memref<!tpu.dma_semaphore, #tpu.memory_space<semaphore_mem>>) src(%arg6 : memref<80x128xf32, #tpu.memory_space<vmem>>) dst(%dma_wait3A_17 : memref<10240x128xf32, #tpu.memory_space<hbm>>)
      %scan3A_18 = arith.constant 0 : i32
      scf.yield %scan3A_18 : i32
    }
    %scan3A_8 = arith.constant 4 : i32
    return
  }
}

#map = affine_map<(d0, d1) -> (0, 0)>
#map1 = affine_map<(d0, d1) -> (0)>
#map2 = affine_map<(d0, d1) -> (0, 0, 0)>
module attributes {stable_mosaic.version = 14 : i64} {
  func.func @k(%arg0: i32, %arg1: i32, %arg2: memref<10000x128xf32, #tpu.memory_space<hbm>>, %arg3: memref<640000xi32, #tpu.memory_space<hbm>>, %arg4: memref<2x10000x128xf32, #tpu.memory_space<hbm>>, %arg5: memref<2x2x10000xf32, #tpu.memory_space<hbm>>, %arg6: memref<112xi32, #tpu.memory_space<vmem>>, %arg7: memref<112xi32, #tpu.memory_space<vmem>>, %arg8: memref<112xi32, #tpu.memory_space<vmem>>, %arg9: memref<112xi32, #tpu.memory_space<vmem>>, %arg10: memref<112xi32, #tpu.memory_space<vmem>>, %arg11: memref<32xi32, #tpu.memory_space<vmem>>, %arg12: memref<80xi32, #tpu.memory_space<vmem>>, %arg13: memref<112x128xf32, #tpu.memory_space<vmem>>, %arg14: memref<112x128xf32, #tpu.memory_space<vmem>>, %arg15: memref<10000xf32, #tpu.memory_space<vmem>>, %arg16: memref<10000xf32, #tpu.memory_space<vmem>>, %arg17: memref<10000x128xf32, #tpu.memory_space<vmem_shared>>, %arg18: memref<10000xf32, #tpu.memory_space<vmem_shared>>, %arg19: memref<10000xf32, #tpu.memory_space<vmem_shared>>, %arg20: memref<!tpu.dma_semaphore, #tpu.memory_space<semaphore_mem>>, %arg21: memref<!tpu.dma_semaphore, #tpu.memory_space<semaphore_mem>>, %arg22: memref<!tpu.dma_semaphore, #tpu.memory_space<semaphore_mem>>, %arg23: memref<!tpu.dma_semaphore, #tpu.memory_space<semaphore_mem>>, %arg24: memref<!tpu.dma_semaphore, #tpu.memory_space<semaphore_mem>>, %arg25: memref<!tpu.dma_semaphore, #tpu.memory_space<semaphore_mem>>) attributes {dimension_semantics = [#tpu.dimension_semantics<core_parallel>, #tpu.dimension_semantics<subcore_parallel>], iteration_bounds = array<i64: 2, 16>, scalar_prefetch = 0 : i64, scratch_operands = 20 : i64, tpu.core_type = #tpu.core_type<sc_vector_subcore>, window_params = [{transform_indices = #map}, {transform_indices = #map1}, {transform_indices = #map2}, {transform_indices = #map2}]} {
    %broadcast_in_dim3A = arith.constant 0.000000e+00 : f32
    %broadcast_in_dim3A_0 = vector.broadcast %broadcast_in_dim3A : f32 to vector<16xf32>
    %broadcast_in_dim3A_1 = arith.constant 1.000000e+00 : f32
    %broadcast_in_dim3A_2 = vector.broadcast %broadcast_in_dim3A_1 : f32 to vector<16xf32>
    %mul3A = arith.constant 2 : i32
    %mul3A_3 = arith.muli %arg1, %mul3A : i32
    %add3A = arith.addi %mul3A_3, %arg0 : i32
    %mul3A_4 = arith.constant 10000 : i32
    %mul3A_5 = arith.muli %add3A, %mul3A_4 : i32
    %add3A_6 = arith.constant 0 : i32
    %add3A_7 = arith.addi %mul3A_5, %add3A_6 : i32
    %multiple_of3A = tpu.assume_multiple %add3A_7, 8 : i32
    %dma_start3A = tpu.memref_slice %arg3[%multiple_of3A] : memref<640000xi32, #tpu.memory_space<hbm>> -> memref<112xi32, #tpu.memory_space<hbm>>
    %dma_start3A_8 = tpu.memref_slice %arg3[%multiple_of3A] : memref<640000xi32, #tpu.memory_space<hbm>> -> memref<112xi32, #tpu.memory_space<hbm>>
    tpu.enqueue_dma source(%dma_start3A_8 : memref<112xi32, #tpu.memory_space<hbm>>) target(%arg6 : memref<112xi32, #tpu.memory_space<vmem>>) target_semaphore(%arg20 : memref<!tpu.dma_semaphore, #tpu.memory_space<semaphore_mem>>)
    %add3A_9 = arith.constant 320000 : i32
    %add3A_10 = arith.addi %add3A_9, %multiple_of3A : i32
    %dma_start3A_11 = tpu.memref_slice %arg3[%add3A_10] : memref<640000xi32, #tpu.memory_space<hbm>> -> memref<112xi32, #tpu.memory_space<hbm>>
    %dma_start3A_12 = tpu.memref_slice %arg3[%add3A_10] : memref<640000xi32, #tpu.memory_space<hbm>> -> memref<112xi32, #tpu.memory_space<hbm>>
    tpu.enqueue_dma source(%dma_start3A_12 : memref<112xi32, #tpu.memory_space<hbm>>) target(%arg7 : memref<112xi32, #tpu.memory_space<vmem>>) target_semaphore(%arg20 : memref<!tpu.dma_semaphore, #tpu.memory_space<semaphore_mem>>)
    %mul3A_13 = arith.constant 10000 : i32
    %mul3A_14 = arith.muli %add3A, %mul3A_13 : i32
    %add3A_15 = arith.constant 112 : i32
    %add3A_16 = arith.addi %mul3A_14, %add3A_15 : i32
    %multiple_of3A_17 = tpu.assume_multiple %add3A_16, 8 : i32
    %dma_start3A_18 = tpu.memref_slice %arg3[%multiple_of3A_17] : memref<640000xi32, #tpu.memory_space<hbm>> -> memref<112xi32, #tpu.memory_space<hbm>>
    %dma_start3A_19 = tpu.memref_slice %arg3[%multiple_of3A_17] : memref<640000xi32, #tpu.memory_space<hbm>> -> memref<112xi32, #tpu.memory_space<hbm>>
    tpu.enqueue_dma source(%dma_start3A_19 : memref<112xi32, #tpu.memory_space<hbm>>) target(%arg8 : memref<112xi32, #tpu.memory_space<vmem>>) target_semaphore(%arg21 : memref<!tpu.dma_semaphore, #tpu.memory_space<semaphore_mem>>)
    %add3A_20 = arith.constant 320000 : i32
    %add3A_21 = arith.addi %add3A_20, %multiple_of3A_17 : i32
    %dma_start3A_22 = tpu.memref_slice %arg3[%add3A_21] : memref<640000xi32, #tpu.memory_space<hbm>> -> memref<112xi32, #tpu.memory_space<hbm>>
    %dma_start3A_23 = tpu.memref_slice %arg3[%add3A_21] : memref<640000xi32, #tpu.memory_space<hbm>> -> memref<112xi32, #tpu.memory_space<hbm>>
    tpu.enqueue_dma source(%dma_start3A_23 : memref<112xi32, #tpu.memory_space<hbm>>) target(%arg9 : memref<112xi32, #tpu.memory_space<vmem>>) target_semaphore(%arg21 : memref<!tpu.dma_semaphore, #tpu.memory_space<semaphore_mem>>)
    %scan3A = arith.constant 0 : i32
    %scan3A_24 = arith.constant 0 : i32
    %scan3A_25 = arith.constant 625 : i32
    %scan3A_26 = arith.addi %scan3A_24, %scan3A_25 : i32
    %scan3A_27 = arith.constant 1 : i32
    %scan3A_28 = scf.for %scan3A_214 = %scan3A_24 to %scan3A_26 step %scan3A_27 iter_args(%scan3A_215 = %scan3A) -> (i32)  : i32 {
      %mul3A_216 = arith.constant 16 : i32
      %mul3A_217 = arith.muli %scan3A_214, %mul3A_216 : i32
      %swap3A_218 = arith.index_cast %mul3A_217 : i32 to index
      %swap3A_219 = tpu.vector_load %arg15[%swap3A_218] {strides = array<i32>} : memref<10000xf32, #tpu.memory_space<vmem>>, vector<16xf32>,
      tpu.vector_store %arg15[%swap3A_218], %broadcast_in_dim3A_0 {strides = array<i32>} : memref<10000xf32, #tpu.memory_space<vmem>>, vector<16xf32>,
      %mul3A_220 = arith.constant 16 : i32
      %mul3A_221 = arith.muli %scan3A_214, %mul3A_220 : i32
      %swap3A_222 = arith.index_cast %mul3A_221 : i32 to index
      %swap3A_223 = tpu.vector_load %arg16[%swap3A_222] {strides = array<i32>} : memref<10000xf32, #tpu.memory_space<vmem>>, vector<16xf32>,
      tpu.vector_store %arg16[%swap3A_222], %broadcast_in_dim3A_0 {strides = array<i32>} : memref<10000xf32, #tpu.memory_space<vmem>>, vector<16xf32>,
      %scan3A_224 = arith.constant 0 : i32
      scf.yield %scan3A_224 : i32
    }
    %scan3A_29 = arith.constant 625 : i32
    %scan3A_30 = arith.constant 0 : i32
    %scan3A_31 = arith.constant 0 : i32
    %scan3A_32 = arith.constant 112 : i32
    %scan3A_33 = arith.addi %scan3A_31, %scan3A_32 : i32
    %scan3A_34 = arith.constant 1 : i32
    %scan3A_35 = scf.for %scan3A_214 = %scan3A_31 to %scan3A_33 step %scan3A_34 iter_args(%scan3A_215 = %scan3A_30) -> (i32)  : i32 {
      %swap3A_216 = arith.index_cast %scan3A_214 : i32 to index
      %swap3A_217 = arith.constant 0 : index
      %swap3A_218 = tpu.vector_load %arg13[%swap3A_216, %swap3A_217] {strides = array<i32>} : memref<112x128xf32, #tpu.memory_space<vmem>>, vector<16xf32>,
      tpu.vector_store %arg13[%swap3A_216, %swap3A_217], %broadcast_in_dim3A_0 {strides = array<i32>} : memref<112x128xf32, #tpu.memory_space<vmem>>, vector<16xf32>,
      %swap3A_219 = arith.index_cast %scan3A_214 : i32 to index
      %swap3A_220 = arith.constant 16 : index
      %swap3A_221 = tpu.vector_load %arg13[%swap3A_219, %swap3A_220] {strides = array<i32>} : memref<112x128xf32, #tpu.memory_space<vmem>>, vector<16xf32>,
      tpu.vector_store %arg13[%swap3A_219, %swap3A_220], %broadcast_in_dim3A_0 {strides = array<i32>} : memref<112x128xf32, #tpu.memory_space<vmem>>, vector<16xf32>,
      %swap3A_222 = arith.index_cast %scan3A_214 : i32 to index
      %swap3A_223 = arith.constant 32 : index
      %swap3A_224 = tpu.vector_load %arg13[%swap3A_222, %swap3A_223] {strides = array<i32>} : memref<112x128xf32, #tpu.memory_space<vmem>>, vector<16xf32>,
      tpu.vector_store %arg13[%swap3A_222, %swap3A_223], %broadcast_in_dim3A_0 {strides = array<i32>} : memref<112x128xf32, #tpu.memory_space<vmem>>, vector<16xf32>,
      %swap3A_225 = arith.index_cast %scan3A_214 : i32 to index
      %swap3A_226 = arith.constant 48 : index
      %swap3A_227 = tpu.vector_load %arg13[%swap3A_225, %swap3A_226] {strides = array<i32>} : memref<112x128xf32, #tpu.memory_space<vmem>>, vector<16xf32>,
      tpu.vector_store %arg13[%swap3A_225, %swap3A_226], %broadcast_in_dim3A_0 {strides = array<i32>} : memref<112x128xf32, #tpu.memory_space<vmem>>, vector<16xf32>,
      %swap3A_228 = arith.index_cast %scan3A_214 : i32 to index
      %swap3A_229 = arith.constant 64 : index
      %swap3A_230 = tpu.vector_load %arg13[%swap3A_228, %swap3A_229] {strides = array<i32>} : memref<112x128xf32, #tpu.memory_space<vmem>>, vector<16xf32>,
      tpu.vector_store %arg13[%swap3A_228, %swap3A_229], %broadcast_in_dim3A_0 {strides = array<i32>} : memref<112x128xf32, #tpu.memory_space<vmem>>, vector<16xf32>,
      %swap3A_231 = arith.index_cast %scan3A_214 : i32 to index
      %swap3A_232 = arith.constant 80 : index
      %swap3A_233 = tpu.vector_load %arg13[%swap3A_231, %swap3A_232] {strides = array<i32>} : memref<112x128xf32, #tpu.memory_space<vmem>>, vector<16xf32>,
      tpu.vector_store %arg13[%swap3A_231, %swap3A_232], %broadcast_in_dim3A_0 {strides = array<i32>} : memref<112x128xf32, #tpu.memory_space<vmem>>, vector<16xf32>,
      %swap3A_234 = arith.index_cast %scan3A_214 : i32 to index
      %swap3A_235 = arith.constant 96 : index
      %swap3A_236 = tpu.vector_load %arg13[%swap3A_234, %swap3A_235] {strides = array<i32>} : memref<112x128xf32, #tpu.memory_space<vmem>>, vector<16xf32>,
      tpu.vector_store %arg13[%swap3A_234, %swap3A_235], %broadcast_in_dim3A_0 {strides = array<i32>} : memref<112x128xf32, #tpu.memory_space<vmem>>, vector<16xf32>,
      %swap3A_237 = arith.index_cast %scan3A_214 : i32 to index
      %swap3A_238 = arith.constant 112 : index
      %swap3A_239 = tpu.vector_load %arg13[%swap3A_237, %swap3A_238] {strides = array<i32>} : memref<112x128xf32, #tpu.memory_space<vmem>>, vector<16xf32>,
      tpu.vector_store %arg13[%swap3A_237, %swap3A_238], %broadcast_in_dim3A_0 {strides = array<i32>} : memref<112x128xf32, #tpu.memory_space<vmem>>, vector<16xf32>,
      %scan3A_240 = arith.constant 0 : i32
      scf.yield %scan3A_240 : i32
    }
    %scan3A_36 = arith.constant 112 : i32
    %mul3A_37 = arith.constant 640 : i32
    %mul3A_38 = arith.muli %arg1, %mul3A_37 : i32
    %lt3A = arith.constant 15 : i32
    %lt3A_39 = arith.cmpi slt, %arg1, %lt3A : i32
    %convert_element_type3A = arith.extui %lt3A_39 : i1 to i32
    %cond3A = arith.constant 0 : i32
    %cond3A_40 = arith.cmpi ne, %convert_element_type3A, %cond3A : i32
    scf.if %cond3A_40 {
      %add3A_214 = arith.constant 0 : i32
      %add3A_215 = arith.addi %mul3A_38, %add3A_214 : i32
      "tpu.region"() ({
        %run_scoped3A = tpu.sem_alloc : memref<!tpu.dma_semaphore, #tpu.memory_space<semaphore_mem>>
        %dma_start3A_230 = arith.constant 0 : i32
        %dma_start3A_231 = arith.constant 0 : i32
        %dma_start3A_232 = tpu.memref_slice %arg13[%dma_start3A_230, %dma_start3A_231] : memref<112x128xf32, #tpu.memory_space<vmem>> -> memref<80x128xf32, #tpu.memory_space<vmem>>
        %dma_start3A_233 = arith.constant 0 : i32
        %dma_start3A_234 = tpu.memref_slice %arg17[%add3A_215, %dma_start3A_233] : memref<10000x128xf32, #tpu.memory_space<vmem_shared>> -> memref<80x128xf32, #tpu.memory_space<vmem_shared>>
        %dma_start3A_235 = arith.constant 0 : i32
        %dma_start3A_236 = tpu.memref_slice %arg17[%add3A_215, %dma_start3A_235] : memref<10000x128xf32, #tpu.memory_space<vmem_shared>> -> memref<80x128xf32, #tpu.memory_space<vmem_shared>>
        %dma_start3A_237 = arith.constant 0 : i32
        %dma_start3A_238 = arith.constant 0 : i32
        %dma_start3A_239 = tpu.memref_slice %arg13[%dma_start3A_237, %dma_start3A_238] : memref<112x128xf32, #tpu.memory_space<vmem>> -> memref<80x128xf32, #tpu.memory_space<vmem>>
        tpu.enqueue_dma source(%dma_start3A_239 : memref<80x128xf32, #tpu.memory_space<vmem>>) target(%dma_start3A_236 : memref<80x128xf32, #tpu.memory_space<vmem_shared>>) target_semaphore(%run_scoped3A : memref<!tpu.dma_semaphore, #tpu.memory_space<semaphore_mem>>)
        %dma_wait3A_240 = arith.constant 0 : i32
        %dma_wait3A_241 = arith.constant 0 : i32
        %dma_wait3A_242 = tpu.memref_slice %arg13[%dma_wait3A_240, %dma_wait3A_241] : memref<112x128xf32, #tpu.memory_space<vmem>> -> memref<80x128xf32, #tpu.memory_space<vmem>>
        %dma_wait3A_243 = arith.constant 0 : i32
        %dma_wait3A_244 = tpu.memref_slice %arg17[%add3A_215, %dma_wait3A_243] : memref<10000x128xf32, #tpu.memory_space<vmem_shared>> -> memref<80x128xf32, #tpu.memory_space<vmem_shared>>
        %dma_wait3A_245 = arith.constant 0 : i32
        %dma_wait3A_246 = tpu.memref_slice %arg17[%add3A_215, %dma_wait3A_245] : memref<10000x128xf32, #tpu.memory_space<vmem_shared>> -> memref<80x128xf32, #tpu.memory_space<vmem_shared>>
        %dma_wait3A_247 = arith.constant 0 : i32
        %dma_wait3A_248 = arith.constant 0 : i32
        %dma_wait3A_249 = tpu.memref_slice %arg13[%dma_wait3A_247, %dma_wait3A_248] : memref<112x128xf32, #tpu.memory_space<vmem>> -> memref<80x128xf32, #tpu.memory_space<vmem>>
        tpu.wait_dma2 semaphore(%run_scoped3A : memref<!tpu.dma_semaphore, #tpu.memory_space<semaphore_mem>>) src(%dma_wait3A_249 : memref<80x128xf32, #tpu.memory_space<vmem>>) dst(%dma_wait3A_246 : memref<80x128xf32, #tpu.memory_space<vmem_shared>>)
        tpu.yield
      }) : () -> ()
      %add3A_216 = arith.constant 80 : i32
      %add3A_217 = arith.addi %mul3A_38, %add3A_216 : i32
      "tpu.region"() ({
        %run_scoped3A = tpu.sem_alloc : memref<!tpu.dma_semaphore, #tpu.memory_space<semaphore_mem>>
        %dma_start3A_230 = arith.constant 0 : i32
        %dma_start3A_231 = arith.constant 0 : i32
        %dma_start3A_232 = tpu.memref_slice %arg13[%dma_start3A_230, %dma_start3A_231] : memref<112x128xf32, #tpu.memory_space<vmem>> -> memref<80x128xf32, #tpu.memory_space<vmem>>
        %dma_start3A_233 = arith.constant 0 : i32
        %dma_start3A_234 = tpu.memref_slice %arg17[%add3A_217, %dma_start3A_233] : memref<10000x128xf32, #tpu.memory_space<vmem_shared>> -> memref<80x128xf32, #tpu.memory_space<vmem_shared>>
        %dma_start3A_235 = arith.constant 0 : i32
        %dma_start3A_236 = tpu.memref_slice %arg17[%add3A_217, %dma_start3A_235] : memref<10000x128xf32, #tpu.memory_space<vmem_shared>> -> memref<80x128xf32, #tpu.memory_space<vmem_shared>>
        %dma_start3A_237 = arith.constant 0 : i32
        %dma_start3A_238 = arith.constant 0 : i32
        %dma_start3A_239 = tpu.memref_slice %arg13[%dma_start3A_237, %dma_start3A_238] : memref<112x128xf32, #tpu.memory_space<vmem>> -> memref<80x128xf32, #tpu.memory_space<vmem>>
        tpu.enqueue_dma source(%dma_start3A_239 : memref<80x128xf32, #tpu.memory_space<vmem>>) target(%dma_start3A_236 : memref<80x128xf32, #tpu.memory_space<vmem_shared>>) target_semaphore(%run_scoped3A : memref<!tpu.dma_semaphore, #tpu.memory_space<semaphore_mem>>)
        %dma_wait3A_240 = arith.constant 0 : i32
        %dma_wait3A_241 = arith.constant 0 : i32
        %dma_wait3A_242 = tpu.memref_slice %arg13[%dma_wait3A_240, %dma_wait3A_241] : memref<112x128xf32, #tpu.memory_space<vmem>> -> memref<80x128xf32, #tpu.memory_space<vmem>>
        %dma_wait3A_243 = arith.constant 0 : i32
        %dma_wait3A_244 = tpu.memref_slice %arg17[%add3A_217, %dma_wait3A_243] : memref<10000x128xf32, #tpu.memory_space<vmem_shared>> -> memref<80x128xf32, #tpu.memory_space<vmem_shared>>
        %dma_wait3A_245 = arith.constant 0 : i32
        %dma_wait3A_246 = tpu.memref_slice %arg17[%add3A_217, %dma_wait3A_245] : memref<10000x128xf32, #tpu.memory_space<vmem_shared>> -> memref<80x128xf32, #tpu.memory_space<vmem_shared>>
        %dma_wait3A_247 = arith.constant 0 : i32
        %dma_wait3A_248 = arith.constant 0 : i32
        %dma_wait3A_249 = tpu.memref_slice %arg13[%dma_wait3A_247, %dma_wait3A_248] : memref<112x128xf32, #tpu.memory_space<vmem>> -> memref<80x128xf32, #tpu.memory_space<vmem>>
        tpu.wait_dma2 semaphore(%run_scoped3A : memref<!tpu.dma_semaphore, #tpu.memory_space<semaphore_mem>>) src(%dma_wait3A_249 : memref<80x128xf32, #tpu.memory_space<vmem>>) dst(%dma_wait3A_246 : memref<80x128xf32, #tpu.memory_space<vmem_shared>>)
        tpu.yield
      }) : () -> ()
      %add3A_218 = arith.constant 160 : i32
      %add3A_219 = arith.addi %mul3A_38, %add3A_218 : i32
      "tpu.region"() ({
        %run_scoped3A = tpu.sem_alloc : memref<!tpu.dma_semaphore, #tpu.memory_space<semaphore_mem>>
        %dma_start3A_230 = arith.constant 0 : i32
        %dma_start3A_231 = arith.constant 0 : i32
        %dma_start3A_232 = tpu.memref_slice %arg13[%dma_start3A_230, %dma_start3A_231] : memref<112x128xf32, #tpu.memory_space<vmem>> -> memref<80x128xf32, #tpu.memory_space<vmem>>
        %dma_start3A_233 = arith.constant 0 : i32
        %dma_start3A_234 = tpu.memref_slice %arg17[%add3A_219, %dma_start3A_233] : memref<10000x128xf32, #tpu.memory_space<vmem_shared>> -> memref<80x128xf32, #tpu.memory_space<vmem_shared>>
        %dma_start3A_235 = arith.constant 0 : i32
        %dma_start3A_236 = tpu.memref_slice %arg17[%add3A_219, %dma_start3A_235] : memref<10000x128xf32, #tpu.memory_space<vmem_shared>> -> memref<80x128xf32, #tpu.memory_space<vmem_shared>>
        %dma_start3A_237 = arith.constant 0 : i32
        %dma_start3A_238 = arith.constant 0 : i32
        %dma_start3A_239 = tpu.memref_slice %arg13[%dma_start3A_237, %dma_start3A_238] : memref<112x128xf32, #tpu.memory_space<vmem>> -> memref<80x128xf32, #tpu.memory_space<vmem>>
        tpu.enqueue_dma source(%dma_start3A_239 : memref<80x128xf32, #tpu.memory_space<vmem>>) target(%dma_start3A_236 : memref<80x128xf32, #tpu.memory_space<vmem_shared>>) target_semaphore(%run_scoped3A : memref<!tpu.dma_semaphore, #tpu.memory_space<semaphore_mem>>)
        %dma_wait3A_240 = arith.constant 0 : i32
        %dma_wait3A_241 = arith.constant 0 : i32
        %dma_wait3A_242 = tpu.memref_slice %arg13[%dma_wait3A_240, %dma_wait3A_241] : memref<112x128xf32, #tpu.memory_space<vmem>> -> memref<80x128xf32, #tpu.memory_space<vmem>>
        %dma_wait3A_243 = arith.constant 0 : i32
        %dma_wait3A_244 = tpu.memref_slice %arg17[%add3A_219, %dma_wait3A_243] : memref<10000x128xf32, #tpu.memory_space<vmem_shared>> -> memref<80x128xf32, #tpu.memory_space<vmem_shared>>
        %dma_wait3A_245 = arith.constant 0 : i32
        %dma_wait3A_246 = tpu.memref_slice %arg17[%add3A_219, %dma_wait3A_245] : memref<10000x128xf32, #tpu.memory_space<vmem_shared>> -> memref<80x128xf32, #tpu.memory_space<vmem_shared>>
        %dma_wait3A_247 = arith.constant 0 : i32
        %dma_wait3A_248 = arith.constant 0 : i32
        %dma_wait3A_249 = tpu.memref_slice %arg13[%dma_wait3A_247, %dma_wait3A_248] : memref<112x128xf32, #tpu.memory_space<vmem>> -> memref<80x128xf32, #tpu.memory_space<vmem>>
        tpu.wait_dma2 semaphore(%run_scoped3A : memref<!tpu.dma_semaphore, #tpu.memory_space<semaphore_mem>>) src(%dma_wait3A_249 : memref<80x128xf32, #tpu.memory_space<vmem>>) dst(%dma_wait3A_246 : memref<80x128xf32, #tpu.memory_space<vmem_shared>>)
        tpu.yield
      }) : () -> ()
      %add3A_220 = arith.constant 240 : i32
      %add3A_221 = arith.addi %mul3A_38, %add3A_220 : i32
      "tpu.region"() ({
        %run_scoped3A = tpu.sem_alloc : memref<!tpu.dma_semaphore, #tpu.memory_space<semaphore_mem>>
        %dma_start3A_230 = arith.constant 0 : i32
        %dma_start3A_231 = arith.constant 0 : i32
        %dma_start3A_232 = tpu.memref_slice %arg13[%dma_start3A_230, %dma_start3A_231] : memref<112x128xf32, #tpu.memory_space<vmem>> -> memref<80x128xf32, #tpu.memory_space<vmem>>
        %dma_start3A_233 = arith.constant 0 : i32
        %dma_start3A_234 = tpu.memref_slice %arg17[%add3A_221, %dma_start3A_233] : memref<10000x128xf32, #tpu.memory_space<vmem_shared>> -> memref<80x128xf32, #tpu.memory_space<vmem_shared>>
        %dma_start3A_235 = arith.constant 0 : i32
        %dma_start3A_236 = tpu.memref_slice %arg17[%add3A_221, %dma_start3A_235] : memref<10000x128xf32, #tpu.memory_space<vmem_shared>> -> memref<80x128xf32, #tpu.memory_space<vmem_shared>>
        %dma_start3A_237 = arith.constant 0 : i32
        %dma_start3A_238 = arith.constant 0 : i32
        %dma_start3A_239 = tpu.memref_slice %arg13[%dma_start3A_237, %dma_start3A_238] : memref<112x128xf32, #tpu.memory_space<vmem>> -> memref<80x128xf32, #tpu.memory_space<vmem>>
        tpu.enqueue_dma source(%dma_start3A_239 : memref<80x128xf32, #tpu.memory_space<vmem>>) target(%dma_start3A_236 : memref<80x128xf32, #tpu.memory_space<vmem_shared>>) target_semaphore(%run_scoped3A : memref<!tpu.dma_semaphore, #tpu.memory_space<semaphore_mem>>)
        %dma_wait3A_240 = arith.constant 0 : i32
        %dma_wait3A_241 = arith.constant 0 : i32
        %dma_wait3A_242 = tpu.memref_slice %arg13[%dma_wait3A_240, %dma_wait3A_241] : memref<112x128xf32, #tpu.memory_space<vmem>> -> memref<80x128xf32, #tpu.memory_space<vmem>>
        %dma_wait3A_243 = arith.constant 0 : i32
        %dma_wait3A_244 = tpu.memref_slice %arg17[%add3A_221, %dma_wait3A_243] : memref<10000x128xf32, #tpu.memory_space<vmem_shared>> -> memref<80x128xf32, #tpu.memory_space<vmem_shared>>
        %dma_wait3A_245 = arith.constant 0 : i32
        %dma_wait3A_246 = tpu.memref_slice %arg17[%add3A_221, %dma_wait3A_245] : memref<10000x128xf32, #tpu.memory_space<vmem_shared>> -> memref<80x128xf32, #tpu.memory_space<vmem_shared>>
        %dma_wait3A_247 = arith.constant 0 : i32
        %dma_wait3A_248 = arith.constant 0 : i32
        %dma_wait3A_249 = tpu.memref_slice %arg13[%dma_wait3A_247, %dma_wait3A_248] : memref<112x128xf32, #tpu.memory_space<vmem>> -> memref<80x128xf32, #tpu.memory_space<vmem>>
        tpu.wait_dma2 semaphore(%run_scoped3A : memref<!tpu.dma_semaphore, #tpu.memory_space<semaphore_mem>>) src(%dma_wait3A_249 : memref<80x128xf32, #tpu.memory_space<vmem>>) dst(%dma_wait3A_246 : memref<80x128xf32, #tpu.memory_space<vmem_shared>>)
        tpu.yield
      }) : () -> ()
      %add3A_222 = arith.constant 320 : i32
      %add3A_223 = arith.addi %mul3A_38, %add3A_222 : i32
      "tpu.region"() ({
        %run_scoped3A = tpu.sem_alloc : memref<!tpu.dma_semaphore, #tpu.memory_space<semaphore_mem>>
        %dma_start3A_230 = arith.constant 0 : i32
        %dma_start3A_231 = arith.constant 0 : i32
        %dma_start3A_232 = tpu.memref_slice %arg13[%dma_start3A_230, %dma_start3A_231] : memref<112x128xf32, #tpu.memory_space<vmem>> -> memref<80x128xf32, #tpu.memory_space<vmem>>
        %dma_start3A_233 = arith.constant 0 : i32
        %dma_start3A_234 = tpu.memref_slice %arg17[%add3A_223, %dma_start3A_233] : memref<10000x128xf32, #tpu.memory_space<vmem_shared>> -> memref<80x128xf32, #tpu.memory_space<vmem_shared>>
        %dma_start3A_235 = arith.constant 0 : i32
        %dma_start3A_236 = tpu.memref_slice %arg17[%add3A_223, %dma_start3A_235] : memref<10000x128xf32, #tpu.memory_space<vmem_shared>> -> memref<80x128xf32, #tpu.memory_space<vmem_shared>>
        %dma_start3A_237 = arith.constant 0 : i32
        %dma_start3A_238 = arith.constant 0 : i32
        %dma_start3A_239 = tpu.memref_slice %arg13[%dma_start3A_237, %dma_start3A_238] : memref<112x128xf32, #tpu.memory_space<vmem>> -> memref<80x128xf32, #tpu.memory_space<vmem>>
        tpu.enqueue_dma source(%dma_start3A_239 : memref<80x128xf32, #tpu.memory_space<vmem>>) target(%dma_start3A_236 : memref<80x128xf32, #tpu.memory_space<vmem_shared>>) target_semaphore(%run_scoped3A : memref<!tpu.dma_semaphore, #tpu.memory_space<semaphore_mem>>)
        %dma_wait3A_240 = arith.constant 0 : i32
        %dma_wait3A_241 = arith.constant 0 : i32
        %dma_wait3A_242 = tpu.memref_slice %arg13[%dma_wait3A_240, %dma_wait3A_241] : memref<112x128xf32, #tpu.memory_space<vmem>> -> memref<80x128xf32, #tpu.memory_space<vmem>>
        %dma_wait3A_243 = arith.constant 0 : i32
        %dma_wait3A_244 = tpu.memref_slice %arg17[%add3A_223, %dma_wait3A_243] : memref<10000x128xf32, #tpu.memory_space<vmem_shared>> -> memref<80x128xf32, #tpu.memory_space<vmem_shared>>
        %dma_wait3A_245 = arith.constant 0 : i32
        %dma_wait3A_246 = tpu.memref_slice %arg17[%add3A_223, %dma_wait3A_245] : memref<10000x128xf32, #tpu.memory_space<vmem_shared>> -> memref<80x128xf32, #tpu.memory_space<vmem_shared>>
        %dma_wait3A_247 = arith.constant 0 : i32
        %dma_wait3A_248 = arith.constant 0 : i32
        %dma_wait3A_249 = tpu.memref_slice %arg13[%dma_wait3A_247, %dma_wait3A_248] : memref<112x128xf32, #tpu.memory_space<vmem>> -> memref<80x128xf32, #tpu.memory_space<vmem>>
        tpu.wait_dma2 semaphore(%run_scoped3A : memref<!tpu.dma_semaphore, #tpu.memory_space<semaphore_mem>>) src(%dma_wait3A_249 : memref<80x128xf32, #tpu.memory_space<vmem>>) dst(%dma_wait3A_246 : memref<80x128xf32, #tpu.memory_space<vmem_shared>>)
        tpu.yield
      }) : () -> ()
      %add3A_224 = arith.constant 400 : i32
      %add3A_225 = arith.addi %mul3A_38, %add3A_224 : i32
      "tpu.region"() ({
        %run_scoped3A = tpu.sem_alloc : memref<!tpu.dma_semaphore, #tpu.memory_space<semaphore_mem>>
        %dma_start3A_230 = arith.constant 0 : i32
        %dma_start3A_231 = arith.constant 0 : i32
        %dma_start3A_232 = tpu.memref_slice %arg13[%dma_start3A_230, %dma_start3A_231] : memref<112x128xf32, #tpu.memory_space<vmem>> -> memref<80x128xf32, #tpu.memory_space<vmem>>
        %dma_start3A_233 = arith.constant 0 : i32
        %dma_start3A_234 = tpu.memref_slice %arg17[%add3A_225, %dma_start3A_233] : memref<10000x128xf32, #tpu.memory_space<vmem_shared>> -> memref<80x128xf32, #tpu.memory_space<vmem_shared>>
        %dma_start3A_235 = arith.constant 0 : i32
        %dma_start3A_236 = tpu.memref_slice %arg17[%add3A_225, %dma_start3A_235] : memref<10000x128xf32, #tpu.memory_space<vmem_shared>> -> memref<80x128xf32, #tpu.memory_space<vmem_shared>>
        %dma_start3A_237 = arith.constant 0 : i32
        %dma_start3A_238 = arith.constant 0 : i32
        %dma_start3A_239 = tpu.memref_slice %arg13[%dma_start3A_237, %dma_start3A_238] : memref<112x128xf32, #tpu.memory_space<vmem>> -> memref<80x128xf32, #tpu.memory_space<vmem>>
        tpu.enqueue_dma source(%dma_start3A_239 : memref<80x128xf32, #tpu.memory_space<vmem>>) target(%dma_start3A_236 : memref<80x128xf32, #tpu.memory_space<vmem_shared>>) target_semaphore(%run_scoped3A : memref<!tpu.dma_semaphore, #tpu.memory_space<semaphore_mem>>)
        %dma_wait3A_240 = arith.constant 0 : i32
        %dma_wait3A_241 = arith.constant 0 : i32
        %dma_wait3A_242 = tpu.memref_slice %arg13[%dma_wait3A_240, %dma_wait3A_241] : memref<112x128xf32, #tpu.memory_space<vmem>> -> memref<80x128xf32, #tpu.memory_space<vmem>>
        %dma_wait3A_243 = arith.constant 0 : i32
        %dma_wait3A_244 = tpu.memref_slice %arg17[%add3A_225, %dma_wait3A_243] : memref<10000x128xf32, #tpu.memory_space<vmem_shared>> -> memref<80x128xf32, #tpu.memory_space<vmem_shared>>
        %dma_wait3A_245 = arith.constant 0 : i32
        %dma_wait3A_246 = tpu.memref_slice %arg17[%add3A_225, %dma_wait3A_245] : memref<10000x128xf32, #tpu.memory_space<vmem_shared>> -> memref<80x128xf32, #tpu.memory_space<vmem_shared>>
        %dma_wait3A_247 = arith.constant 0 : i32
        %dma_wait3A_248 = arith.constant 0 : i32
        %dma_wait3A_249 = tpu.memref_slice %arg13[%dma_wait3A_247, %dma_wait3A_248] : memref<112x128xf32, #tpu.memory_space<vmem>> -> memref<80x128xf32, #tpu.memory_space<vmem>>
        tpu.wait_dma2 semaphore(%run_scoped3A : memref<!tpu.dma_semaphore, #tpu.memory_space<semaphore_mem>>) src(%dma_wait3A_249 : memref<80x128xf32, #tpu.memory_space<vmem>>) dst(%dma_wait3A_246 : memref<80x128xf32, #tpu.memory_space<vmem_shared>>)
        tpu.yield
      }) : () -> ()
      %add3A_226 = arith.constant 480 : i32
      %add3A_227 = arith.addi %mul3A_38, %add3A_226 : i32
      "tpu.region"() ({
        %run_scoped3A = tpu.sem_alloc : memref<!tpu.dma_semaphore, #tpu.memory_space<semaphore_mem>>
        %dma_start3A_230 = arith.constant 0 : i32
        %dma_start3A_231 = arith.constant 0 : i32
        %dma_start3A_232 = tpu.memref_slice %arg13[%dma_start3A_230, %dma_start3A_231] : memref<112x128xf32, #tpu.memory_space<vmem>> -> memref<80x128xf32, #tpu.memory_space<vmem>>
        %dma_start3A_233 = arith.constant 0 : i32
        %dma_start3A_234 = tpu.memref_slice %arg17[%add3A_227, %dma_start3A_233] : memref<10000x128xf32, #tpu.memory_space<vmem_shared>> -> memref<80x128xf32, #tpu.memory_space<vmem_shared>>
        %dma_start3A_235 = arith.constant 0 : i32
        %dma_start3A_236 = tpu.memref_slice %arg17[%add3A_227, %dma_start3A_235] : memref<10000x128xf32, #tpu.memory_space<vmem_shared>> -> memref<80x128xf32, #tpu.memory_space<vmem_shared>>
        %dma_start3A_237 = arith.constant 0 : i32
        %dma_start3A_238 = arith.constant 0 : i32
        %dma_start3A_239 = tpu.memref_slice %arg13[%dma_start3A_237, %dma_start3A_238] : memref<112x128xf32, #tpu.memory_space<vmem>> -> memref<80x128xf32, #tpu.memory_space<vmem>>
        tpu.enqueue_dma source(%dma_start3A_239 : memref<80x128xf32, #tpu.memory_space<vmem>>) target(%dma_start3A_236 : memref<80x128xf32, #tpu.memory_space<vmem_shared>>) target_semaphore(%run_scoped3A : memref<!tpu.dma_semaphore, #tpu.memory_space<semaphore_mem>>)
        %dma_wait3A_240 = arith.constant 0 : i32
        %dma_wait3A_241 = arith.constant 0 : i32
        %dma_wait3A_242 = tpu.memref_slice %arg13[%dma_wait3A_240, %dma_wait3A_241] : memref<112x128xf32, #tpu.memory_space<vmem>> -> memref<80x128xf32, #tpu.memory_space<vmem>>
        %dma_wait3A_243 = arith.constant 0 : i32
        %dma_wait3A_244 = tpu.memref_slice %arg17[%add3A_227, %dma_wait3A_243] : memref<10000x128xf32, #tpu.memory_space<vmem_shared>> -> memref<80x128xf32, #tpu.memory_space<vmem_shared>>
        %dma_wait3A_245 = arith.constant 0 : i32
        %dma_wait3A_246 = tpu.memref_slice %arg17[%add3A_227, %dma_wait3A_245] : memref<10000x128xf32, #tpu.memory_space<vmem_shared>> -> memref<80x128xf32, #tpu.memory_space<vmem_shared>>
        %dma_wait3A_247 = arith.constant 0 : i32
        %dma_wait3A_248 = arith.constant 0 : i32
        %dma_wait3A_249 = tpu.memref_slice %arg13[%dma_wait3A_247, %dma_wait3A_248] : memref<112x128xf32, #tpu.memory_space<vmem>> -> memref<80x128xf32, #tpu.memory_space<vmem>>
        tpu.wait_dma2 semaphore(%run_scoped3A : memref<!tpu.dma_semaphore, #tpu.memory_space<semaphore_mem>>) src(%dma_wait3A_249 : memref<80x128xf32, #tpu.memory_space<vmem>>) dst(%dma_wait3A_246 : memref<80x128xf32, #tpu.memory_space<vmem_shared>>)
        tpu.yield
      }) : () -> ()
      %add3A_228 = arith.constant 560 : i32
      %add3A_229 = arith.addi %mul3A_38, %add3A_228 : i32
      "tpu.region"() ({
        %run_scoped3A = tpu.sem_alloc : memref<!tpu.dma_semaphore, #tpu.memory_space<semaphore_mem>>
        %dma_start3A_230 = arith.constant 0 : i32
        %dma_start3A_231 = arith.constant 0 : i32
        %dma_start3A_232 = tpu.memref_slice %arg13[%dma_start3A_230, %dma_start3A_231] : memref<112x128xf32, #tpu.memory_space<vmem>> -> memref<80x128xf32, #tpu.memory_space<vmem>>
        %dma_start3A_233 = arith.constant 0 : i32
        %dma_start3A_234 = tpu.memref_slice %arg17[%add3A_229, %dma_start3A_233] : memref<10000x128xf32, #tpu.memory_space<vmem_shared>> -> memref<80x128xf32, #tpu.memory_space<vmem_shared>>
        %dma_start3A_235 = arith.constant 0 : i32
        %dma_start3A_236 = tpu.memref_slice %arg17[%add3A_229, %dma_start3A_235] : memref<10000x128xf32, #tpu.memory_space<vmem_shared>> -> memref<80x128xf32, #tpu.memory_space<vmem_shared>>
        %dma_start3A_237 = arith.constant 0 : i32
        %dma_start3A_238 = arith.constant 0 : i32
        %dma_start3A_239 = tpu.memref_slice %arg13[%dma_start3A_237, %dma_start3A_238] : memref<112x128xf32, #tpu.memory_space<vmem>> -> memref<80x128xf32, #tpu.memory_space<vmem>>
        tpu.enqueue_dma source(%dma_start3A_239 : memref<80x128xf32, #tpu.memory_space<vmem>>) target(%dma_start3A_236 : memref<80x128xf32, #tpu.memory_space<vmem_shared>>) target_semaphore(%run_scoped3A : memref<!tpu.dma_semaphore, #tpu.memory_space<semaphore_mem>>)
        %dma_wait3A_240 = arith.constant 0 : i32
        %dma_wait3A_241 = arith.constant 0 : i32
        %dma_wait3A_242 = tpu.memref_slice %arg13[%dma_wait3A_240, %dma_wait3A_241] : memref<112x128xf32, #tpu.memory_space<vmem>> -> memref<80x128xf32, #tpu.memory_space<vmem>>
        %dma_wait3A_243 = arith.constant 0 : i32
        %dma_wait3A_244 = tpu.memref_slice %arg17[%add3A_229, %dma_wait3A_243] : memref<10000x128xf32, #tpu.memory_space<vmem_shared>> -> memref<80x128xf32, #tpu.memory_space<vmem_shared>>
        %dma_wait3A_245 = arith.constant 0 : i32
        %dma_wait3A_246 = tpu.memref_slice %arg17[%add3A_229, %dma_wait3A_245] : memref<10000x128xf32, #tpu.memory_space<vmem_shared>> -> memref<80x128xf32, #tpu.memory_space<vmem_shared>>
        %dma_wait3A_247 = arith.constant 0 : i32
        %dma_wait3A_248 = arith.constant 0 : i32
        %dma_wait3A_249 = tpu.memref_slice %arg13[%dma_wait3A_247, %dma_wait3A_248] : memref<112x128xf32, #tpu.memory_space<vmem>> -> memref<80x128xf32, #tpu.memory_space<vmem>>
        tpu.wait_dma2 semaphore(%run_scoped3A : memref<!tpu.dma_semaphore, #tpu.memory_space<semaphore_mem>>) src(%dma_wait3A_249 : memref<80x128xf32, #tpu.memory_space<vmem>>) dst(%dma_wait3A_246 : memref<80x128xf32, #tpu.memory_space<vmem_shared>>)
        tpu.yield
      }) : () -> ()
    } else {
    }
    %eq3A = arith.constant 15 : i32
    %eq3A_41 = arith.cmpi eq, %arg1, %eq3A : i32
    %convert_element_type3A_42 = arith.extui %eq3A_41 : i1 to i32
    %cond3A_43 = arith.constant 0 : i32
    %cond3A_44 = arith.cmpi ne, %convert_element_type3A_42, %cond3A_43 : i32
    scf.if %cond3A_44 {
      %add3A_214 = arith.constant 0 : i32
      %add3A_215 = arith.addi %mul3A_38, %add3A_214 : i32
      "tpu.region"() ({
        %run_scoped3A = tpu.sem_alloc : memref<!tpu.dma_semaphore, #tpu.memory_space<semaphore_mem>>
        %dma_start3A_224 = arith.constant 0 : i32
        %dma_start3A_225 = arith.constant 0 : i32
        %dma_start3A_226 = tpu.memref_slice %arg13[%dma_start3A_224, %dma_start3A_225] : memref<112x128xf32, #tpu.memory_space<vmem>> -> memref<80x128xf32, #tpu.memory_space<vmem>>
        %dma_start3A_227 = arith.constant 0 : i32
        %dma_start3A_228 = tpu.memref_slice %arg17[%add3A_215, %dma_start3A_227] : memref<10000x128xf32, #tpu.memory_space<vmem_shared>> -> memref<80x128xf32, #tpu.memory_space<vmem_shared>>
        %dma_start3A_229 = arith.constant 0 : i32
        %dma_start3A_230 = tpu.memref_slice %arg17[%add3A_215, %dma_start3A_229] : memref<10000x128xf32, #tpu.memory_space<vmem_shared>> -> memref<80x128xf32, #tpu.memory_space<vmem_shared>>
        %dma_start3A_231 = arith.constant 0 : i32
        %dma_start3A_232 = arith.constant 0 : i32
        %dma_start3A_233 = tpu.memref_slice %arg13[%dma_start3A_231, %dma_start3A_232] : memref<112x128xf32, #tpu.memory_space<vmem>> -> memref<80x128xf32, #tpu.memory_space<vmem>>
        tpu.enqueue_dma source(%dma_start3A_233 : memref<80x128xf32, #tpu.memory_space<vmem>>) target(%dma_start3A_230 : memref<80x128xf32, #tpu.memory_space<vmem_shared>>) target_semaphore(%run_scoped3A : memref<!tpu.dma_semaphore, #tpu.memory_space<semaphore_mem>>)
        %dma_wait3A_234 = arith.constant 0 : i32
        %dma_wait3A_235 = arith.constant 0 : i32
        %dma_wait3A_236 = tpu.memref_slice %arg13[%dma_wait3A_234, %dma_wait3A_235] : memref<112x128xf32, #tpu.memory_space<vmem>> -> memref<80x128xf32, #tpu.memory_space<vmem>>
        %dma_wait3A_237 = arith.constant 0 : i32
        %dma_wait3A_238 = tpu.memref_slice %arg17[%add3A_215, %dma_wait3A_237] : memref<10000x128xf32, #tpu.memory_space<vmem_shared>> -> memref<80x128xf32, #tpu.memory_space<vmem_shared>>
        %dma_wait3A_239 = arith.constant 0 : i32
        %dma_wait3A_240 = tpu.memref_slice %arg17[%add3A_215, %dma_wait3A_239] : memref<10000x128xf32, #tpu.memory_space<vmem_shared>> -> memref<80x128xf32, #tpu.memory_space<vmem_shared>>
        %dma_wait3A_241 = arith.constant 0 : i32
        %dma_wait3A_242 = arith.constant 0 : i32
        %dma_wait3A_243 = tpu.memref_slice %arg13[%dma_wait3A_241, %dma_wait3A_242] : memref<112x128xf32, #tpu.memory_space<vmem>> -> memref<80x128xf32, #tpu.memory_space<vmem>>
        tpu.wait_dma2 semaphore(%run_scoped3A : memref<!tpu.dma_semaphore, #tpu.memory_space<semaphore_mem>>) src(%dma_wait3A_243 : memref<80x128xf32, #tpu.memory_space<vmem>>) dst(%dma_wait3A_240 : memref<80x128xf32, #tpu.memory_space<vmem_shared>>)
        tpu.yield
      }) : () -> ()
      %add3A_216 = arith.constant 80 : i32
      %add3A_217 = arith.addi %mul3A_38, %add3A_216 : i32
      "tpu.region"() ({
        %run_scoped3A = tpu.sem_alloc : memref<!tpu.dma_semaphore, #tpu.memory_space<semaphore_mem>>
        %dma_start3A_224 = arith.constant 0 : i32
        %dma_start3A_225 = arith.constant 0 : i32
        %dma_start3A_226 = tpu.memref_slice %arg13[%dma_start3A_224, %dma_start3A_225] : memref<112x128xf32, #tpu.memory_space<vmem>> -> memref<80x128xf32, #tpu.memory_space<vmem>>
        %dma_start3A_227 = arith.constant 0 : i32
        %dma_start3A_228 = tpu.memref_slice %arg17[%add3A_217, %dma_start3A_227] : memref<10000x128xf32, #tpu.memory_space<vmem_shared>> -> memref<80x128xf32, #tpu.memory_space<vmem_shared>>
        %dma_start3A_229 = arith.constant 0 : i32
        %dma_start3A_230 = tpu.memref_slice %arg17[%add3A_217, %dma_start3A_229] : memref<10000x128xf32, #tpu.memory_space<vmem_shared>> -> memref<80x128xf32, #tpu.memory_space<vmem_shared>>
        %dma_start3A_231 = arith.constant 0 : i32
        %dma_start3A_232 = arith.constant 0 : i32
        %dma_start3A_233 = tpu.memref_slice %arg13[%dma_start3A_231, %dma_start3A_232] : memref<112x128xf32, #tpu.memory_space<vmem>> -> memref<80x128xf32, #tpu.memory_space<vmem>>
        tpu.enqueue_dma source(%dma_start3A_233 : memref<80x128xf32, #tpu.memory_space<vmem>>) target(%dma_start3A_230 : memref<80x128xf32, #tpu.memory_space<vmem_shared>>) target_semaphore(%run_scoped3A : memref<!tpu.dma_semaphore, #tpu.memory_space<semaphore_mem>>)
        %dma_wait3A_234 = arith.constant 0 : i32
        %dma_wait3A_235 = arith.constant 0 : i32
        %dma_wait3A_236 = tpu.memref_slice %arg13[%dma_wait3A_234, %dma_wait3A_235] : memref<112x128xf32, #tpu.memory_space<vmem>> -> memref<80x128xf32, #tpu.memory_space<vmem>>
        %dma_wait3A_237 = arith.constant 0 : i32
        %dma_wait3A_238 = tpu.memref_slice %arg17[%add3A_217, %dma_wait3A_237] : memref<10000x128xf32, #tpu.memory_space<vmem_shared>> -> memref<80x128xf32, #tpu.memory_space<vmem_shared>>
        %dma_wait3A_239 = arith.constant 0 : i32
        %dma_wait3A_240 = tpu.memref_slice %arg17[%add3A_217, %dma_wait3A_239] : memref<10000x128xf32, #tpu.memory_space<vmem_shared>> -> memref<80x128xf32, #tpu.memory_space<vmem_shared>>
        %dma_wait3A_241 = arith.constant 0 : i32
        %dma_wait3A_242 = arith.constant 0 : i32
        %dma_wait3A_243 = tpu.memref_slice %arg13[%dma_wait3A_241, %dma_wait3A_242] : memref<112x128xf32, #tpu.memory_space<vmem>> -> memref<80x128xf32, #tpu.memory_space<vmem>>
        tpu.wait_dma2 semaphore(%run_scoped3A : memref<!tpu.dma_semaphore, #tpu.memory_space<semaphore_mem>>) src(%dma_wait3A_243 : memref<80x128xf32, #tpu.memory_space<vmem>>) dst(%dma_wait3A_240 : memref<80x128xf32, #tpu.memory_space<vmem_shared>>)
        tpu.yield
      }) : () -> ()
      %add3A_218 = arith.constant 160 : i32
      %add3A_219 = arith.addi %mul3A_38, %add3A_218 : i32
      "tpu.region"() ({
        %run_scoped3A = tpu.sem_alloc : memref<!tpu.dma_semaphore, #tpu.memory_space<semaphore_mem>>
        %dma_start3A_224 = arith.constant 0 : i32
        %dma_start3A_225 = arith.constant 0 : i32
        %dma_start3A_226 = tpu.memref_slice %arg13[%dma_start3A_224, %dma_start3A_225] : memref<112x128xf32, #tpu.memory_space<vmem>> -> memref<80x128xf32, #tpu.memory_space<vmem>>
        %dma_start3A_227 = arith.constant 0 : i32
        %dma_start3A_228 = tpu.memref_slice %arg17[%add3A_219, %dma_start3A_227] : memref<10000x128xf32, #tpu.memory_space<vmem_shared>> -> memref<80x128xf32, #tpu.memory_space<vmem_shared>>
        %dma_start3A_229 = arith.constant 0 : i32
        %dma_start3A_230 = tpu.memref_slice %arg17[%add3A_219, %dma_start3A_229] : memref<10000x128xf32, #tpu.memory_space<vmem_shared>> -> memref<80x128xf32, #tpu.memory_space<vmem_shared>>
        %dma_start3A_231 = arith.constant 0 : i32
        %dma_start3A_232 = arith.constant 0 : i32
        %dma_start3A_233 = tpu.memref_slice %arg13[%dma_start3A_231, %dma_start3A_232] : memref<112x128xf32, #tpu.memory_space<vmem>> -> memref<80x128xf32, #tpu.memory_space<vmem>>
        tpu.enqueue_dma source(%dma_start3A_233 : memref<80x128xf32, #tpu.memory_space<vmem>>) target(%dma_start3A_230 : memref<80x128xf32, #tpu.memory_space<vmem_shared>>) target_semaphore(%run_scoped3A : memref<!tpu.dma_semaphore, #tpu.memory_space<semaphore_mem>>)
        %dma_wait3A_234 = arith.constant 0 : i32
        %dma_wait3A_235 = arith.constant 0 : i32
        %dma_wait3A_236 = tpu.memref_slice %arg13[%dma_wait3A_234, %dma_wait3A_235] : memref<112x128xf32, #tpu.memory_space<vmem>> -> memref<80x128xf32, #tpu.memory_space<vmem>>
        %dma_wait3A_237 = arith.constant 0 : i32
        %dma_wait3A_238 = tpu.memref_slice %arg17[%add3A_219, %dma_wait3A_237] : memref<10000x128xf32, #tpu.memory_space<vmem_shared>> -> memref<80x128xf32, #tpu.memory_space<vmem_shared>>
        %dma_wait3A_239 = arith.constant 0 : i32
        %dma_wait3A_240 = tpu.memref_slice %arg17[%add3A_219, %dma_wait3A_239] : memref<10000x128xf32, #tpu.memory_space<vmem_shared>> -> memref<80x128xf32, #tpu.memory_space<vmem_shared>>
        %dma_wait3A_241 = arith.constant 0 : i32
        %dma_wait3A_242 = arith.constant 0 : i32
        %dma_wait3A_243 = tpu.memref_slice %arg13[%dma_wait3A_241, %dma_wait3A_242] : memref<112x128xf32, #tpu.memory_space<vmem>> -> memref<80x128xf32, #tpu.memory_space<vmem>>
        tpu.wait_dma2 semaphore(%run_scoped3A : memref<!tpu.dma_semaphore, #tpu.memory_space<semaphore_mem>>) src(%dma_wait3A_243 : memref<80x128xf32, #tpu.memory_space<vmem>>) dst(%dma_wait3A_240 : memref<80x128xf32, #tpu.memory_space<vmem_shared>>)
        tpu.yield
      }) : () -> ()
      %add3A_220 = arith.constant 240 : i32
      %add3A_221 = arith.addi %mul3A_38, %add3A_220 : i32
      "tpu.region"() ({
        %run_scoped3A = tpu.sem_alloc : memref<!tpu.dma_semaphore, #tpu.memory_space<semaphore_mem>>
        %dma_start3A_224 = arith.constant 0 : i32
        %dma_start3A_225 = arith.constant 0 : i32
        %dma_start3A_226 = tpu.memref_slice %arg13[%dma_start3A_224, %dma_start3A_225] : memref<112x128xf32, #tpu.memory_space<vmem>> -> memref<80x128xf32, #tpu.memory_space<vmem>>
        %dma_start3A_227 = arith.constant 0 : i32
        %dma_start3A_228 = tpu.memref_slice %arg17[%add3A_221, %dma_start3A_227] : memref<10000x128xf32, #tpu.memory_space<vmem_shared>> -> memref<80x128xf32, #tpu.memory_space<vmem_shared>>
        %dma_start3A_229 = arith.constant 0 : i32
        %dma_start3A_230 = tpu.memref_slice %arg17[%add3A_221, %dma_start3A_229] : memref<10000x128xf32, #tpu.memory_space<vmem_shared>> -> memref<80x128xf32, #tpu.memory_space<vmem_shared>>
        %dma_start3A_231 = arith.constant 0 : i32
        %dma_start3A_232 = arith.constant 0 : i32
        %dma_start3A_233 = tpu.memref_slice %arg13[%dma_start3A_231, %dma_start3A_232] : memref<112x128xf32, #tpu.memory_space<vmem>> -> memref<80x128xf32, #tpu.memory_space<vmem>>
        tpu.enqueue_dma source(%dma_start3A_233 : memref<80x128xf32, #tpu.memory_space<vmem>>) target(%dma_start3A_230 : memref<80x128xf32, #tpu.memory_space<vmem_shared>>) target_semaphore(%run_scoped3A : memref<!tpu.dma_semaphore, #tpu.memory_space<semaphore_mem>>)
        %dma_wait3A_234 = arith.constant 0 : i32
        %dma_wait3A_235 = arith.constant 0 : i32
        %dma_wait3A_236 = tpu.memref_slice %arg13[%dma_wait3A_234, %dma_wait3A_235] : memref<112x128xf32, #tpu.memory_space<vmem>> -> memref<80x128xf32, #tpu.memory_space<vmem>>
        %dma_wait3A_237 = arith.constant 0 : i32
        %dma_wait3A_238 = tpu.memref_slice %arg17[%add3A_221, %dma_wait3A_237] : memref<10000x128xf32, #tpu.memory_space<vmem_shared>> -> memref<80x128xf32, #tpu.memory_space<vmem_shared>>
        %dma_wait3A_239 = arith.constant 0 : i32
        %dma_wait3A_240 = tpu.memref_slice %arg17[%add3A_221, %dma_wait3A_239] : memref<10000x128xf32, #tpu.memory_space<vmem_shared>> -> memref<80x128xf32, #tpu.memory_space<vmem_shared>>
        %dma_wait3A_241 = arith.constant 0 : i32
        %dma_wait3A_242 = arith.constant 0 : i32
        %dma_wait3A_243 = tpu.memref_slice %arg13[%dma_wait3A_241, %dma_wait3A_242] : memref<112x128xf32, #tpu.memory_space<vmem>> -> memref<80x128xf32, #tpu.memory_space<vmem>>
        tpu.wait_dma2 semaphore(%run_scoped3A : memref<!tpu.dma_semaphore, #tpu.memory_space<semaphore_mem>>) src(%dma_wait3A_243 : memref<80x128xf32, #tpu.memory_space<vmem>>) dst(%dma_wait3A_240 : memref<80x128xf32, #tpu.memory_space<vmem_shared>>)
        tpu.yield
      }) : () -> ()
      %add3A_222 = arith.constant 320 : i32
      %add3A_223 = arith.addi %mul3A_38, %add3A_222 : i32
      "tpu.region"() ({
        %run_scoped3A = tpu.sem_alloc : memref<!tpu.dma_semaphore, #tpu.memory_space<semaphore_mem>>
        %dma_start3A_224 = arith.constant 0 : i32
        %dma_start3A_225 = arith.constant 0 : i32
        %dma_start3A_226 = tpu.memref_slice %arg13[%dma_start3A_224, %dma_start3A_225] : memref<112x128xf32, #tpu.memory_space<vmem>> -> memref<80x128xf32, #tpu.memory_space<vmem>>
        %dma_start3A_227 = arith.constant 0 : i32
        %dma_start3A_228 = tpu.memref_slice %arg17[%add3A_223, %dma_start3A_227] : memref<10000x128xf32, #tpu.memory_space<vmem_shared>> -> memref<80x128xf32, #tpu.memory_space<vmem_shared>>
        %dma_start3A_229 = arith.constant 0 : i32
        %dma_start3A_230 = tpu.memref_slice %arg17[%add3A_223, %dma_start3A_229] : memref<10000x128xf32, #tpu.memory_space<vmem_shared>> -> memref<80x128xf32, #tpu.memory_space<vmem_shared>>
        %dma_start3A_231 = arith.constant 0 : i32
        %dma_start3A_232 = arith.constant 0 : i32
        %dma_start3A_233 = tpu.memref_slice %arg13[%dma_start3A_231, %dma_start3A_232] : memref<112x128xf32, #tpu.memory_space<vmem>> -> memref<80x128xf32, #tpu.memory_space<vmem>>
        tpu.enqueue_dma source(%dma_start3A_233 : memref<80x128xf32, #tpu.memory_space<vmem>>) target(%dma_start3A_230 : memref<80x128xf32, #tpu.memory_space<vmem_shared>>) target_semaphore(%run_scoped3A : memref<!tpu.dma_semaphore, #tpu.memory_space<semaphore_mem>>)
        %dma_wait3A_234 = arith.constant 0 : i32
        %dma_wait3A_235 = arith.constant 0 : i32
        %dma_wait3A_236 = tpu.memref_slice %arg13[%dma_wait3A_234, %dma_wait3A_235] : memref<112x128xf32, #tpu.memory_space<vmem>> -> memref<80x128xf32, #tpu.memory_space<vmem>>
        %dma_wait3A_237 = arith.constant 0 : i32
        %dma_wait3A_238 = tpu.memref_slice %arg17[%add3A_223, %dma_wait3A_237] : memref<10000x128xf32, #tpu.memory_space<vmem_shared>> -> memref<80x128xf32, #tpu.memory_space<vmem_shared>>
        %dma_wait3A_239 = arith.constant 0 : i32
        %dma_wait3A_240 = tpu.memref_slice %arg17[%add3A_223, %dma_wait3A_239] : memref<10000x128xf32, #tpu.memory_space<vmem_shared>> -> memref<80x128xf32, #tpu.memory_space<vmem_shared>>
        %dma_wait3A_241 = arith.constant 0 : i32
        %dma_wait3A_242 = arith.constant 0 : i32
        %dma_wait3A_243 = tpu.memref_slice %arg13[%dma_wait3A_241, %dma_wait3A_242] : memref<112x128xf32, #tpu.memory_space<vmem>> -> memref<80x128xf32, #tpu.memory_space<vmem>>
        tpu.wait_dma2 semaphore(%run_scoped3A : memref<!tpu.dma_semaphore, #tpu.memory_space<semaphore_mem>>) src(%dma_wait3A_243 : memref<80x128xf32, #tpu.memory_space<vmem>>) dst(%dma_wait3A_240 : memref<80x128xf32, #tpu.memory_space<vmem_shared>>)
        tpu.yield
      }) : () -> ()
    } else {
    }
    %eq3A_45 = arith.constant 0 : i32
    %eq3A_46 = arith.cmpi eq, %arg1, %eq3A_45 : i32
    %convert_element_type3A_47 = arith.extui %eq3A_46 : i1 to i32
    %cond3A_48 = arith.constant 0 : i32
    %cond3A_49 = arith.cmpi ne, %convert_element_type3A_47, %cond3A_48 : i32
    scf.if %cond3A_49 {
      "tpu.region"() ({
        %run_scoped3A = tpu.sem_alloc : memref<!tpu.dma_semaphore, #tpu.memory_space<semaphore_mem>>
        tpu.enqueue_dma source(%arg15 : memref<10000xf32, #tpu.memory_space<vmem>>) target(%arg18 : memref<10000xf32, #tpu.memory_space<vmem_shared>>) target_semaphore(%run_scoped3A : memref<!tpu.dma_semaphore, #tpu.memory_space<semaphore_mem>>)
        tpu.wait_dma2 semaphore(%run_scoped3A : memref<!tpu.dma_semaphore, #tpu.memory_space<semaphore_mem>>) src(%arg15 : memref<10000xf32, #tpu.memory_space<vmem>>) dst(%arg18 : memref<10000xf32, #tpu.memory_space<vmem_shared>>)
        tpu.yield
      }) : () -> ()
      "tpu.region"() ({
        %run_scoped3A = tpu.sem_alloc : memref<!tpu.dma_semaphore, #tpu.memory_space<semaphore_mem>>
        tpu.enqueue_dma source(%arg16 : memref<10000xf32, #tpu.memory_space<vmem>>) target(%arg19 : memref<10000xf32, #tpu.memory_space<vmem_shared>>) target_semaphore(%run_scoped3A : memref<!tpu.dma_semaphore, #tpu.memory_space<semaphore_mem>>)
        tpu.wait_dma2 semaphore(%run_scoped3A : memref<!tpu.dma_semaphore, #tpu.memory_space<semaphore_mem>>) src(%arg16 : memref<10000xf32, #tpu.memory_space<vmem>>) dst(%arg19 : memref<10000xf32, #tpu.memory_space<vmem_shared>>)
        tpu.yield
      }) : () -> ()
    } else {
    }
    %barrier3A = arith.constant 0 : index
    tpu.barrier barrier_id(%barrier3A)
    %dma_wait3A = arith.constant 0 : i32
    %dma_wait3A_50 = tpu.memref_slice %arg3[%dma_wait3A] : memref<640000xi32, #tpu.memory_space<hbm>> -> memref<112xi32, #tpu.memory_space<hbm>>
    %dma_wait3A_51 = arith.constant 0 : i32
    %dma_wait3A_52 = tpu.memref_slice %arg3[%dma_wait3A_51] : memref<640000xi32, #tpu.memory_space<hbm>> -> memref<112xi32, #tpu.memory_space<hbm>>
    tpu.wait_dma2 semaphore(%arg20 : memref<!tpu.dma_semaphore, #tpu.memory_space<semaphore_mem>>) src(%dma_wait3A_52 : memref<112xi32, #tpu.memory_space<hbm>>) dst(%arg6 : memref<112xi32, #tpu.memory_space<vmem>>)
    %dma_wait3A_53 = arith.constant 0 : i32
    %dma_wait3A_54 = tpu.memref_slice %arg3[%dma_wait3A_53] : memref<640000xi32, #tpu.memory_space<hbm>> -> memref<112xi32, #tpu.memory_space<hbm>>
    %dma_wait3A_55 = arith.constant 0 : i32
    %dma_wait3A_56 = tpu.memref_slice %arg3[%dma_wait3A_55] : memref<640000xi32, #tpu.memory_space<hbm>> -> memref<112xi32, #tpu.memory_space<hbm>>
    tpu.wait_dma2 semaphore(%arg20 : memref<!tpu.dma_semaphore, #tpu.memory_space<semaphore_mem>>) src(%dma_wait3A_56 : memref<112xi32, #tpu.memory_space<hbm>>) dst(%arg7 : memref<112xi32, #tpu.memory_space<vmem>>)
    %dma_start3A_57 = arith.constant 0 : i32
    %dma_start3A_58 = arith.constant 0 : i32
    %dma_start3A_59 = tpu.memref_slice %arg2[%dma_start3A_57, %dma_start3A_58] : memref<10000x128xf32, #tpu.memory_space<hbm>> -> memref<10000x128xf32, #tpu.memory_space<hbm>>
    tpu.enqueue_indirect_dma source(%dma_start3A_59 : memref<10000x128xf32, #tpu.memory_space<hbm>>) target(%arg13 : memref<112x128xf32, #tpu.memory_space<vmem>>) offsets(%arg6 : memref<112xi32, #tpu.memory_space<vmem>>) semaphore(%arg22 : memref<!tpu.dma_semaphore, #tpu.memory_space<semaphore_mem>>)
    %dma_wait3A_60 = arith.constant 0 : i32
    %dma_wait3A_61 = tpu.memref_slice %arg3[%dma_wait3A_60] : memref<640000xi32, #tpu.memory_space<hbm>> -> memref<112xi32, #tpu.memory_space<hbm>>
    %dma_wait3A_62 = arith.constant 0 : i32
    %dma_wait3A_63 = tpu.memref_slice %arg3[%dma_wait3A_62] : memref<640000xi32, #tpu.memory_space<hbm>> -> memref<112xi32, #tpu.memory_space<hbm>>
    tpu.wait_dma2 semaphore(%arg21 : memref<!tpu.dma_semaphore, #tpu.memory_space<semaphore_mem>>) src(%dma_wait3A_63 : memref<112xi32, #tpu.memory_space<hbm>>) dst(%arg8 : memref<112xi32, #tpu.memory_space<vmem>>)
    %dma_wait3A_64 = arith.constant 0 : i32
    %dma_wait3A_65 = tpu.memref_slice %arg3[%dma_wait3A_64] : memref<640000xi32, #tpu.memory_space<hbm>> -> memref<112xi32, #tpu.memory_space<hbm>>
    %dma_wait3A_66 = arith.constant 0 : i32
    %dma_wait3A_67 = tpu.memref_slice %arg3[%dma_wait3A_66] : memref<640000xi32, #tpu.memory_space<hbm>> -> memref<112xi32, #tpu.memory_space<hbm>>
    tpu.wait_dma2 semaphore(%arg21 : memref<!tpu.dma_semaphore, #tpu.memory_space<semaphore_mem>>) src(%dma_wait3A_67 : memref<112xi32, #tpu.memory_space<hbm>>) dst(%arg9 : memref<112xi32, #tpu.memory_space<vmem>>)
    %dma_start3A_68 = arith.constant 0 : i32
    %dma_start3A_69 = arith.constant 0 : i32
    %dma_start3A_70 = tpu.memref_slice %arg2[%dma_start3A_68, %dma_start3A_69] : memref<10000x128xf32, #tpu.memory_space<hbm>> -> memref<10000x128xf32, #tpu.memory_space<hbm>>
    tpu.enqueue_indirect_dma source(%dma_start3A_70 : memref<10000x128xf32, #tpu.memory_space<hbm>>) target(%arg14 : memref<112x128xf32, #tpu.memory_space<vmem>>) offsets(%arg8 : memref<112xi32, #tpu.memory_space<vmem>>) semaphore(%arg23 : memref<!tpu.dma_semaphore, #tpu.memory_space<semaphore_mem>>)
    %scan3A_71 = arith.constant 0 : i32
    %scan3A_72 = arith.constant 0 : i32
    %scan3A_73 = arith.constant 44 : i32
    %scan3A_74 = arith.addi %scan3A_72, %scan3A_73 : i32
    %scan3A_75 = arith.constant 1 : i32
    %scan3A_76 = scf.for %scan3A_214 = %scan3A_72 to %scan3A_74 step %scan3A_75 iter_args(%scan3A_215 = %scan3A_71) -> (i32)  : i32 {
      %mul3A_216 = arith.constant 2 : i32
      %mul3A_217 = arith.muli %mul3A_216, %scan3A_214 : i32
      %dma_wait3A_218 = arith.constant 0 : i32
      %dma_wait3A_219 = arith.constant 0 : i32
      %dma_wait3A_220 = tpu.memref_slice %arg2[%dma_wait3A_218, %dma_wait3A_219] : memref<10000x128xf32, #tpu.memory_space<hbm>> -> memref<10000x128xf32, #tpu.memory_space<hbm>>
      tpu.wait_indirect_dma semaphore(%arg22 : memref<!tpu.dma_semaphore, #tpu.memory_space<semaphore_mem>>) src(%dma_wait3A_220 : memref<10000x128xf32, #tpu.memory_space<hbm>>) dst(%arg13 : memref<112x128xf32, #tpu.memory_space<vmem>>)
      %get3A_221 = arith.constant 0 : index
      %get3A_222 = tpu.vector_load %arg7[%get3A_221] {strides = array<i32>} : memref<112xi32, #tpu.memory_space<vmem>>, vector<16xi32>,
      %get3A_223 = arith.constant 0 : index
      %get3A_224 = tpu.vector_load %arg6[%get3A_223] {strides = array<i32>} : memref<112xi32, #tpu.memory_space<vmem>>, vector<16xi32>,
      %swap3A_225 = arith.constant 0 : index
      %swap3A_226 = tpu.vector_load %arg10[%swap3A_225] {strides = array<i32>} : memref<112xi32, #tpu.memory_space<vmem>>, vector<16xi32>,
      tpu.vector_store %arg10[%swap3A_225], %get3A_222 {strides = array<i32>} : memref<112xi32, #tpu.memory_space<vmem>>, vector<16xi32>,
      tpu.vector_store_idx %arg15[%get3A_222], %broadcast_in_dim3A_2 {add = true} : memref<10000xf32, #tpu.memory_space<vmem>>[vector<16xi32>], vector<16xf32>,
      tpu.vector_store_idx %arg16[%get3A_224], %broadcast_in_dim3A_2 {add = true} : memref<10000xf32, #tpu.memory_space<vmem>>[vector<16xi32>], vector<16xf32>,
      %get3A_227 = arith.constant 16 : index
      %get3A_228 = tpu.vector_load %arg7[%get3A_227] {strides = array<i32>} : memref<112xi32, #tpu.memory_space<vmem>>, vector<16xi32>,
      %get3A_229 = arith.constant 16 : index
      %get3A_230 = tpu.vector_load %arg6[%get3A_229] {strides = array<i32>} : memref<112xi32, #tpu.memory_space<vmem>>, vector<16xi32>,
      %swap3A_231 = arith.constant 16 : index
      %swap3A_232 = tpu.vector_load %arg10[%swap3A_231] {strides = array<i32>} : memref<112xi32, #tpu.memory_space<vmem>>, vector<16xi32>,
      tpu.vector_store %arg10[%swap3A_231], %get3A_228 {strides = array<i32>} : memref<112xi32, #tpu.memory_space<vmem>>, vector<16xi32>,
      tpu.vector_store_idx %arg15[%get3A_228], %broadcast_in_dim3A_2 {add = true} : memref<10000xf32, #tpu.memory_space<vmem>>[vector<16xi32>], vector<16xf32>,
      tpu.vector_store_idx %arg16[%get3A_230], %broadcast_in_dim3A_2 {add = true} : memref<10000xf32, #tpu.memory_space<vmem>>[vector<16xi32>], vector<16xf32>,
      %get3A_233 = arith.constant 32 : index
      %get3A_234 = tpu.vector_load %arg7[%get3A_233] {strides = array<i32>} : memref<112xi32, #tpu.memory_space<vmem>>, vector<16xi32>,
      %get3A_235 = arith.constant 32 : index
      %get3A_236 = tpu.vector_load %arg6[%get3A_235] {strides = array<i32>} : memref<112xi32, #tpu.memory_space<vmem>>, vector<16xi32>,
      %swap3A_237 = arith.constant 32 : index
      %swap3A_238 = tpu.vector_load %arg10[%swap3A_237] {strides = array<i32>} : memref<112xi32, #tpu.memory_space<vmem>>, vector<16xi32>,
      tpu.vector_store %arg10[%swap3A_237], %get3A_234 {strides = array<i32>} : memref<112xi32, #tpu.memory_space<vmem>>, vector<16xi32>,
      tpu.vector_store_idx %arg15[%get3A_234], %broadcast_in_dim3A_2 {add = true} : memref<10000xf32, #tpu.memory_space<vmem>>[vector<16xi32>], vector<16xf32>,
      tpu.vector_store_idx %arg16[%get3A_236], %broadcast_in_dim3A_2 {add = true} : memref<10000xf32, #tpu.memory_space<vmem>>[vector<16xi32>], vector<16xf32>,
      %get3A_239 = arith.constant 48 : index
      %get3A_240 = tpu.vector_load %arg7[%get3A_239] {strides = array<i32>} : memref<112xi32, #tpu.memory_space<vmem>>, vector<16xi32>,
      %get3A_241 = arith.constant 48 : index
      %get3A_242 = tpu.vector_load %arg6[%get3A_241] {strides = array<i32>} : memref<112xi32, #tpu.memory_space<vmem>>, vector<16xi32>,
      %swap3A_243 = arith.constant 48 : index
      %swap3A_244 = tpu.vector_load %arg10[%swap3A_243] {strides = array<i32>} : memref<112xi32, #tpu.memory_space<vmem>>, vector<16xi32>,
      tpu.vector_store %arg10[%swap3A_243], %get3A_240 {strides = array<i32>} : memref<112xi32, #tpu.memory_space<vmem>>, vector<16xi32>,
      tpu.vector_store_idx %arg15[%get3A_240], %broadcast_in_dim3A_2 {add = true} : memref<10000xf32, #tpu.memory_space<vmem>>[vector<16xi32>], vector<16xf32>,
      tpu.vector_store_idx %arg16[%get3A_242], %broadcast_in_dim3A_2 {add = true} : memref<10000xf32, #tpu.memory_space<vmem>>[vector<16xi32>], vector<16xf32>,
      %get3A_245 = arith.constant 64 : index
      %get3A_246 = tpu.vector_load %arg7[%get3A_245] {strides = array<i32>} : memref<112xi32, #tpu.memory_space<vmem>>, vector<16xi32>,
      %get3A_247 = arith.constant 64 : index
      %get3A_248 = tpu.vector_load %arg6[%get3A_247] {strides = array<i32>} : memref<112xi32, #tpu.memory_space<vmem>>, vector<16xi32>,
      %swap3A_249 = arith.constant 64 : index
      %swap3A_250 = tpu.vector_load %arg10[%swap3A_249] {strides = array<i32>} : memref<112xi32, #tpu.memory_space<vmem>>, vector<16xi32>,
      tpu.vector_store %arg10[%swap3A_249], %get3A_246 {strides = array<i32>} : memref<112xi32, #tpu.memory_space<vmem>>, vector<16xi32>,
      tpu.vector_store_idx %arg15[%get3A_246], %broadcast_in_dim3A_2 {add = true} : memref<10000xf32, #tpu.memory_space<vmem>>[vector<16xi32>], vector<16xf32>,
      tpu.vector_store_idx %arg16[%get3A_248], %broadcast_in_dim3A_2 {add = true} : memref<10000xf32, #tpu.memory_space<vmem>>[vector<16xi32>], vector<16xf32>,
      %get3A_251 = arith.constant 80 : index
      %get3A_252 = tpu.vector_load %arg7[%get3A_251] {strides = array<i32>} : memref<112xi32, #tpu.memory_space<vmem>>, vector<16xi32>,
      %get3A_253 = arith.constant 80 : index
      %get3A_254 = tpu.vector_load %arg6[%get3A_253] {strides = array<i32>} : memref<112xi32, #tpu.memory_space<vmem>>, vector<16xi32>,
      %swap3A_255 = arith.constant 80 : index
      %swap3A_256 = tpu.vector_load %arg10[%swap3A_255] {strides = array<i32>} : memref<112xi32, #tpu.memory_space<vmem>>, vector<16xi32>,
      tpu.vector_store %arg10[%swap3A_255], %get3A_252 {strides = array<i32>} : memref<112xi32, #tpu.memory_space<vmem>>, vector<16xi32>,
      tpu.vector_store_idx %arg15[%get3A_252], %broadcast_in_dim3A_2 {add = true} : memref<10000xf32, #tpu.memory_space<vmem>>[vector<16xi32>], vector<16xf32>,
      tpu.vector_store_idx %arg16[%get3A_254], %broadcast_in_dim3A_2 {add = true} : memref<10000xf32, #tpu.memory_space<vmem>>[vector<16xi32>], vector<16xf32>,
      %get3A_257 = arith.constant 96 : index
      %get3A_258 = tpu.vector_load %arg7[%get3A_257] {strides = array<i32>} : memref<112xi32, #tpu.memory_space<vmem>>, vector<16xi32>,
      %get3A_259 = arith.constant 96 : index
      %get3A_260 = tpu.vector_load %arg6[%get3A_259] {strides = array<i32>} : memref<112xi32, #tpu.memory_space<vmem>>, vector<16xi32>,
      %swap3A_261 = arith.constant 96 : index
      %swap3A_262 = tpu.vector_load %arg10[%swap3A_261] {strides = array<i32>} : memref<112xi32, #tpu.memory_space<vmem>>, vector<16xi32>,
      tpu.vector_store %arg10[%swap3A_261], %get3A_258 {strides = array<i32>} : memref<112xi32, #tpu.memory_space<vmem>>, vector<16xi32>,
      tpu.vector_store_idx %arg15[%get3A_258], %broadcast_in_dim3A_2 {add = true} : memref<10000xf32, #tpu.memory_space<vmem>>[vector<16xi32>], vector<16xf32>,
      tpu.vector_store_idx %arg16[%get3A_260], %broadcast_in_dim3A_2 {add = true} : memref<10000xf32, #tpu.memory_space<vmem>>[vector<16xi32>], vector<16xf32>,
      %dma_start3A_263 = arith.constant 0 : i32
      %dma_start3A_264 = arith.constant 0 : i32
      %dma_start3A_265 = tpu.memref_slice %arg17[%dma_start3A_263, %dma_start3A_264] : memref<10000x128xf32, #tpu.memory_space<vmem_shared>> -> memref<10000x128xf32, #tpu.memory_space<vmem_shared>>
      tpu.enqueue_indirect_dma source(%arg13 : memref<112x128xf32, #tpu.memory_space<vmem>>) target(%dma_start3A_265 : memref<10000x128xf32, #tpu.memory_space<vmem_shared>>) offsets(%arg10 : memref<112xi32, #tpu.memory_space<vmem>>) semaphore(%arg24 : memref<!tpu.dma_semaphore, #tpu.memory_space<semaphore_mem>>) {add = true}
      %add3A_266 = arith.constant 2 : i32
      %add3A_267 = arith.addi %mul3A_217, %add3A_266 : i32
      %lt3A_268 = arith.constant 89 : i32
      %lt3A_269 = arith.cmpi slt, %add3A_267, %lt3A_268 : i32
      %convert_element_type3A_270 = arith.extui %lt3A_269 : i1 to i32
      %cond3A_271 = arith.constant 0 : i32
      %cond3A_272 = arith.cmpi ne, %convert_element_type3A_270, %cond3A_271 : i32
      scf.if %cond3A_272 {
        %add3A_351 = arith.constant 2 : i32
        %add3A_352 = arith.addi %mul3A_217, %add3A_351 : i32
        %mul3A_353 = arith.constant 10000 : i32
        %mul3A_354 = arith.muli %add3A, %mul3A_353 : i32
        %mul3A_355 = arith.constant 112 : i32
        %mul3A_356 = arith.muli %add3A_352, %mul3A_355 : i32
        %add3A_357 = arith.addi %mul3A_354, %mul3A_356 : i32
        %multiple_of3A_358 = tpu.assume_multiple %add3A_357, 8 : i32
        %dma_start3A_359 = tpu.memref_slice %arg3[%multiple_of3A_358] : memref<640000xi32, #tpu.memory_space<hbm>> -> memref<112xi32, #tpu.memory_space<hbm>>
        %dma_start3A_360 = tpu.memref_slice %arg3[%multiple_of3A_358] : memref<640000xi32, #tpu.memory_space<hbm>> -> memref<112xi32, #tpu.memory_space<hbm>>
        tpu.enqueue_dma source(%dma_start3A_360 : memref<112xi32, #tpu.memory_space<hbm>>) target(%arg6 : memref<112xi32, #tpu.memory_space<vmem>>) target_semaphore(%arg20 : memref<!tpu.dma_semaphore, #tpu.memory_space<semaphore_mem>>)
        %add3A_361 = arith.constant 320000 : i32
        %add3A_362 = arith.addi %add3A_361, %multiple_of3A_358 : i32
        %dma_start3A_363 = tpu.memref_slice %arg3[%add3A_362] : memref<640000xi32, #tpu.memory_space<hbm>> -> memref<112xi32, #tpu.memory_space<hbm>>
        %dma_start3A_364 = tpu.memref_slice %arg3[%add3A_362] : memref<640000xi32, #tpu.memory_space<hbm>> -> memref<112xi32, #tpu.memory_space<hbm>>
        tpu.enqueue_dma source(%dma_start3A_364 : memref<112xi32, #tpu.memory_space<hbm>>) target(%arg7 : memref<112xi32, #tpu.memory_space<vmem>>) target_semaphore(%arg20 : memref<!tpu.dma_semaphore, #tpu.memory_space<semaphore_mem>>)
      } else {
      }
      %dma_wait3A_273 = arith.constant 0 : i32
      %dma_wait3A_274 = arith.constant 0 : i32
      %dma_wait3A_275 = tpu.memref_slice %arg17[%dma_wait3A_273, %dma_wait3A_274] : memref<10000x128xf32, #tpu.memory_space<vmem_shared>> -> memref<10000x128xf32, #tpu.memory_space<vmem_shared>>
      tpu.wait_indirect_dma semaphore(%arg24 : memref<!tpu.dma_semaphore, #tpu.memory_space<semaphore_mem>>) src(%arg13 : memref<112x128xf32, #tpu.memory_space<vmem>>) dst(%dma_wait3A_275 : memref<10000x128xf32, #tpu.memory_space<vmem_shared>>)
      %add3A_276 = arith.constant 2 : i32
      %add3A_277 = arith.addi %mul3A_217, %add3A_276 : i32
      %lt3A_278 = arith.constant 89 : i32
      %lt3A_279 = arith.cmpi slt, %add3A_277, %lt3A_278 : i32
      %convert_element_type3A_280 = arith.extui %lt3A_279 : i1 to i32
      %cond3A_281 = arith.constant 0 : i32
      %cond3A_282 = arith.cmpi ne, %convert_element_type3A_280, %cond3A_281 : i32
      scf.if %cond3A_282 {
        %dma_wait3A_351 = arith.constant 0 : i32
        %dma_wait3A_352 = tpu.memref_slice %arg3[%dma_wait3A_351] : memref<640000xi32, #tpu.memory_space<hbm>> -> memref<112xi32, #tpu.memory_space<hbm>>
        %dma_wait3A_353 = arith.constant 0 : i32
        %dma_wait3A_354 = tpu.memref_slice %arg3[%dma_wait3A_353] : memref<640000xi32, #tpu.memory_space<hbm>> -> memref<112xi32, #tpu.memory_space<hbm>>
        tpu.wait_dma2 semaphore(%arg20 : memref<!tpu.dma_semaphore, #tpu.memory_space<semaphore_mem>>) src(%dma_wait3A_354 : memref<112xi32, #tpu.memory_space<hbm>>) dst(%arg6 : memref<112xi32, #tpu.memory_space<vmem>>)
        %dma_wait3A_355 = arith.constant 0 : i32
        %dma_wait3A_356 = tpu.memref_slice %arg3[%dma_wait3A_355] : memref<640000xi32, #tpu.memory_space<hbm>> -> memref<112xi32, #tpu.memory_space<hbm>>
        %dma_wait3A_357 = arith.constant 0 : i32
        %dma_wait3A_358 = tpu.memref_slice %arg3[%dma_wait3A_357] : memref<640000xi32, #tpu.memory_space<hbm>> -> memref<112xi32, #tpu.memory_space<hbm>>
        tpu.wait_dma2 semaphore(%arg20 : memref<!tpu.dma_semaphore, #tpu.memory_space<semaphore_mem>>) src(%dma_wait3A_358 : memref<112xi32, #tpu.memory_space<hbm>>) dst(%arg7 : memref<112xi32, #tpu.memory_space<vmem>>)
        %dma_start3A_359 = arith.constant 0 : i32
        %dma_start3A_360 = arith.constant 0 : i32
        %dma_start3A_361 = tpu.memref_slice %arg2[%dma_start3A_359, %dma_start3A_360] : memref<10000x128xf32, #tpu.memory_space<hbm>> -> memref<10000x128xf32, #tpu.memory_space<hbm>>
        tpu.enqueue_indirect_dma source(%dma_start3A_361 : memref<10000x128xf32, #tpu.memory_space<hbm>>) target(%arg13 : memref<112x128xf32, #tpu.memory_space<vmem>>) offsets(%arg6 : memref<112xi32, #tpu.memory_space<vmem>>) semaphore(%arg22 : memref<!tpu.dma_semaphore, #tpu.memory_space<semaphore_mem>>)
      } else {
      }
      %add3A_283 = arith.constant 1 : i32
      %add3A_284 = arith.addi %mul3A_217, %add3A_283 : i32
      %dma_wait3A_285 = arith.constant 0 : i32
      %dma_wait3A_286 = arith.constant 0 : i32
      %dma_wait3A_287 = tpu.memref_slice %arg2[%dma_wait3A_285, %dma_wait3A_286] : memref<10000x128xf32, #tpu.memory_space<hbm>> -> memref<10000x128xf32, #tpu.memory_space<hbm>>
      tpu.wait_indirect_dma semaphore(%arg23 : memref<!tpu.dma_semaphore, #tpu.memory_space<semaphore_mem>>) src(%dma_wait3A_287 : memref<10000x128xf32, #tpu.memory_space<hbm>>) dst(%arg14 : memref<112x128xf32, #tpu.memory_space<vmem>>)
      %get3A_288 = arith.constant 0 : index
      %get3A_289 = tpu.vector_load %arg9[%get3A_288] {strides = array<i32>} : memref<112xi32, #tpu.memory_space<vmem>>, vector<16xi32>,
      %get3A_290 = arith.constant 0 : index
      %get3A_291 = tpu.vector_load %arg8[%get3A_290] {strides = array<i32>} : memref<112xi32, #tpu.memory_space<vmem>>, vector<16xi32>,
      %swap3A_292 = arith.constant 0 : index
      %swap3A_293 = tpu.vector_load %arg10[%swap3A_292] {strides = array<i32>} : memref<112xi32, #tpu.memory_space<vmem>>, vector<16xi32>,
      tpu.vector_store %arg10[%swap3A_292], %get3A_289 {strides = array<i32>} : memref<112xi32, #tpu.memory_space<vmem>>, vector<16xi32>,
      tpu.vector_store_idx %arg15[%get3A_289], %broadcast_in_dim3A_2 {add = true} : memref<10000xf32, #tpu.memory_space<vmem>>[vector<16xi32>], vector<16xf32>,
      tpu.vector_store_idx %arg16[%get3A_291], %broadcast_in_dim3A_2 {add = true} : memref<10000xf32, #tpu.memory_space<vmem>>[vector<16xi32>], vector<16xf32>,
      %get3A_294 = arith.constant 16 : index
      %get3A_295 = tpu.vector_load %arg9[%get3A_294] {strides = array<i32>} : memref<112xi32, #tpu.memory_space<vmem>>, vector<16xi32>,
      %get3A_296 = arith.constant 16 : index
      %get3A_297 = tpu.vector_load %arg8[%get3A_296] {strides = array<i32>} : memref<112xi32, #tpu.memory_space<vmem>>, vector<16xi32>,
      %swap3A_298 = arith.constant 16 : index
      %swap3A_299 = tpu.vector_load %arg10[%swap3A_298] {strides = array<i32>} : memref<112xi32, #tpu.memory_space<vmem>>, vector<16xi32>,
      tpu.vector_store %arg10[%swap3A_298], %get3A_295 {strides = array<i32>} : memref<112xi32, #tpu.memory_space<vmem>>, vector<16xi32>,
      tpu.vector_store_idx %arg15[%get3A_295], %broadcast_in_dim3A_2 {add = true} : memref<10000xf32, #tpu.memory_space<vmem>>[vector<16xi32>], vector<16xf32>,
      tpu.vector_store_idx %arg16[%get3A_297], %broadcast_in_dim3A_2 {add = true} : memref<10000xf32, #tpu.memory_space<vmem>>[vector<16xi32>], vector<16xf32>,
      %get3A_300 = arith.constant 32 : index
      %get3A_301 = tpu.vector_load %arg9[%get3A_300] {strides = array<i32>} : memref<112xi32, #tpu.memory_space<vmem>>, vector<16xi32>,
      %get3A_302 = arith.constant 32 : index
      %get3A_303 = tpu.vector_load %arg8[%get3A_302] {strides = array<i32>} : memref<112xi32, #tpu.memory_space<vmem>>, vector<16xi32>,
      %swap3A_304 = arith.constant 32 : index
      %swap3A_305 = tpu.vector_load %arg10[%swap3A_304] {strides = array<i32>} : memref<112xi32, #tpu.memory_space<vmem>>, vector<16xi32>,
      tpu.vector_store %arg10[%swap3A_304], %get3A_301 {strides = array<i32>} : memref<112xi32, #tpu.memory_space<vmem>>, vector<16xi32>,
      tpu.vector_store_idx %arg15[%get3A_301], %broadcast_in_dim3A_2 {add = true} : memref<10000xf32, #tpu.memory_space<vmem>>[vector<16xi32>], vector<16xf32>,
      tpu.vector_store_idx %arg16[%get3A_303], %broadcast_in_dim3A_2 {add = true} : memref<10000xf32, #tpu.memory_space<vmem>>[vector<16xi32>], vector<16xf32>,
      %get3A_306 = arith.constant 48 : index
      %get3A_307 = tpu.vector_load %arg9[%get3A_306] {strides = array<i32>} : memref<112xi32, #tpu.memory_space<vmem>>, vector<16xi32>,
      %get3A_308 = arith.constant 48 : index
      %get3A_309 = tpu.vector_load %arg8[%get3A_308] {strides = array<i32>} : memref<112xi32, #tpu.memory_space<vmem>>, vector<16xi32>,
      %swap3A_310 = arith.constant 48 : index
      %swap3A_311 = tpu.vector_load %arg10[%swap3A_310] {strides = array<i32>} : memref<112xi32, #tpu.memory_space<vmem>>, vector<16xi32>,
      tpu.vector_store %arg10[%swap3A_310], %get3A_307 {strides = array<i32>} : memref<112xi32, #tpu.memory_space<vmem>>, vector<16xi32>,
      tpu.vector_store_idx %arg15[%get3A_307], %broadcast_in_dim3A_2 {add = true} : memref<10000xf32, #tpu.memory_space<vmem>>[vector<16xi32>], vector<16xf32>,
      tpu.vector_store_idx %arg16[%get3A_309], %broadcast_in_dim3A_2 {add = true} : memref<10000xf32, #tpu.memory_space<vmem>>[vector<16xi32>], vector<16xf32>,
      %get3A_312 = arith.constant 64 : index
      %get3A_313 = tpu.vector_load %arg9[%get3A_312] {strides = array<i32>} : memref<112xi32, #tpu.memory_space<vmem>>, vector<16xi32>,
      %get3A_314 = arith.constant 64 : index
      %get3A_315 = tpu.vector_load %arg8[%get3A_314] {strides = array<i32>} : memref<112xi32, #tpu.memory_space<vmem>>, vector<16xi32>,
      %swap3A_316 = arith.constant 64 : index
      %swap3A_317 = tpu.vector_load %arg10[%swap3A_316] {strides = array<i32>} : memref<112xi32, #tpu.memory_space<vmem>>, vector<16xi32>,
      tpu.vector_store %arg10[%swap3A_316], %get3A_313 {strides = array<i32>} : memref<112xi32, #tpu.memory_space<vmem>>, vector<16xi32>,
      tpu.vector_store_idx %arg15[%get3A_313], %broadcast_in_dim3A_2 {add = true} : memref<10000xf32, #tpu.memory_space<vmem>>[vector<16xi32>], vector<16xf32>,
      tpu.vector_store_idx %arg16[%get3A_315], %broadcast_in_dim3A_2 {add = true} : memref<10000xf32, #tpu.memory_space<vmem>>[vector<16xi32>], vector<16xf32>,
      %get3A_318 = arith.constant 80 : index
      %get3A_319 = tpu.vector_load %arg9[%get3A_318] {strides = array<i32>} : memref<112xi32, #tpu.memory_space<vmem>>, vector<16xi32>,
      %get3A_320 = arith.constant 80 : index
      %get3A_321 = tpu.vector_load %arg8[%get3A_320] {strides = array<i32>} : memref<112xi32, #tpu.memory_space<vmem>>, vector<16xi32>,
      %swap3A_322 = arith.constant 80 : index
      %swap3A_323 = tpu.vector_load %arg10[%swap3A_322] {strides = array<i32>} : memref<112xi32, #tpu.memory_space<vmem>>, vector<16xi32>,
      tpu.vector_store %arg10[%swap3A_322], %get3A_319 {strides = array<i32>} : memref<112xi32, #tpu.memory_space<vmem>>, vector<16xi32>,
      tpu.vector_store_idx %arg15[%get3A_319], %broadcast_in_dim3A_2 {add = true} : memref<10000xf32, #tpu.memory_space<vmem>>[vector<16xi32>], vector<16xf32>,
      tpu.vector_store_idx %arg16[%get3A_321], %broadcast_in_dim3A_2 {add = true} : memref<10000xf32, #tpu.memory_space<vmem>>[vector<16xi32>], vector<16xf32>,
      %get3A_324 = arith.constant 96 : index
      %get3A_325 = tpu.vector_load %arg9[%get3A_324] {strides = array<i32>} : memref<112xi32, #tpu.memory_space<vmem>>, vector<16xi32>,
      %get3A_326 = arith.constant 96 : index
      %get3A_327 = tpu.vector_load %arg8[%get3A_326] {strides = array<i32>} : memref<112xi32, #tpu.memory_space<vmem>>, vector<16xi32>,
      %swap3A_328 = arith.constant 96 : index
      %swap3A_329 = tpu.vector_load %arg10[%swap3A_328] {strides = array<i32>} : memref<112xi32, #tpu.memory_space<vmem>>, vector<16xi32>,
      tpu.vector_store %arg10[%swap3A_328], %get3A_325 {strides = array<i32>} : memref<112xi32, #tpu.memory_space<vmem>>, vector<16xi32>,
      tpu.vector_store_idx %arg15[%get3A_325], %broadcast_in_dim3A_2 {add = true} : memref<10000xf32, #tpu.memory_space<vmem>>[vector<16xi32>], vector<16xf32>,
      tpu.vector_store_idx %arg16[%get3A_327], %broadcast_in_dim3A_2 {add = true} : memref<10000xf32, #tpu.memory_space<vmem>>[vector<16xi32>], vector<16xf32>,
      %dma_start3A_330 = arith.constant 0 : i32
      %dma_start3A_331 = arith.constant 0 : i32
      %dma_start3A_332 = tpu.memref_slice %arg17[%dma_start3A_330, %dma_start3A_331] : memref<10000x128xf32, #tpu.memory_space<vmem_shared>> -> memref<10000x128xf32, #tpu.memory_space<vmem_shared>>
      tpu.enqueue_indirect_dma source(%arg14 : memref<112x128xf32, #tpu.memory_space<vmem>>) target(%dma_start3A_332 : memref<10000x128xf32, #tpu.memory_space<vmem_shared>>) offsets(%arg10 : memref<112xi32, #tpu.memory_space<vmem>>) semaphore(%arg25 : memref<!tpu.dma_semaphore, #tpu.memory_space<semaphore_mem>>) {add = true}
      %add3A_333 = arith.constant 2 : i32
      %add3A_334 = arith.addi %add3A_284, %add3A_333 : i32
      %lt3A_335 = arith.constant 89 : i32
      %lt3A_336 = arith.cmpi slt, %add3A_334, %lt3A_335 : i32
      %convert_element_type3A_337 = arith.extui %lt3A_336 : i1 to i32
      %cond3A_338 = arith.constant 0 : i32
      %cond3A_339 = arith.cmpi ne, %convert_element_type3A_337, %cond3A_338 : i32
      scf.if %cond3A_339 {
        %add3A_351 = arith.constant 2 : i32
        %add3A_352 = arith.addi %add3A_284, %add3A_351 : i32
        %mul3A_353 = arith.constant 10000 : i32
        %mul3A_354 = arith.muli %add3A, %mul3A_353 : i32
        %mul3A_355 = arith.constant 112 : i32
        %mul3A_356 = arith.muli %add3A_352, %mul3A_355 : i32
        %add3A_357 = arith.addi %mul3A_354, %mul3A_356 : i32
        %multiple_of3A_358 = tpu.assume_multiple %add3A_357, 8 : i32
        %dma_start3A_359 = tpu.memref_slice %arg3[%multiple_of3A_358] : memref<640000xi32, #tpu.memory_space<hbm>> -> memref<112xi32, #tpu.memory_space<hbm>>
        %dma_start3A_360 = tpu.memref_slice %arg3[%multiple_of3A_358] : memref<640000xi32, #tpu.memory_space<hbm>> -> memref<112xi32, #tpu.memory_space<hbm>>
        tpu.enqueue_dma source(%dma_start3A_360 : memref<112xi32, #tpu.memory_space<hbm>>) target(%arg8 : memref<112xi32, #tpu.memory_space<vmem>>) target_semaphore(%arg21 : memref<!tpu.dma_semaphore, #tpu.memory_space<semaphore_mem>>)
        %add3A_361 = arith.constant 320000 : i32
        %add3A_362 = arith.addi %add3A_361, %multiple_of3A_358 : i32
        %dma_start3A_363 = tpu.memref_slice %arg3[%add3A_362] : memref<640000xi32, #tpu.memory_space<hbm>> -> memref<112xi32, #tpu.memory_space<hbm>>
        %dma_start3A_364 = tpu.memref_slice %arg3[%add3A_362] : memref<640000xi32, #tpu.memory_space<hbm>> -> memref<112xi32, #tpu.memory_space<hbm>>
        tpu.enqueue_dma source(%dma_start3A_364 : memref<112xi32, #tpu.memory_space<hbm>>) target(%arg9 : memref<112xi32, #tpu.memory_space<vmem>>) target_semaphore(%arg21 : memref<!tpu.dma_semaphore, #tpu.memory_space<semaphore_mem>>)
      } else {
      }
      %dma_wait3A_340 = arith.constant 0 : i32
      %dma_wait3A_341 = arith.constant 0 : i32
      %dma_wait3A_342 = tpu.memref_slice %arg17[%dma_wait3A_340, %dma_wait3A_341] : memref<10000x128xf32, #tpu.memory_space<vmem_shared>> -> memref<10000x128xf32, #tpu.memory_space<vmem_shared>>
      tpu.wait_indirect_dma semaphore(%arg25 : memref<!tpu.dma_semaphore, #tpu.memory_space<semaphore_mem>>) src(%arg14 : memref<112x128xf32, #tpu.memory_space<vmem>>) dst(%dma_wait3A_342 : memref<10000x128xf32, #tpu.memory_space<vmem_shared>>)
      %add3A_343 = arith.constant 2 : i32
      %add3A_344 = arith.addi %add3A_284, %add3A_343 : i32
      %lt3A_345 = arith.constant 89 : i32
      %lt3A_346 = arith.cmpi slt, %add3A_344, %lt3A_345 : i32
      %convert_element_type3A_347 = arith.extui %lt3A_346 : i1 to i32
      %cond3A_348 = arith.constant 0 : i32
      %cond3A_349 = arith.cmpi ne, %convert_element_type3A_347, %cond3A_348 : i32
      scf.if %cond3A_349 {
        %dma_wait3A_351 = arith.constant 0 : i32
        %dma_wait3A_352 = tpu.memref_slice %arg3[%dma_wait3A_351] : memref<640000xi32, #tpu.memory_space<hbm>> -> memref<112xi32, #tpu.memory_space<hbm>>
        %dma_wait3A_353 = arith.constant 0 : i32
        %dma_wait3A_354 = tpu.memref_slice %arg3[%dma_wait3A_353] : memref<640000xi32, #tpu.memory_space<hbm>> -> memref<112xi32, #tpu.memory_space<hbm>>
        tpu.wait_dma2 semaphore(%arg21 : memref<!tpu.dma_semaphore, #tpu.memory_space<semaphore_mem>>) src(%dma_wait3A_354 : memref<112xi32, #tpu.memory_space<hbm>>) dst(%arg8 : memref<112xi32, #tpu.memory_space<vmem>>)
        %dma_wait3A_355 = arith.constant 0 : i32
        %dma_wait3A_356 = tpu.memref_slice %arg3[%dma_wait3A_355] : memref<640000xi32, #tpu.memory_space<hbm>> -> memref<112xi32, #tpu.memory_space<hbm>>
        %dma_wait3A_357 = arith.constant 0 : i32
        %dma_wait3A_358 = tpu.memref_slice %arg3[%dma_wait3A_357] : memref<640000xi32, #tpu.memory_space<hbm>> -> memref<112xi32, #tpu.memory_space<hbm>>
        tpu.wait_dma2 semaphore(%arg21 : memref<!tpu.dma_semaphore, #tpu.memory_space<semaphore_mem>>) src(%dma_wait3A_358 : memref<112xi32, #tpu.memory_space<hbm>>) dst(%arg9 : memref<112xi32, #tpu.memory_space<vmem>>)
        %dma_start3A_359 = arith.constant 0 : i32
        %dma_start3A_360 = arith.constant 0 : i32
        %dma_start3A_361 = tpu.memref_slice %arg2[%dma_start3A_359, %dma_start3A_360] : memref<10000x128xf32, #tpu.memory_space<hbm>> -> memref<10000x128xf32, #tpu.memory_space<hbm>>
        tpu.enqueue_indirect_dma source(%dma_start3A_361 : memref<10000x128xf32, #tpu.memory_space<hbm>>) target(%arg14 : memref<112x128xf32, #tpu.memory_space<vmem>>) offsets(%arg8 : memref<112xi32, #tpu.memory_space<vmem>>) semaphore(%arg23 : memref<!tpu.dma_semaphore, #tpu.memory_space<semaphore_mem>>)
      } else {
      }
      %scan3A_350 = arith.constant 0 : i32
      scf.yield %scan3A_350 : i32
    }
    %scan3A_77 = arith.constant 44 : i32
    %dma_wait3A_78 = arith.constant 0 : i32
    %dma_wait3A_79 = arith.constant 0 : i32
    %dma_wait3A_80 = tpu.memref_slice %arg2[%dma_wait3A_78, %dma_wait3A_79] : memref<10000x128xf32, #tpu.memory_space<hbm>> -> memref<10000x128xf32, #tpu.memory_space<hbm>>
    tpu.wait_indirect_dma semaphore(%arg22 : memref<!tpu.dma_semaphore, #tpu.memory_space<semaphore_mem>>) src(%dma_wait3A_80 : memref<10000x128xf32, #tpu.memory_space<hbm>>) dst(%arg13 : memref<112x128xf32, #tpu.memory_space<vmem>>)
    %get3A = arith.constant 0 : index
    %get3A_81 = tpu.vector_load %arg7[%get3A] {strides = array<i32>} : memref<112xi32, #tpu.memory_space<vmem>>, vector<16xi32>,
    %get3A_82 = arith.constant 0 : index
    %get3A_83 = tpu.vector_load %arg6[%get3A_82] {strides = array<i32>} : memref<112xi32, #tpu.memory_space<vmem>>, vector<16xi32>,
    %swap3A = arith.constant 0 : index
    %swap3A_84 = tpu.vector_load %arg10[%swap3A] {strides = array<i32>} : memref<112xi32, #tpu.memory_space<vmem>>, vector<16xi32>,
    tpu.vector_store %arg10[%swap3A], %get3A_81 {strides = array<i32>} : memref<112xi32, #tpu.memory_space<vmem>>, vector<16xi32>,
    tpu.vector_store_idx %arg15[%get3A_81], %broadcast_in_dim3A_2 {add = true} : memref<10000xf32, #tpu.memory_space<vmem>>[vector<16xi32>], vector<16xf32>,
    tpu.vector_store_idx %arg16[%get3A_83], %broadcast_in_dim3A_2 {add = true} : memref<10000xf32, #tpu.memory_space<vmem>>[vector<16xi32>], vector<16xf32>,
    %get3A_85 = arith.constant 16 : index
    %get3A_86 = tpu.vector_load %arg7[%get3A_85] {strides = array<i32>} : memref<112xi32, #tpu.memory_space<vmem>>, vector<16xi32>,
    %get3A_87 = arith.constant 16 : index
    %get3A_88 = tpu.vector_load %arg6[%get3A_87] {strides = array<i32>} : memref<112xi32, #tpu.memory_space<vmem>>, vector<16xi32>,
    %swap3A_89 = arith.constant 16 : index
    %swap3A_90 = tpu.vector_load %arg10[%swap3A_89] {strides = array<i32>} : memref<112xi32, #tpu.memory_space<vmem>>, vector<16xi32>,
    tpu.vector_store %arg10[%swap3A_89], %get3A_86 {strides = array<i32>} : memref<112xi32, #tpu.memory_space<vmem>>, vector<16xi32>,
    tpu.vector_store_idx %arg15[%get3A_86], %broadcast_in_dim3A_2 {add = true} : memref<10000xf32, #tpu.memory_space<vmem>>[vector<16xi32>], vector<16xf32>,
    tpu.vector_store_idx %arg16[%get3A_88], %broadcast_in_dim3A_2 {add = true} : memref<10000xf32, #tpu.memory_space<vmem>>[vector<16xi32>], vector<16xf32>,
    %get3A_91 = arith.constant 32 : index
    %get3A_92 = tpu.vector_load %arg7[%get3A_91] {strides = array<i32>} : memref<112xi32, #tpu.memory_space<vmem>>, vector<16xi32>,
    %get3A_93 = arith.constant 32 : index
    %get3A_94 = tpu.vector_load %arg6[%get3A_93] {strides = array<i32>} : memref<112xi32, #tpu.memory_space<vmem>>, vector<16xi32>,
    %swap3A_95 = arith.constant 32 : index
    %swap3A_96 = tpu.vector_load %arg10[%swap3A_95] {strides = array<i32>} : memref<112xi32, #tpu.memory_space<vmem>>, vector<16xi32>,
    tpu.vector_store %arg10[%swap3A_95], %get3A_92 {strides = array<i32>} : memref<112xi32, #tpu.memory_space<vmem>>, vector<16xi32>,
    tpu.vector_store_idx %arg15[%get3A_92], %broadcast_in_dim3A_2 {add = true} : memref<10000xf32, #tpu.memory_space<vmem>>[vector<16xi32>], vector<16xf32>,
    tpu.vector_store_idx %arg16[%get3A_94], %broadcast_in_dim3A_2 {add = true} : memref<10000xf32, #tpu.memory_space<vmem>>[vector<16xi32>], vector<16xf32>,
    %get3A_97 = arith.constant 48 : index
    %get3A_98 = tpu.vector_load %arg7[%get3A_97] {strides = array<i32>} : memref<112xi32, #tpu.memory_space<vmem>>, vector<16xi32>,
    %get3A_99 = arith.constant 48 : index
    %get3A_100 = tpu.vector_load %arg6[%get3A_99] {strides = array<i32>} : memref<112xi32, #tpu.memory_space<vmem>>, vector<16xi32>,
    %swap3A_101 = arith.constant 48 : index
    %swap3A_102 = tpu.vector_load %arg10[%swap3A_101] {strides = array<i32>} : memref<112xi32, #tpu.memory_space<vmem>>, vector<16xi32>,
    tpu.vector_store %arg10[%swap3A_101], %get3A_98 {strides = array<i32>} : memref<112xi32, #tpu.memory_space<vmem>>, vector<16xi32>,
    tpu.vector_store_idx %arg15[%get3A_98], %broadcast_in_dim3A_2 {add = true} : memref<10000xf32, #tpu.memory_space<vmem>>[vector<16xi32>], vector<16xf32>,
    tpu.vector_store_idx %arg16[%get3A_100], %broadcast_in_dim3A_2 {add = true} : memref<10000xf32, #tpu.memory_space<vmem>>[vector<16xi32>], vector<16xf32>,
    %get3A_103 = arith.constant 64 : index
    %get3A_104 = tpu.vector_load %arg7[%get3A_103] {strides = array<i32>} : memref<112xi32, #tpu.memory_space<vmem>>, vector<16xi32>,
    %get3A_105 = arith.constant 64 : index
    %get3A_106 = tpu.vector_load %arg6[%get3A_105] {strides = array<i32>} : memref<112xi32, #tpu.memory_space<vmem>>, vector<16xi32>,
    %swap3A_107 = arith.constant 64 : index
    %swap3A_108 = tpu.vector_load %arg10[%swap3A_107] {strides = array<i32>} : memref<112xi32, #tpu.memory_space<vmem>>, vector<16xi32>,
    tpu.vector_store %arg10[%swap3A_107], %get3A_104 {strides = array<i32>} : memref<112xi32, #tpu.memory_space<vmem>>, vector<16xi32>,
    tpu.vector_store_idx %arg15[%get3A_104], %broadcast_in_dim3A_2 {add = true} : memref<10000xf32, #tpu.memory_space<vmem>>[vector<16xi32>], vector<16xf32>,
    tpu.vector_store_idx %arg16[%get3A_106], %broadcast_in_dim3A_2 {add = true} : memref<10000xf32, #tpu.memory_space<vmem>>[vector<16xi32>], vector<16xf32>,
    %get3A_109 = arith.constant 80 : index
    %get3A_110 = tpu.vector_load %arg7[%get3A_109] {strides = array<i32>} : memref<112xi32, #tpu.memory_space<vmem>>, vector<16xi32>,
    %get3A_111 = arith.constant 80 : index
    %get3A_112 = tpu.vector_load %arg6[%get3A_111] {strides = array<i32>} : memref<112xi32, #tpu.memory_space<vmem>>, vector<16xi32>,
    %swap3A_113 = arith.constant 80 : index
    %swap3A_114 = tpu.vector_load %arg10[%swap3A_113] {strides = array<i32>} : memref<112xi32, #tpu.memory_space<vmem>>, vector<16xi32>,
    tpu.vector_store %arg10[%swap3A_113], %get3A_110 {strides = array<i32>} : memref<112xi32, #tpu.memory_space<vmem>>, vector<16xi32>,
    tpu.vector_store_idx %arg15[%get3A_110], %broadcast_in_dim3A_2 {add = true} : memref<10000xf32, #tpu.memory_space<vmem>>[vector<16xi32>], vector<16xf32>,
    tpu.vector_store_idx %arg16[%get3A_112], %broadcast_in_dim3A_2 {add = true} : memref<10000xf32, #tpu.memory_space<vmem>>[vector<16xi32>], vector<16xf32>,
    %get3A_115 = arith.constant 96 : index
    %get3A_116 = tpu.vector_load %arg7[%get3A_115] {strides = array<i32>} : memref<112xi32, #tpu.memory_space<vmem>>, vector<16xi32>,
    %get3A_117 = arith.constant 96 : index
    %get3A_118 = tpu.vector_load %arg6[%get3A_117] {strides = array<i32>} : memref<112xi32, #tpu.memory_space<vmem>>, vector<16xi32>,
    %swap3A_119 = arith.constant 96 : index
    %swap3A_120 = tpu.vector_load %arg10[%swap3A_119] {strides = array<i32>} : memref<112xi32, #tpu.memory_space<vmem>>, vector<16xi32>,
    tpu.vector_store %arg10[%swap3A_119], %get3A_116 {strides = array<i32>} : memref<112xi32, #tpu.memory_space<vmem>>, vector<16xi32>,
    tpu.vector_store_idx %arg15[%get3A_116], %broadcast_in_dim3A_2 {add = true} : memref<10000xf32, #tpu.memory_space<vmem>>[vector<16xi32>], vector<16xf32>,
    tpu.vector_store_idx %arg16[%get3A_118], %broadcast_in_dim3A_2 {add = true} : memref<10000xf32, #tpu.memory_space<vmem>>[vector<16xi32>], vector<16xf32>,
    %dma_start3A_121 = arith.constant 0 : i32
    %dma_start3A_122 = arith.constant 0 : i32
    %dma_start3A_123 = tpu.memref_slice %arg17[%dma_start3A_121, %dma_start3A_122] : memref<10000x128xf32, #tpu.memory_space<vmem_shared>> -> memref<10000x128xf32, #tpu.memory_space<vmem_shared>>
    tpu.enqueue_indirect_dma source(%arg13 : memref<112x128xf32, #tpu.memory_space<vmem>>) target(%dma_start3A_123 : memref<10000x128xf32, #tpu.memory_space<vmem_shared>>) offsets(%arg10 : memref<112xi32, #tpu.memory_space<vmem>>) semaphore(%arg24 : memref<!tpu.dma_semaphore, #tpu.memory_space<semaphore_mem>>) {add = true}
    %dma_wait3A_124 = arith.constant 0 : i32
    %dma_wait3A_125 = arith.constant 0 : i32
    %dma_wait3A_126 = tpu.memref_slice %arg17[%dma_wait3A_124, %dma_wait3A_125] : memref<10000x128xf32, #tpu.memory_space<vmem_shared>> -> memref<10000x128xf32, #tpu.memory_space<vmem_shared>>
    tpu.wait_indirect_dma semaphore(%arg24 : memref<!tpu.dma_semaphore, #tpu.memory_space<semaphore_mem>>) src(%arg13 : memref<112x128xf32, #tpu.memory_space<vmem>>) dst(%dma_wait3A_126 : memref<10000x128xf32, #tpu.memory_space<vmem_shared>>)
    %mul3A_127 = arith.constant 10000 : i32
    %mul3A_128 = arith.muli %add3A, %mul3A_127 : i32
    %add3A_129 = arith.constant 9968 : i32
    %add3A_130 = arith.addi %mul3A_128, %add3A_129 : i32
    %multiple_of3A_131 = tpu.assume_multiple %add3A_130, 8 : i32
    %dma_start3A_132 = arith.constant 0 : i32
    %dma_start3A_133 = tpu.memref_slice %arg6[%dma_start3A_132] : memref<112xi32, #tpu.memory_space<vmem>> -> memref<32xi32, #tpu.memory_space<vmem>>
    %dma_start3A_134 = tpu.memref_slice %arg3[%multiple_of3A_131] : memref<640000xi32, #tpu.memory_space<hbm>> -> memref<32xi32, #tpu.memory_space<hbm>>
    %dma_start3A_135 = arith.constant 0 : i32
    %dma_start3A_136 = tpu.memref_slice %arg6[%dma_start3A_135] : memref<112xi32, #tpu.memory_space<vmem>> -> memref<32xi32, #tpu.memory_space<vmem>>
    %dma_start3A_137 = tpu.memref_slice %arg3[%multiple_of3A_131] : memref<640000xi32, #tpu.memory_space<hbm>> -> memref<32xi32, #tpu.memory_space<hbm>>
    tpu.enqueue_dma source(%dma_start3A_137 : memref<32xi32, #tpu.memory_space<hbm>>) target(%dma_start3A_136 : memref<32xi32, #tpu.memory_space<vmem>>) target_semaphore(%arg20 : memref<!tpu.dma_semaphore, #tpu.memory_space<semaphore_mem>>)
    %add3A_138 = arith.constant 320000 : i32
    %add3A_139 = arith.addi %add3A_138, %multiple_of3A_131 : i32
    %dma_start3A_140 = arith.constant 0 : i32
    %dma_start3A_141 = tpu.memref_slice %arg7[%dma_start3A_140] : memref<112xi32, #tpu.memory_space<vmem>> -> memref<32xi32, #tpu.memory_space<vmem>>
    %dma_start3A_142 = tpu.memref_slice %arg3[%add3A_139] : memref<640000xi32, #tpu.memory_space<hbm>> -> memref<32xi32, #tpu.memory_space<hbm>>
    %dma_start3A_143 = arith.constant 0 : i32
    %dma_start3A_144 = tpu.memref_slice %arg7[%dma_start3A_143] : memref<112xi32, #tpu.memory_space<vmem>> -> memref<32xi32, #tpu.memory_space<vmem>>
    %dma_start3A_145 = tpu.memref_slice %arg3[%add3A_139] : memref<640000xi32, #tpu.memory_space<hbm>> -> memref<32xi32, #tpu.memory_space<hbm>>
    tpu.enqueue_dma source(%dma_start3A_145 : memref<32xi32, #tpu.memory_space<hbm>>) target(%dma_start3A_144 : memref<32xi32, #tpu.memory_space<vmem>>) target_semaphore(%arg21 : memref<!tpu.dma_semaphore, #tpu.memory_space<semaphore_mem>>)
    %dma_wait3A_146 = arith.constant 0 : i32
    %dma_wait3A_147 = tpu.memref_slice %arg6[%dma_wait3A_146] : memref<112xi32, #tpu.memory_space<vmem>> -> memref<32xi32, #tpu.memory_space<vmem>>
    %dma_wait3A_148 = arith.constant 0 : i32
    %dma_wait3A_149 = tpu.memref_slice %arg3[%dma_wait3A_148] : memref<640000xi32, #tpu.memory_space<hbm>> -> memref<32xi32, #tpu.memory_space<hbm>>
    %dma_wait3A_150 = arith.constant 0 : i32
    %dma_wait3A_151 = tpu.memref_slice %arg6[%dma_wait3A_150] : memref<112xi32, #tpu.memory_space<vmem>> -> memref<32xi32, #tpu.memory_space<vmem>>
    %dma_wait3A_152 = arith.constant 0 : i32
    %dma_wait3A_153 = tpu.memref_slice %arg3[%dma_wait3A_152] : memref<640000xi32, #tpu.memory_space<hbm>> -> memref<32xi32, #tpu.memory_space<hbm>>
    tpu.wait_dma2 semaphore(%arg20 : memref<!tpu.dma_semaphore, #tpu.memory_space<semaphore_mem>>) src(%dma_wait3A_153 : memref<32xi32, #tpu.memory_space<hbm>>) dst(%dma_wait3A_151 : memref<32xi32, #tpu.memory_space<vmem>>)
    %dma_wait3A_154 = arith.constant 0 : i32
    %dma_wait3A_155 = tpu.memref_slice %arg7[%dma_wait3A_154] : memref<112xi32, #tpu.memory_space<vmem>> -> memref<32xi32, #tpu.memory_space<vmem>>
    %dma_wait3A_156 = arith.constant 0 : i32
    %dma_wait3A_157 = tpu.memref_slice %arg3[%dma_wait3A_156] : memref<640000xi32, #tpu.memory_space<hbm>> -> memref<32xi32, #tpu.memory_space<hbm>>
    %dma_wait3A_158 = arith.constant 0 : i32
    %dma_wait3A_159 = tpu.memref_slice %arg7[%dma_wait3A_158] : memref<112xi32, #tpu.memory_space<vmem>> -> memref<32xi32, #tpu.memory_space<vmem>>
    %dma_wait3A_160 = arith.constant 0 : i32
    %dma_wait3A_161 = tpu.memref_slice %arg3[%dma_wait3A_160] : memref<640000xi32, #tpu.memory_space<hbm>> -> memref<32xi32, #tpu.memory_space<hbm>>
    tpu.wait_dma2 semaphore(%arg21 : memref<!tpu.dma_semaphore, #tpu.memory_space<semaphore_mem>>) src(%dma_wait3A_161 : memref<32xi32, #tpu.memory_space<hbm>>) dst(%dma_wait3A_159 : memref<32xi32, #tpu.memory_space<vmem>>)
    %dma_start3A_162 = arith.constant 0 : i32
    %dma_start3A_163 = arith.constant 0 : i32
    %dma_start3A_164 = tpu.memref_slice %arg13[%dma_start3A_162, %dma_start3A_163] : memref<112x128xf32, #tpu.memory_space<vmem>> -> memref<32x128xf32, #tpu.memory_space<vmem>>
    %dma_start3A_165 = arith.constant 0 : i32
    %dma_start3A_166 = tpu.memref_slice %arg6[%dma_start3A_165] : memref<112xi32, #tpu.memory_space<vmem>> -> memref<32xi32, #tpu.memory_space<vmem>>
    %dma_start3A_167 = arith.constant 0 : i32
    %dma_start3A_168 = arith.constant 0 : i32
    %dma_start3A_169 = tpu.memref_slice %arg2[%dma_start3A_167, %dma_start3A_168] : memref<10000x128xf32, #tpu.memory_space<hbm>> -> memref<10000x128xf32, #tpu.memory_space<hbm>>
    tpu.enqueue_indirect_dma source(%dma_start3A_169 : memref<10000x128xf32, #tpu.memory_space<hbm>>) target(%dma_start3A_164 : memref<32x128xf32, #tpu.memory_space<vmem>>) offsets(%dma_start3A_166 : memref<32xi32, #tpu.memory_space<vmem>>) semaphore(%arg22 : memref<!tpu.dma_semaphore, #tpu.memory_space<semaphore_mem>>)
    %dma_wait3A_170 = arith.constant 0 : i32
    %dma_wait3A_171 = arith.constant 0 : i32
    %dma_wait3A_172 = tpu.memref_slice %arg13[%dma_wait3A_170, %dma_wait3A_171] : memref<112x128xf32, #tpu.memory_space<vmem>> -> memref<32x128xf32, #tpu.memory_space<vmem>>
    %dma_wait3A_173 = arith.constant 0 : i32
    %dma_wait3A_174 = tpu.memref_slice %arg6[%dma_wait3A_173] : memref<112xi32, #tpu.memory_space<vmem>> -> memref<32xi32, #tpu.memory_space<vmem>>
    %dma_wait3A_175 = arith.constant 0 : i32
    %dma_wait3A_176 = arith.constant 0 : i32
    %dma_wait3A_177 = tpu.memref_slice %arg2[%dma_wait3A_175, %dma_wait3A_176] : memref<10000x128xf32, #tpu.memory_space<hbm>> -> memref<10000x128xf32, #tpu.memory_space<hbm>>
    tpu.wait_indirect_dma semaphore(%arg22 : memref<!tpu.dma_semaphore, #tpu.memory_space<semaphore_mem>>) src(%dma_wait3A_177 : memref<10000x128xf32, #tpu.memory_space<hbm>>) dst(%dma_wait3A_172 : memref<32x128xf32, #tpu.memory_space<vmem>>)
    %get3A_178 = arith.constant 0 : index
    %get3A_179 = tpu.vector_load %arg7[%get3A_178] {strides = array<i32>} : memref<112xi32, #tpu.memory_space<vmem>>, vector<16xi32>,
    %get3A_180 = arith.constant 0 : index
    %get3A_181 = tpu.vector_load %arg6[%get3A_180] {strides = array<i32>} : memref<112xi32, #tpu.memory_space<vmem>>, vector<16xi32>,
    %swap3A_182 = arith.constant 0 : index
    %swap3A_183 = tpu.vector_load %arg11[%swap3A_182] {strides = array<i32>} : memref<32xi32, #tpu.memory_space<vmem>>, vector<16xi32>,
    tpu.vector_store %arg11[%swap3A_182], %get3A_179 {strides = array<i32>} : memref<32xi32, #tpu.memory_space<vmem>>, vector<16xi32>,
    tpu.vector_store_idx %arg15[%get3A_179], %broadcast_in_dim3A_2 {add = true} : memref<10000xf32, #tpu.memory_space<vmem>>[vector<16xi32>], vector<16xf32>,
    tpu.vector_store_idx %arg16[%get3A_181], %broadcast_in_dim3A_2 {add = true} : memref<10000xf32, #tpu.memory_space<vmem>>[vector<16xi32>], vector<16xf32>,
    %get3A_184 = arith.constant 16 : index
    %get3A_185 = tpu.vector_load %arg7[%get3A_184] {strides = array<i32>} : memref<112xi32, #tpu.memory_space<vmem>>, vector<16xi32>,
    %get3A_186 = arith.constant 16 : index
    %get3A_187 = tpu.vector_load %arg6[%get3A_186] {strides = array<i32>} : memref<112xi32, #tpu.memory_space<vmem>>, vector<16xi32>,
    %swap3A_188 = arith.constant 16 : index
    %swap3A_189 = tpu.vector_load %arg11[%swap3A_188] {strides = array<i32>} : memref<32xi32, #tpu.memory_space<vmem>>, vector<16xi32>,
    tpu.vector_store %arg11[%swap3A_188], %get3A_185 {strides = array<i32>} : memref<32xi32, #tpu.memory_space<vmem>>, vector<16xi32>,
    tpu.vector_store_idx %arg15[%get3A_185], %broadcast_in_dim3A_2 {add = true} : memref<10000xf32, #tpu.memory_space<vmem>>[vector<16xi32>], vector<16xf32>,
    tpu.vector_store_idx %arg16[%get3A_187], %broadcast_in_dim3A_2 {add = true} : memref<10000xf32, #tpu.memory_space<vmem>>[vector<16xi32>], vector<16xf32>,
    "tpu.region"() ({
      %run_scoped3A = tpu.sem_alloc : memref<!tpu.dma_semaphore, #tpu.memory_space<semaphore_mem>>
      %dma_start3A_214 = arith.constant 0 : i32
      %dma_start3A_215 = arith.constant 0 : i32
      %dma_start3A_216 = tpu.memref_slice %arg13[%dma_start3A_214, %dma_start3A_215] : memref<112x128xf32, #tpu.memory_space<vmem>> -> memref<32x128xf32, #tpu.memory_space<vmem>>
      %dma_start3A_217 = arith.constant 0 : i32
      %dma_start3A_218 = arith.constant 0 : i32
      %dma_start3A_219 = tpu.memref_slice %arg17[%dma_start3A_217, %dma_start3A_218] : memref<10000x128xf32, #tpu.memory_space<vmem_shared>> -> memref<10000x128xf32, #tpu.memory_space<vmem_shared>>
      tpu.enqueue_indirect_dma source(%dma_start3A_216 : memref<32x128xf32, #tpu.memory_space<vmem>>) target(%dma_start3A_219 : memref<10000x128xf32, #tpu.memory_space<vmem_shared>>) offsets(%arg11 : memref<32xi32, #tpu.memory_space<vmem>>) semaphore(%run_scoped3A : memref<!tpu.dma_semaphore, #tpu.memory_space<semaphore_mem>>) {add = true}
      %dma_wait3A_220 = arith.constant 0 : i32
      %dma_wait3A_221 = arith.constant 0 : i32
      %dma_wait3A_222 = tpu.memref_slice %arg13[%dma_wait3A_220, %dma_wait3A_221] : memref<112x128xf32, #tpu.memory_space<vmem>> -> memref<32x128xf32, #tpu.memory_space<vmem>>
      %dma_wait3A_223 = arith.constant 0 : i32
      %dma_wait3A_224 = arith.constant 0 : i32
      %dma_wait3A_225 = tpu.memref_slice %arg17[%dma_wait3A_223, %dma_wait3A_224] : memref<10000x128xf32, #tpu.memory_space<vmem_shared>> -> memref<10000x128xf32, #tpu.memory_space<vmem_shared>>
      tpu.wait_indirect_dma semaphore(%run_scoped3A : memref<!tpu.dma_semaphore, #tpu.memory_space<semaphore_mem>>) src(%dma_wait3A_222 : memref<32x128xf32, #tpu.memory_space<vmem>>) dst(%dma_wait3A_225 : memref<10000x128xf32, #tpu.memory_space<vmem_shared>>)
      tpu.yield
    }) : () -> ()
    %barrier3A_190 = arith.constant 0 : index
    tpu.barrier barrier_id(%barrier3A_190)
    %scan3A_191 = arith.constant 0 : i32
    %scan3A_192 = arith.constant 0 : i32
    %scan3A_193 = arith.constant 125 : i32
    %scan3A_194 = arith.addi %scan3A_192, %scan3A_193 : i32
    %scan3A_195 = arith.constant 1 : i32
    %scan3A_196 = scf.for %scan3A_214 = %scan3A_192 to %scan3A_194 step %scan3A_195 iter_args(%scan3A_215 = %scan3A_191) -> (i32)  : i32 {
      %mul3A_216 = arith.constant 80 : i32
      %mul3A_217 = arith.muli %scan3A_214, %mul3A_216 : i32
      %add3A_218 = arith.constant 0 : i32
      %add3A_219 = arith.addi %mul3A_217, %add3A_218 : i32
      %iota3A = tpu.iota {dimensions = array<i32: 0>} : vector<16xi32>
      %add3A_220 = vector.broadcast %add3A_219 : i32 to vector<16xi32>
      %add3A_221 = arith.addi %add3A_220, %iota3A : vector<16xi32>
      %swap3A_222 = arith.constant 0 : index
      %swap3A_223 = tpu.vector_load %arg12[%swap3A_222] {strides = array<i32>} : memref<80xi32, #tpu.memory_space<vmem>>, vector<16xi32>,
      tpu.vector_store %arg12[%swap3A_222], %add3A_221 {strides = array<i32>} : memref<80xi32, #tpu.memory_space<vmem>>, vector<16xi32>,
      %add3A_224 = arith.constant 16 : i32
      %add3A_225 = arith.addi %mul3A_217, %add3A_224 : i32
      %iota3A_226 = tpu.iota {dimensions = array<i32: 0>} : vector<16xi32>
      %add3A_227 = vector.broadcast %add3A_225 : i32 to vector<16xi32>
      %add3A_228 = arith.addi %add3A_227, %iota3A_226 : vector<16xi32>
      %swap3A_229 = arith.constant 16 : index
      %swap3A_230 = tpu.vector_load %arg12[%swap3A_229] {strides = array<i32>} : memref<80xi32, #tpu.memory_space<vmem>>, vector<16xi32>,
      tpu.vector_store %arg12[%swap3A_229], %add3A_228 {strides = array<i32>} : memref<80xi32, #tpu.memory_space<vmem>>, vector<16xi32>,
      %add3A_231 = arith.constant 32 : i32
      %add3A_232 = arith.addi %mul3A_217, %add3A_231 : i32
      %iota3A_233 = tpu.iota {dimensions = array<i32: 0>} : vector<16xi32>
      %add3A_234 = vector.broadcast %add3A_232 : i32 to vector<16xi32>
      %add3A_235 = arith.addi %add3A_234, %iota3A_233 : vector<16xi32>
      %swap3A_236 = arith.constant 32 : index
      %swap3A_237 = tpu.vector_load %arg12[%swap3A_236] {strides = array<i32>} : memref<80xi32, #tpu.memory_space<vmem>>, vector<16xi32>,
      tpu.vector_store %arg12[%swap3A_236], %add3A_235 {strides = array<i32>} : memref<80xi32, #tpu.memory_space<vmem>>, vector<16xi32>,
      %add3A_238 = arith.constant 48 : i32
      %add3A_239 = arith.addi %mul3A_217, %add3A_238 : i32
      %iota3A_240 = tpu.iota {dimensions = array<i32: 0>} : vector<16xi32>
      %add3A_241 = vector.broadcast %add3A_239 : i32 to vector<16xi32>
      %add3A_242 = arith.addi %add3A_241, %iota3A_240 : vector<16xi32>
      %swap3A_243 = arith.constant 48 : index
      %swap3A_244 = tpu.vector_load %arg12[%swap3A_243] {strides = array<i32>} : memref<80xi32, #tpu.memory_space<vmem>>, vector<16xi32>,
      tpu.vector_store %arg12[%swap3A_243], %add3A_242 {strides = array<i32>} : memref<80xi32, #tpu.memory_space<vmem>>, vector<16xi32>,
      %add3A_245 = arith.constant 64 : i32
      %add3A_246 = arith.addi %mul3A_217, %add3A_245 : i32
      %iota3A_247 = tpu.iota {dimensions = array<i32: 0>} : vector<16xi32>
      %add3A_248 = vector.broadcast %add3A_246 : i32 to vector<16xi32>
      %add3A_249 = arith.addi %add3A_248, %iota3A_247 : vector<16xi32>
      %swap3A_250 = arith.constant 64 : index
      %swap3A_251 = tpu.vector_load %arg12[%swap3A_250] {strides = array<i32>} : memref<80xi32, #tpu.memory_space<vmem>>, vector<16xi32>,
      tpu.vector_store %arg12[%swap3A_250], %add3A_249 {strides = array<i32>} : memref<80xi32, #tpu.memory_space<vmem>>, vector<16xi32>,
      "tpu.region"() ({
        %run_scoped3A = tpu.sem_alloc : memref<!tpu.dma_semaphore, #tpu.memory_space<semaphore_mem>>
        %dma_start3A_253 = tpu.memref_slice %arg15[%mul3A_217] : memref<10000xf32, #tpu.memory_space<vmem>> -> memref<80xf32, #tpu.memory_space<vmem>>
        %dma_start3A_254 = arith.constant 0 : i32
        %dma_start3A_255 = tpu.memref_slice %arg18[%dma_start3A_254] : memref<10000xf32, #tpu.memory_space<vmem_shared>> -> memref<10000xf32, #tpu.memory_space<vmem_shared>>
        tpu.enqueue_indirect_dma source(%dma_start3A_253 : memref<80xf32, #tpu.memory_space<vmem>>) target(%dma_start3A_255 : memref<10000xf32, #tpu.memory_space<vmem_shared>>) offsets(%arg12 : memref<80xi32, #tpu.memory_space<vmem>>) semaphore(%run_scoped3A : memref<!tpu.dma_semaphore, #tpu.memory_space<semaphore_mem>>) {add = true}
        %dma_wait3A_256 = tpu.memref_slice %arg15[%mul3A_217] : memref<10000xf32, #tpu.memory_space<vmem>> -> memref<80xf32, #tpu.memory_space<vmem>>
        %dma_wait3A_257 = arith.constant 0 : i32
        %dma_wait3A_258 = tpu.memref_slice %arg18[%dma_wait3A_257] : memref<10000xf32, #tpu.memory_space<vmem_shared>> -> memref<10000xf32, #tpu.memory_space<vmem_shared>>
        tpu.wait_indirect_dma semaphore(%run_scoped3A : memref<!tpu.dma_semaphore, #tpu.memory_space<semaphore_mem>>) src(%dma_wait3A_256 : memref<80xf32, #tpu.memory_space<vmem>>) dst(%dma_wait3A_258 : memref<10000xf32, #tpu.memory_space<vmem_shared>>)
        tpu.yield
      }) : () -> ()
      "tpu.region"() ({
        %run_scoped3A = tpu.sem_alloc : memref<!tpu.dma_semaphore, #tpu.memory_space<semaphore_mem>>
        %dma_start3A_253 = tpu.memref_slice %arg16[%mul3A_217] : memref<10000xf32, #tpu.memory_space<vmem>> -> memref<80xf32, #tpu.memory_space<vmem>>
        %dma_start3A_254 = arith.constant 0 : i32
        %dma_start3A_255 = tpu.memref_slice %arg19[%dma_start3A_254] : memref<10000xf32, #tpu.memory_space<vmem_shared>> -> memref<10000xf32, #tpu.memory_space<vmem_shared>>
        tpu.enqueue_indirect_dma source(%dma_start3A_253 : memref<80xf32, #tpu.memory_space<vmem>>) target(%dma_start3A_255 : memref<10000xf32, #tpu.memory_space<vmem_shared>>) offsets(%arg12 : memref<80xi32, #tpu.memory_space<vmem>>) semaphore(%run_scoped3A : memref<!tpu.dma_semaphore, #tpu.memory_space<semaphore_mem>>) {add = true}
        %dma_wait3A_256 = tpu.memref_slice %arg16[%mul3A_217] : memref<10000xf32, #tpu.memory_space<vmem>> -> memref<80xf32, #tpu.memory_space<vmem>>
        %dma_wait3A_257 = arith.constant 0 : i32
        %dma_wait3A_258 = tpu.memref_slice %arg19[%dma_wait3A_257] : memref<10000xf32, #tpu.memory_space<vmem_shared>> -> memref<10000xf32, #tpu.memory_space<vmem_shared>>
        tpu.wait_indirect_dma semaphore(%run_scoped3A : memref<!tpu.dma_semaphore, #tpu.memory_space<semaphore_mem>>) src(%dma_wait3A_256 : memref<80xf32, #tpu.memory_space<vmem>>) dst(%dma_wait3A_258 : memref<10000xf32, #tpu.memory_space<vmem_shared>>)
        tpu.yield
      }) : () -> ()
      %scan3A_252 = arith.constant 0 : i32
      scf.yield %scan3A_252 : i32
    }
    %scan3A_197 = arith.constant 125 : i32
    %barrier3A_198 = arith.constant 0 : index
    tpu.barrier barrier_id(%barrier3A_198)
    %lt3A_199 = arith.constant 15 : i32
    %lt3A_200 = arith.cmpi slt, %arg1, %lt3A_199 : i32
    %convert_element_type3A_201 = arith.extui %lt3A_200 : i1 to i32
    %cond3A_202 = arith.constant 0 : i32
    %cond3A_203 = arith.cmpi ne, %convert_element_type3A_201, %cond3A_202 : i32
    scf.if %cond3A_203 {
      "tpu.region"() ({
        %run_scoped3A = tpu.sem_alloc : memref<!tpu.dma_semaphore, #tpu.memory_space<semaphore_mem>>
        %dma_start3A_214 = arith.constant 0 : i32
        %dma_start3A_215 = tpu.memref_slice %arg4[%arg0, %mul3A_38, %dma_start3A_214] : memref<2x10000x128xf32, #tpu.memory_space<hbm>> -> memref<1x640x128xf32, #tpu.memory_space<hbm>>
        %dma_start3A_216 = tpu.memref_squeeze %dma_start3A_215 : memref<1x640x128xf32, #tpu.memory_space<hbm>> -> memref<640x128xf32, #tpu.memory_space<hbm>>
        %dma_start3A_217 = arith.constant 0 : i32
        %dma_start3A_218 = tpu.memref_slice %arg17[%mul3A_38, %dma_start3A_217] : memref<10000x128xf32, #tpu.memory_space<vmem_shared>> -> memref<640x128xf32, #tpu.memory_space<vmem_shared>>
        tpu.enqueue_dma source(%dma_start3A_218 : memref<640x128xf32, #tpu.memory_space<vmem_shared>>) target(%dma_start3A_216 : memref<640x128xf32, #tpu.memory_space<hbm>>) target_semaphore(%run_scoped3A : memref<!tpu.dma_semaphore, #tpu.memory_space<semaphore_mem>>)
        %dma_wait3A_219 = arith.constant 0 : i32
        %dma_wait3A_220 = tpu.memref_slice %arg4[%arg0, %mul3A_38, %dma_wait3A_219] : memref<2x10000x128xf32, #tpu.memory_space<hbm>> -> memref<1x640x128xf32, #tpu.memory_space<hbm>>
        %dma_wait3A_221 = tpu.memref_squeeze %dma_wait3A_220 : memref<1x640x128xf32, #tpu.memory_space<hbm>> -> memref<640x128xf32, #tpu.memory_space<hbm>>
        %dma_wait3A_222 = arith.constant 0 : i32
        %dma_wait3A_223 = tpu.memref_slice %arg17[%mul3A_38, %dma_wait3A_222] : memref<10000x128xf32, #tpu.memory_space<vmem_shared>> -> memref<640x128xf32, #tpu.memory_space<vmem_shared>>
        tpu.wait_dma2 semaphore(%run_scoped3A : memref<!tpu.dma_semaphore, #tpu.memory_space<semaphore_mem>>) src(%dma_wait3A_223 : memref<640x128xf32, #tpu.memory_space<vmem_shared>>) dst(%dma_wait3A_221 : memref<640x128xf32, #tpu.memory_space<hbm>>)
        tpu.yield
      }) : () -> ()
    } else {
    }
    %eq3A_204 = arith.constant 15 : i32
    %eq3A_205 = arith.cmpi eq, %arg1, %eq3A_204 : i32
    %convert_element_type3A_206 = arith.extui %eq3A_205 : i1 to i32
    %cond3A_207 = arith.constant 0 : i32
    %cond3A_208 = arith.cmpi ne, %convert_element_type3A_206, %cond3A_207 : i32
    scf.if %cond3A_208 {
      "tpu.region"() ({
        %run_scoped3A = tpu.sem_alloc : memref<!tpu.dma_semaphore, #tpu.memory_space<semaphore_mem>>
        %dma_start3A_214 = arith.constant 0 : i32
        %dma_start3A_215 = tpu.memref_slice %arg4[%arg0, %mul3A_38, %dma_start3A_214] : memref<2x10000x128xf32, #tpu.memory_space<hbm>> -> memref<1x400x128xf32, #tpu.memory_space<hbm>>
        %dma_start3A_216 = tpu.memref_squeeze %dma_start3A_215 : memref<1x400x128xf32, #tpu.memory_space<hbm>> -> memref<400x128xf32, #tpu.memory_space<hbm>>
        %dma_start3A_217 = arith.constant 0 : i32
        %dma_start3A_218 = tpu.memref_slice %arg17[%mul3A_38, %dma_start3A_217] : memref<10000x128xf32, #tpu.memory_space<vmem_shared>> -> memref<400x128xf32, #tpu.memory_space<vmem_shared>>
        tpu.enqueue_dma source(%dma_start3A_218 : memref<400x128xf32, #tpu.memory_space<vmem_shared>>) target(%dma_start3A_216 : memref<400x128xf32, #tpu.memory_space<hbm>>) target_semaphore(%run_scoped3A : memref<!tpu.dma_semaphore, #tpu.memory_space<semaphore_mem>>)
        %dma_wait3A_219 = arith.constant 0 : i32
        %dma_wait3A_220 = tpu.memref_slice %arg4[%arg0, %mul3A_38, %dma_wait3A_219] : memref<2x10000x128xf32, #tpu.memory_space<hbm>> -> memref<1x400x128xf32, #tpu.memory_space<hbm>>
        %dma_wait3A_221 = tpu.memref_squeeze %dma_wait3A_220 : memref<1x400x128xf32, #tpu.memory_space<hbm>> -> memref<400x128xf32, #tpu.memory_space<hbm>>
        %dma_wait3A_222 = arith.constant 0 : i32
        %dma_wait3A_223 = tpu.memref_slice %arg17[%mul3A_38, %dma_wait3A_222] : memref<10000x128xf32, #tpu.memory_space<vmem_shared>> -> memref<400x128xf32, #tpu.memory_space<vmem_shared>>
        tpu.wait_dma2 semaphore(%run_scoped3A : memref<!tpu.dma_semaphore, #tpu.memory_space<semaphore_mem>>) src(%dma_wait3A_223 : memref<400x128xf32, #tpu.memory_space<vmem_shared>>) dst(%dma_wait3A_221 : memref<400x128xf32, #tpu.memory_space<hbm>>)
        tpu.yield
      }) : () -> ()
    } else {
    }
    %eq3A_209 = arith.constant 0 : i32
    %eq3A_210 = arith.cmpi eq, %arg1, %eq3A_209 : i32
    %convert_element_type3A_211 = arith.extui %eq3A_210 : i1 to i32
    %cond3A_212 = arith.constant 0 : i32
    %cond3A_213 = arith.cmpi ne, %convert_element_type3A_211, %cond3A_212 : i32
    scf.if %cond3A_213 {
      %run_scoped3A = arith.constant 0 : i32
      "tpu.region"() ({
        %run_scoped3A_215 = tpu.sem_alloc : memref<!tpu.dma_semaphore, #tpu.memory_space<semaphore_mem>>
        %dma_start3A_216 = arith.constant 0 : i32
        %dma_start3A_217 = tpu.memref_slice %arg5[%arg0, %run_scoped3A, %dma_start3A_216] : memref<2x2x10000xf32, #tpu.memory_space<hbm>> -> memref<1x1x10000xf32, #tpu.memory_space<hbm>>
        %dma_start3A_218 = tpu.memref_squeeze %dma_start3A_217 : memref<1x1x10000xf32, #tpu.memory_space<hbm>> -> memref<10000xf32, #tpu.memory_space<hbm>>
        tpu.enqueue_dma source(%arg18 : memref<10000xf32, #tpu.memory_space<vmem_shared>>) target(%dma_start3A_218 : memref<10000xf32, #tpu.memory_space<hbm>>) target_semaphore(%run_scoped3A_215 : memref<!tpu.dma_semaphore, #tpu.memory_space<semaphore_mem>>)
        %dma_wait3A_219 = arith.constant 0 : i32
        %dma_wait3A_220 = tpu.memref_slice %arg5[%arg0, %run_scoped3A, %dma_wait3A_219] : memref<2x2x10000xf32, #tpu.memory_space<hbm>> -> memref<1x1x10000xf32, #tpu.memory_space<hbm>>
        %dma_wait3A_221 = tpu.memref_squeeze %dma_wait3A_220 : memref<1x1x10000xf32, #tpu.memory_space<hbm>> -> memref<10000xf32, #tpu.memory_space<hbm>>
        tpu.wait_dma2 semaphore(%run_scoped3A_215 : memref<!tpu.dma_semaphore, #tpu.memory_space<semaphore_mem>>) src(%arg18 : memref<10000xf32, #tpu.memory_space<vmem_shared>>) dst(%dma_wait3A_221 : memref<10000xf32, #tpu.memory_space<hbm>>)
        tpu.yield
      }) : () -> ()
      %run_scoped3A_214 = arith.constant 1 : i32
      "tpu.region"() ({
        %run_scoped3A_215 = tpu.sem_alloc : memref<!tpu.dma_semaphore, #tpu.memory_space<semaphore_mem>>
        %dma_start3A_216 = arith.constant 0 : i32
        %dma_start3A_217 = tpu.memref_slice %arg5[%arg0, %run_scoped3A_214, %dma_start3A_216] : memref<2x2x10000xf32, #tpu.memory_space<hbm>> -> memref<1x1x10000xf32, #tpu.memory_space<hbm>>
        %dma_start3A_218 = tpu.memref_squeeze %dma_start3A_217 : memref<1x1x10000xf32, #tpu.memory_space<hbm>> -> memref<10000xf32, #tpu.memory_space<hbm>>
        tpu.enqueue_dma source(%arg19 : memref<10000xf32, #tpu.memory_space<vmem_shared>>) target(%dma_start3A_218 : memref<10000xf32, #tpu.memory_space<hbm>>) target_semaphore(%run_scoped3A_215 : memref<!tpu.dma_semaphore, #tpu.memory_space<semaphore_mem>>)
        %dma_wait3A_219 = arith.constant 0 : i32
        %dma_wait3A_220 = tpu.memref_slice %arg5[%arg0, %run_scoped3A_214, %dma_wait3A_219] : memref<2x2x10000xf32, #tpu.memory_space<hbm>> -> memref<1x1x10000xf32, #tpu.memory_space<hbm>>
        %dma_wait3A_221 = tpu.memref_squeeze %dma_wait3A_220 : memref<1x1x10000xf32, #tpu.memory_space<hbm>> -> memref<10000xf32, #tpu.memory_space<hbm>>
        tpu.wait_dma2 semaphore(%run_scoped3A_215 : memref<!tpu.dma_semaphore, #tpu.memory_space<semaphore_mem>>) src(%arg19 : memref<10000xf32, #tpu.memory_space<vmem_shared>>) dst(%dma_wait3A_221 : memref<10000xf32, #tpu.memory_space<hbm>>)
        tpu.yield
      }) : () -> ()
    } else {
    }
    return
  }
}

#map = affine_map<(d0, d1) -> (0, 0)>
#map1 = affine_map<(d0, d1) -> (0)>
module attributes {stable_mosaic.version = 14 : i64} {
  func.func @k(%arg0: i32, %arg1: i32, %arg2: memref<10240x128xf32, #tpu.memory_space<hbm>>, %arg3: memref<10240xi32, #tpu.memory_space<hbm>>, %arg4: memref<10240x128xf32, #tpu.memory_space<hbm>>, %arg5: memref<80xi32, #tpu.memory_space<vmem>>, %arg6: memref<80x128xf32, #tpu.memory_space<vmem>>, %arg7: memref<!tpu.dma_semaphore, #tpu.memory_space<semaphore_mem>>) attributes {dimension_semantics = [#tpu.dimension_semantics<core_parallel>, #tpu.dimension_semantics<subcore_parallel>], iteration_bounds = array<i64: 2, 16>, scalar_prefetch = 0 : i64, scratch_operands = 3 : i64, tpu.core_type = #tpu.core_type<sc_vector_subcore>, window_params = [{transform_indices = #map}, {transform_indices = #map1}, {transform_indices = #map}]} {
    %mul3A = arith.constant 2 : i32
    %mul3A_0 = arith.muli %arg1, %mul3A : i32
    %add3A = arith.addi %mul3A_0, %arg0 : i32
    %mul3A_1 = arith.constant 320 : i32
    %mul3A_2 = arith.muli %add3A, %mul3A_1 : i32
    %scan3A = arith.constant 0 : i32
    %scan3A_3 = arith.constant 0 : i32
    %scan3A_4 = arith.constant 4 : i32
    %scan3A_5 = arith.addi %scan3A_3, %scan3A_4 : i32
    %scan3A_6 = arith.constant 1 : i32
    %scan3A_7 = scf.for %scan3A_9 = %scan3A_3 to %scan3A_5 step %scan3A_6 iter_args(%scan3A_10 = %scan3A) -> (i32)  : i32 {
      %mul3A_11 = arith.constant 80 : i32
      %mul3A_12 = arith.muli %scan3A_9, %mul3A_11 : i32
      %add3A_13 = arith.addi %mul3A_2, %mul3A_12 : i32
      "tpu.region"() ({
        %run_scoped3A = tpu.sem_alloc : memref<!tpu.dma_semaphore, #tpu.memory_space<semaphore_mem>>
        %dma_start3A_19 = tpu.memref_slice %arg3[%add3A_13] : memref<10240xi32, #tpu.memory_space<hbm>> -> memref<80xi32, #tpu.memory_space<hbm>>
        %dma_start3A_20 = tpu.memref_slice %arg3[%add3A_13] : memref<10240xi32, #tpu.memory_space<hbm>> -> memref<80xi32, #tpu.memory_space<hbm>>
        tpu.enqueue_dma source(%dma_start3A_20 : memref<80xi32, #tpu.memory_space<hbm>>) target(%arg5 : memref<80xi32, #tpu.memory_space<vmem>>) target_semaphore(%run_scoped3A : memref<!tpu.dma_semaphore, #tpu.memory_space<semaphore_mem>>)
        %dma_wait3A_21 = tpu.memref_slice %arg3[%add3A_13] : memref<10240xi32, #tpu.memory_space<hbm>> -> memref<80xi32, #tpu.memory_space<hbm>>
        %dma_wait3A_22 = tpu.memref_slice %arg3[%add3A_13] : memref<10240xi32, #tpu.memory_space<hbm>> -> memref<80xi32, #tpu.memory_space<hbm>>
        tpu.wait_dma2 semaphore(%run_scoped3A : memref<!tpu.dma_semaphore, #tpu.memory_space<semaphore_mem>>) src(%dma_wait3A_22 : memref<80xi32, #tpu.memory_space<hbm>>) dst(%arg5 : memref<80xi32, #tpu.memory_space<vmem>>)
        tpu.yield
      }) : () -> ()
      %dma_start3A = arith.constant 0 : i32
      %dma_start3A_14 = arith.constant 0 : i32
      %dma_start3A_15 = tpu.memref_slice %arg2[%dma_start3A, %dma_start3A_14] : memref<10240x128xf32, #tpu.memory_space<hbm>> -> memref<10240x128xf32, #tpu.memory_space<hbm>>
      tpu.enqueue_indirect_dma source(%dma_start3A_15 : memref<10240x128xf32, #tpu.memory_space<hbm>>) target(%arg6 : memref<80x128xf32, #tpu.memory_space<vmem>>) offsets(%arg5 : memref<80xi32, #tpu.memory_space<vmem>>) semaphore(%arg7 : memref<!tpu.dma_semaphore, #tpu.memory_space<semaphore_mem>>)
      %dma_wait3A = arith.constant 0 : i32
      %dma_wait3A_16 = arith.constant 0 : i32
      %dma_wait3A_17 = tpu.memref_slice %arg2[%dma_wait3A, %dma_wait3A_16] : memref<10240x128xf32, #tpu.memory_space<hbm>> -> memref<10240x128xf32, #tpu.memory_space<hbm>>
      tpu.wait_indirect_dma semaphore(%arg7 : memref<!tpu.dma_semaphore, #tpu.memory_space<semaphore_mem>>) src(%dma_wait3A_17 : memref<10240x128xf32, #tpu.memory_space<hbm>>) dst(%arg6 : memref<80x128xf32, #tpu.memory_space<vmem>>)
      "tpu.region"() ({
        %run_scoped3A = tpu.sem_alloc : memref<!tpu.dma_semaphore, #tpu.memory_space<semaphore_mem>>
        %dma_start3A_19 = arith.constant 0 : i32
        %dma_start3A_20 = tpu.memref_slice %arg4[%add3A_13, %dma_start3A_19] : memref<10240x128xf32, #tpu.memory_space<hbm>> -> memref<80x128xf32, #tpu.memory_space<hbm>>
        %dma_start3A_21 = arith.constant 0 : i32
        %dma_start3A_22 = tpu.memref_slice %arg4[%add3A_13, %dma_start3A_21] : memref<10240x128xf32, #tpu.memory_space<hbm>> -> memref<80x128xf32, #tpu.memory_space<hbm>>
        tpu.enqueue_dma source(%arg6 : memref<80x128xf32, #tpu.memory_space<vmem>>) target(%dma_start3A_22 : memref<80x128xf32, #tpu.memory_space<hbm>>) target_semaphore(%run_scoped3A : memref<!tpu.dma_semaphore, #tpu.memory_space<semaphore_mem>>)
        %dma_wait3A_23 = arith.constant 0 : i32
        %dma_wait3A_24 = tpu.memref_slice %arg4[%add3A_13, %dma_wait3A_23] : memref<10240x128xf32, #tpu.memory_space<hbm>> -> memref<80x128xf32, #tpu.memory_space<hbm>>
        %dma_wait3A_25 = arith.constant 0 : i32
        %dma_wait3A_26 = tpu.memref_slice %arg4[%add3A_13, %dma_wait3A_25] : memref<10240x128xf32, #tpu.memory_space<hbm>> -> memref<80x128xf32, #tpu.memory_space<hbm>>
        tpu.wait_dma2 semaphore(%run_scoped3A : memref<!tpu.dma_semaphore, #tpu.memory_space<semaphore_mem>>) src(%arg6 : memref<80x128xf32, #tpu.memory_space<vmem>>) dst(%dma_wait3A_26 : memref<80x128xf32, #tpu.memory_space<hbm>>)
        tpu.yield
      }) : () -> ()
      %scan3A_18 = arith.constant 0 : i32
      scf.yield %scan3A_18 : i32
    }
    %scan3A_8 = arith.constant 4 : i32
    return
  }
}

module attributes {stable_mosaic.version = 14 : i64} {
  func.func @_dense_body(%arg0: i32, %arg1: memref<1000x128xf32, #tpu.memory_space<vmem>>, %arg2: memref<1x1000x128xf32, #tpu.memory_space<vmem>>, %arg3: memref<1x1000x128xf32, #tpu.memory_space<vmem>>, %arg4: memref<1000x1xf32, #tpu.memory_space<vmem>>, %arg5: memref<1000x1xf32, #tpu.memory_space<vmem>>, %arg6: memref<1000x1xf32, #tpu.memory_space<vmem>>, %arg7: memref<1000x1xf32, #tpu.memory_space<vmem>>, %arg8: memref<1000x1xf32, #tpu.memory_space<vmem>>, %arg9: memref<128x128xf32, #tpu.memory_space<vmem>>, %arg10: memref<1x128xf32, #tpu.memory_space<vmem>>, %arg11: memref<128x128xf32, #tpu.memory_space<vmem>>, %arg12: memref<32x128xf32, #tpu.memory_space<vmem>>, %arg13: memref<1x32xf32, #tpu.memory_space<vmem>>, %arg14: memref<1x32xf32, #tpu.memory_space<vmem>>, %arg15: memref<1x1xf32, #tpu.memory_space<vmem>>, %arg16: memref<128x128xf32, #tpu.memory_space<vmem>>, %arg17: memref<128x128xf32, #tpu.memory_space<vmem>>, %arg18: memref<128x128xf32, #tpu.memory_space<vmem>>, %arg19: memref<128x128xf32, #tpu.memory_space<vmem>>, %arg20: memref<1x128xf32, #tpu.memory_space<vmem>>, %arg21: memref<1000x1xf32, #tpu.memory_space<vmem>>, %arg22: memref<1000x128xf32, #tpu.memory_space<vmem>>, %arg23: memref<1000x128xf32, #tpu.memory_space<vmem>>, %arg24: memref<8x128xf32, #tpu.memory_space<vmem>>) attributes {dimension_semantics = [#tpu.dimension_semantics<arbitrary>], iteration_bounds = array<i64: 10>, scalar_prefetch = 0 : i64, scratch_operands = 0 : i64, tpu.core_type = #tpu.core_type<tc>, window_params = [{transform_indices = @transform_0, window_bounds = array<i64: 1000, 128>}, {transform_indices = @transform_1, window_bounds = array<i64: 1, 1000, 128>}, {transform_indices = @transform_2, window_bounds = array<i64: 1, 1000, 128>}, {transform_indices = @transform_3, window_bounds = array<i64: 1000, 1>}, {transform_indices = @transform_4, window_bounds = array<i64: 1000, 1>}, {transform_indices = @transform_5, window_bounds = array<i64: 1000, 1>}, {transform_indices = @transform_6, window_bounds = array<i64: 1000, 1>}, {transform_indices = @transform_7, window_bounds = array<i64: 1000, 1>}, {pipeline_mode = #tpu.pipeline_mode<synchronous>, transform_indices = @transform_8, window_bounds = array<i64: 128, 128>}, {pipeline_mode = #tpu.pipeline_mode<synchronous>, transform_indices = @transform_9, window_bounds = array<i64: 1, 128>}, {pipeline_mode = #tpu.pipeline_mode<synchronous>, transform_indices = @transform_10, window_bounds = array<i64: 128, 128>}, {pipeline_mode = #tpu.pipeline_mode<synchronous>, transform_indices = @transform_11, window_bounds = array<i64: 32, 128>}, {pipeline_mode = #tpu.pipeline_mode<synchronous>, transform_indices = @transform_12, window_bounds = array<i64: 1, 32>}, {pipeline_mode = #tpu.pipeline_mode<synchronous>, transform_indices = @transform_13, window_bounds = array<i64: 1, 32>}, {pipeline_mode = #tpu.pipeline_mode<synchronous>, transform_indices = @transform_14, window_bounds = array<i64: 1, 1>}, {pipeline_mode = #tpu.pipeline_mode<synchronous>, transform_indices = @transform_15, window_bounds = array<i64: 128, 128>}, {pipeline_mode = #tpu.pipeline_mode<synchronous>, transform_indices = @transform_16, window_bounds = array<i64: 128, 128>}, {pipeline_mode = #tpu.pipeline_mode<synchronous>, transform_indices = @transform_17, window_bounds = array<i64: 128, 128>}, {pipeline_mode = #tpu.pipeline_mode<synchronous>, transform_indices = @transform_18, window_bounds = array<i64: 128, 128>}, {pipeline_mode = #tpu.pipeline_mode<synchronous>, transform_indices = @transform_19, window_bounds = array<i64: 1, 128>}, {transform_indices = @transform_20, window_bounds = array<i64: 1000, 1>}, {transform_indices = @transform_21, window_bounds = array<i64: 1000, 128>}, {transform_indices = @transform_22, window_bounds = array<i64: 1000, 128>}, {pipeline_mode = #tpu.pipeline_mode<synchronous>, transform_indices = @transform_23, window_bounds = array<i64: 8, 128>}]} {
    %get3A = arith.constant 0 : index
    %get3A_0 = arith.constant 0 : index
    %get3A_1 = vector.load %arg1[%get3A, %get3A_0] : memref<1000x128xf32, #tpu.memory_space<vmem>>, vector<1000x128xf32>
    %get3A_2 = arith.constant 0 : index
    %get3A_3 = arith.constant 0 : index
    %get3A_4 = vector.load %arg4[%get3A_2, %get3A_3] : memref<1000x1xf32, #tpu.memory_space<vmem>>, vector<1000x1xf32>
    %get3A_5 = arith.constant 0 : index
    %get3A_6 = arith.constant 0 : index
    %get3A_7 = vector.load %arg5[%get3A_5, %get3A_6] : memref<1000x1xf32, #tpu.memory_space<vmem>>, vector<1000x1xf32>
    %add3A = arith.addf %get3A_4, %get3A_7 : vector<1000x1xf32>
    %get3A_8 = arith.constant 0 : index
    %get3A_9 = arith.constant 0 : index
    %get3A_10 = vector.load %arg6[%get3A_8, %get3A_9] : memref<1000x1xf32, #tpu.memory_space<vmem>>, vector<1000x1xf32>
    %add3A_11 = arith.addf %add3A, %get3A_10 : vector<1000x1xf32>
    %get3A_12 = arith.constant 0 : index
    %get3A_13 = arith.constant 0 : index
    %get3A_14 = vector.load %arg7[%get3A_12, %get3A_13] : memref<1000x1xf32, #tpu.memory_space<vmem>>, vector<1000x1xf32>
    %add3A_15 = arith.addf %add3A_11, %get3A_14 : vector<1000x1xf32>
    %get3A_16 = arith.constant 0 : index
    %get3A_17 = arith.constant 0 : index
    %get3A_18 = arith.constant 0 : index
    %get3A_19 = vector.load %arg2[%get3A_16, %get3A_17, %get3A_18] : memref<1x1000x128xf32, #tpu.memory_space<vmem>>, vector<1x1000x128xf32>
    %get3A_20 = vector.shape_cast %get3A_19 : vector<1x1000x128xf32> to vector<1000x128xf32>
    %get3A_21 = arith.constant 0 : index
    %get3A_22 = arith.constant 0 : index
    %get3A_23 = arith.constant 0 : index
    %get3A_24 = vector.load %arg3[%get3A_21, %get3A_22, %get3A_23] : memref<1x1000x128xf32, #tpu.memory_space<vmem>>, vector<1x1000x128xf32>
    %get3A_25 = vector.shape_cast %get3A_24 : vector<1x1000x128xf32> to vector<1000x128xf32>
    %add3A_26 = arith.addf %get3A_20, %get3A_25 : vector<1000x128xf32>
    %max3A = arith.constant 1.000000e+00 : f32
    %max3A_27 = vector.broadcast %max3A : f32 to vector<1000x1xf32>
    %max3A_28 = arith.maximumf %add3A, %max3A_27 : vector<1000x1xf32>
    %div3A = vector.broadcast %max3A_28 : vector<1000x1xf32> to vector<1000x128xf32>
    %div3A_29 = arith.divf %add3A_26, %div3A : vector<1000x128xf32>
    %get3A_30 = arith.constant 0 : index
    %get3A_31 = arith.constant 0 : index
    %get3A_32 = vector.load %arg9[%get3A_30, %get3A_31] : memref<128x128xf32, #tpu.memory_space<vmem>>, vector<128x128xf32>
    %dot_general3A = arith.constant dense<0.000000e+00> : vector<1000x128xf32>
    %dot_general3A_33 = tpu.matmul %div3A_29, %get3A_32, %dot_general3A {dimension_numbers = #tpu.dot_dimension_numbers<[1], [1], [0], [0], [0, 0, 1, 0], [], []>, transpose_lhs_hint = false} : vector<1000x128xf32>, vector<128x128xf32>, vector<1000x128xf32> -> vector<1000x128xf32>
    %get3A_34 = arith.constant 0 : index
    %get3A_35 = arith.constant 0 : index
    %get3A_36 = vector.load %arg10[%get3A_34, %get3A_35] : memref<1x128xf32, #tpu.memory_space<vmem>>, vector<1x128xf32>
    %add3A_37 = vector.broadcast %get3A_36 : vector<1x128xf32> to vector<1000x128xf32>
    %add3A_38 = arith.addf %dot_general3A_33, %add3A_37 : vector<1000x128xf32>
    %get3A_39 = arith.constant 0 : index
    %get3A_40 = arith.constant 0 : index
    %get3A_41 = vector.load %arg11[%get3A_39, %get3A_40] : memref<128x128xf32, #tpu.memory_space<vmem>>, vector<128x128xf32>
    %dot_general3A_42 = arith.constant dense<0.000000e+00> : vector<1000x128xf32>
    %dot_general3A_43 = tpu.matmul %get3A_1, %get3A_41, %dot_general3A_42 {dimension_numbers = #tpu.dot_dimension_numbers<[1], [1], [0], [0], [0, 0, 1, 0], [], []>, transpose_lhs_hint = false} : vector<1000x128xf32>, vector<128x128xf32>, vector<1000x128xf32> -> vector<1000x128xf32>
    %add3A_44 = arith.addf %add3A_38, %dot_general3A_43 : vector<1000x128xf32>
    %add3A_45 = arith.addf %add3A_44, %get3A_1 : vector<1000x128xf32>
    %mul3A = arith.constant 5.000000e-01 : f32
    %mul3A_46 = vector.broadcast %mul3A : f32 to vector<1000x128xf32>
    %mul3A_47 = arith.mulf %mul3A_46, %add3A_45 : vector<1000x128xf32>
    %mul3A_48 = arith.constant 0.707106769 : f32
    %mul3A_49 = vector.broadcast %mul3A_48 : f32 to vector<1000x128xf32>
    %mul3A_50 = arith.mulf %add3A_45, %mul3A_49 : vector<1000x128xf32>
    %erf3A = math.erf %mul3A_50 : vector<1000x128xf32>
    %add3A_51 = arith.constant 1.000000e+00 : f32
    %add3A_52 = vector.broadcast %add3A_51 : f32 to vector<1000x128xf32>
    %add3A_53 = arith.addf %add3A_52, %erf3A : vector<1000x128xf32>
    %mul3A_54 = arith.mulf %mul3A_47, %add3A_53 : vector<1000x128xf32>
    %get3A_55 = arith.constant 0 : index
    %get3A_56 = arith.constant 0 : index
    %get3A_57 = vector.load %arg12[%get3A_55, %get3A_56] : memref<32x128xf32, #tpu.memory_space<vmem>>, vector<32x128xf32>
    %dot_general3A_58 = arith.constant dense<0.000000e+00> : vector<1000x32xf32>
    %dot_general3A_59 = tpu.matmul %mul3A_54, %get3A_57, %dot_general3A_58 {dimension_numbers = #tpu.dot_dimension_numbers<[1], [1], [0], [0], [0, 0, 1, 0], [], []>, transpose_lhs_hint = false} : vector<1000x128xf32>, vector<32x128xf32>, vector<1000x32xf32> -> vector<1000x32xf32>
    %get3A_60 = arith.constant 0 : index
    %get3A_61 = arith.constant 0 : index
    %get3A_62 = vector.load %arg13[%get3A_60, %get3A_61] : memref<1x32xf32, #tpu.memory_space<vmem>>, vector<1x32xf32>
    %add3A_63 = vector.broadcast %get3A_62 : vector<1x32xf32> to vector<1000x32xf32>
    %add3A_64 = arith.addf %dot_general3A_59, %add3A_63 : vector<1000x32xf32>
    %max3A_65 = arith.constant 0.000000e+00 : f32
    %max3A_66 = vector.broadcast %max3A_65 : f32 to vector<1000x32xf32>
    %max3A_67 = arith.maximumf %add3A_64, %max3A_66 : vector<1000x32xf32>
    %get3A_68 = arith.constant 0 : index
    %get3A_69 = arith.constant 0 : index
    %get3A_70 = vector.load %arg14[%get3A_68, %get3A_69] : memref<1x32xf32, #tpu.memory_space<vmem>>, vector<1x32xf32>
    %mul3A_71 = vector.broadcast %get3A_70 : vector<1x32xf32> to vector<1000x32xf32>
    %mul3A_72 = arith.mulf %max3A_67, %mul3A_71 : vector<1000x32xf32>
    %reduce_sum3A = arith.constant dense<0.000000e+00> : vector<1000xf32>
    %reduce_sum3A_73 = vector.multi_reduction <add>, %mul3A_72, %reduce_sum3A [1] : vector<1000x32xf32> to vector<1000xf32>
    %broadcast_in_dim3A = vector.shape_cast %reduce_sum3A_73 : vector<1000xf32> to vector<1000x1xf32>
    %get3A_74 = arith.constant 0 : index
    %get3A_75 = arith.constant 0 : index
    %get3A_76 = vector.load %arg15[%get3A_74, %get3A_75] : memref<1x1xf32, #tpu.memory_space<vmem>>, vector<1x1xf32>
    %get3A_77 = vector.extract %get3A_76[0, 0] : f32 from vector<1x1xf32>
    %add3A_78 = vector.broadcast %get3A_77 : f32 to vector<1000x1xf32>
    %add3A_79 = arith.addf %broadcast_in_dim3A, %add3A_78 : vector<1000x1xf32>
    %add3A_80 = arith.addf %add3A_79, %add3A_15 : vector<1000x1xf32>
    %swap3A = arith.constant 0 : index
    %swap3A_81 = arith.constant 0 : index
    %swap3A_82 = vector.load %arg21[%swap3A, %swap3A_81] : memref<1000x1xf32, #tpu.memory_space<vmem>>, vector<1000x1xf32>
    tpu.vector_store %arg21[%swap3A, %swap3A_81], %add3A_80 {strides = array<i32>} : memref<1000x1xf32, #tpu.memory_space<vmem>>, vector<1000x1xf32>,
    %get3A_83 = arith.constant 0 : index
    %get3A_84 = arith.constant 0 : index
    %get3A_85 = vector.load %arg16[%get3A_83, %get3A_84] : memref<128x128xf32, #tpu.memory_space<vmem>>, vector<128x128xf32>
    %dot_general3A_86 = arith.constant dense<0.000000e+00> : vector<1000x128xf32>
    %dot_general3A_87 = tpu.matmul %mul3A_54, %get3A_85, %dot_general3A_86 {dimension_numbers = #tpu.dot_dimension_numbers<[1], [1], [0], [0], [0, 0, 1, 0], [], []>, transpose_lhs_hint = false} : vector<1000x128xf32>, vector<128x128xf32>, vector<1000x128xf32> -> vector<1000x128xf32>
    %get3A_88 = arith.constant 0 : index
    %get3A_89 = arith.constant 0 : index
    %get3A_90 = vector.load %arg17[%get3A_88, %get3A_89] : memref<128x128xf32, #tpu.memory_space<vmem>>, vector<128x128xf32>
    %dot_general3A_91 = arith.constant dense<0.000000e+00> : vector<1000x128xf32>
    %dot_general3A_92 = tpu.matmul %mul3A_54, %get3A_90, %dot_general3A_91 {dimension_numbers = #tpu.dot_dimension_numbers<[1], [1], [0], [0], [0, 0, 1, 0], [], []>, transpose_lhs_hint = false} : vector<1000x128xf32>, vector<128x128xf32>, vector<1000x128xf32> -> vector<1000x128xf32>
    %get3A_93 = arith.constant 0 : index
    %get3A_94 = arith.constant 0 : index
    %get3A_95 = vector.load %arg18[%get3A_93, %get3A_94] : memref<128x128xf32, #tpu.memory_space<vmem>>, vector<128x128xf32>
    %dot_general3A_96 = arith.constant dense<0.000000e+00> : vector<1000x128xf32>
    %dot_general3A_97 = tpu.matmul %mul3A_54, %get3A_95, %dot_general3A_96 {dimension_numbers = #tpu.dot_dimension_numbers<[1], [1], [0], [0], [0, 0, 1, 0], [], []>, transpose_lhs_hint = false} : vector<1000x128xf32>, vector<128x128xf32>, vector<1000x128xf32> -> vector<1000x128xf32>
    %swap3A_98 = arith.constant 0 : index
    %swap3A_99 = arith.constant 0 : index
    %swap3A_100 = vector.load %arg23[%swap3A_98, %swap3A_99] : memref<1000x128xf32, #tpu.memory_space<vmem>>, vector<1000x128xf32>
    tpu.vector_store %arg23[%swap3A_98, %swap3A_99], %dot_general3A_97 {strides = array<i32>} : memref<1000x128xf32, #tpu.memory_space<vmem>>, vector<1000x128xf32>,
    %get3A_101 = arith.constant 0 : index
    %get3A_102 = arith.constant 0 : index
    %get3A_103 = vector.load %arg19[%get3A_101, %get3A_102] : memref<128x128xf32, #tpu.memory_space<vmem>>, vector<128x128xf32>
    %dot_general3A_104 = arith.constant dense<0.000000e+00> : vector<1000x128xf32>
    %dot_general3A_105 = tpu.matmul %dot_general3A_87, %get3A_103, %dot_general3A_104 {dimension_numbers = #tpu.dot_dimension_numbers<[1], [1], [0], [0], [0, 0, 1, 0], [], []>, transpose_lhs_hint = false} : vector<1000x128xf32>, vector<128x128xf32>, vector<1000x128xf32> -> vector<1000x128xf32>
    %get3A_106 = arith.constant 0 : index
    %get3A_107 = arith.constant 0 : index
    %get3A_108 = vector.load %arg20[%get3A_106, %get3A_107] : memref<1x128xf32, #tpu.memory_space<vmem>>, vector<1x128xf32>
    %add3A_109 = vector.broadcast %get3A_108 : vector<1x128xf32> to vector<1000x128xf32>
    %add3A_110 = arith.addf %dot_general3A_105, %add3A_109 : vector<1000x128xf32>
    %max3A_111 = arith.constant 0.000000e+00 : f32
    %max3A_112 = vector.broadcast %max3A_111 : f32 to vector<1000x128xf32>
    %max3A_113 = arith.maximumf %add3A_110, %max3A_112 : vector<1000x128xf32>
    %abs3A = math.absf %add3A_110 : vector<1000x128xf32>
    %neg3A = arith.constant 0.000000e+00 : f32
    %neg3A_114 = vector.broadcast %neg3A : f32 to vector<1000x128xf32>
    %neg3A_115 = arith.subf %neg3A_114, %abs3A : vector<1000x128xf32>
    %exp3A = math.exp %neg3A_115 : vector<1000x128xf32>
    %log1p3A = math.log1p %exp3A : vector<1000x128xf32>
    %add3A_116 = arith.addf %max3A_113, %log1p3A : vector<1000x128xf32>
    %swap3A_117 = arith.constant 0 : index
    %swap3A_118 = arith.constant 0 : index
    %swap3A_119 = vector.load %arg22[%swap3A_117, %swap3A_118] : memref<1000x128xf32, #tpu.memory_space<vmem>>, vector<1000x128xf32>
    tpu.vector_store %arg22[%swap3A_117, %swap3A_118], %add3A_116 {strides = array<i32>} : memref<1000x128xf32, #tpu.memory_space<vmem>>, vector<1000x128xf32>,
    %eq3A = arith.constant 0 : i32
    %eq3A_120 = arith.cmpi eq, %arg0, %eq3A : i32
    %convert_element_type3A = arith.extui %eq3A_120 : i1 to i32
    %cond3A = arith.constant 0 : i32
    %cond3A_121 = arith.cmpi ne, %convert_element_type3A, %cond3A : i32
    scf.if %cond3A_121 {
      %broadcast_in_dim3A_143 = arith.constant 0.000000e+00 : f32
      %broadcast_in_dim3A_144 = vector.broadcast %broadcast_in_dim3A_143 : f32 to vector<8x128xf32>
      %swap3A_145 = arith.constant 0 : index
      %swap3A_146 = arith.constant 0 : index
      %swap3A_147 = vector.load %arg24[%swap3A_145, %swap3A_146] : memref<8x128xf32, #tpu.memory_space<vmem>>, vector<8x128xf32>
      tpu.vector_store %arg24[%swap3A_145, %swap3A_146], %broadcast_in_dim3A_144 {strides = array<i32>} : memref<8x128xf32, #tpu.memory_space<vmem>>, vector<8x128xf32>,
    } else {
    }
    %get3A_122 = arith.constant 0 : index
    %get3A_123 = arith.constant 0 : index
    %get3A_124 = vector.load %arg24[%get3A_122, %get3A_123] : memref<8x128xf32, #tpu.memory_space<vmem>>, vector<1x128xf32>
    %mul3A_125 = arith.mulf %mul3A_54, %dot_general3A_92 : vector<1000x128xf32>
    %reduce_sum3A_126 = arith.constant dense<0.000000e+00> : vector<128xf32>
    %reduce_sum3A_127 = vector.multi_reduction <add>, %mul3A_125, %reduce_sum3A_126 [0] : vector<1000x128xf32> to vector<128xf32>
    %broadcast_in_dim3A_128 = vector.shape_cast %reduce_sum3A_127 : vector<128xf32> to vector<1x128xf32>
    %add3A_129 = arith.addf %get3A_124, %broadcast_in_dim3A_128 : vector<1x128xf32>
    %swap3A_130 = arith.constant 0 : index
    %swap3A_131 = arith.constant 0 : index
    %swap3A_132 = vector.load %arg24[%swap3A_130, %swap3A_131] : memref<8x128xf32, #tpu.memory_space<vmem>>, vector<1x128xf32>
    tpu.vector_store %arg24[%swap3A_130, %swap3A_131], %add3A_129 {strides = array<i32>} : memref<8x128xf32, #tpu.memory_space<vmem>>, vector<1x128xf32>,
    %get3A_133 = arith.constant 1 : index
    %get3A_134 = arith.constant 0 : index
    %get3A_135 = vector.load %arg24[%get3A_133, %get3A_134] : memref<8x128xf32, #tpu.memory_space<vmem>>, vector<1x128xf32>
    %reduce_sum3A_136 = arith.constant dense<0.000000e+00> : vector<128xf32>
    %reduce_sum3A_137 = vector.multi_reduction <add>, %dot_general3A_92, %reduce_sum3A_136 [0] : vector<1000x128xf32> to vector<128xf32>
    %broadcast_in_dim3A_138 = vector.shape_cast %reduce_sum3A_137 : vector<128xf32> to vector<1x128xf32>
    %add3A_139 = arith.addf %get3A_135, %broadcast_in_dim3A_138 : vector<1x128xf32>
    %swap3A_140 = arith.constant 1 : index
    %swap3A_141 = arith.constant 0 : index
    %swap3A_142 = vector.load %arg24[%swap3A_140, %swap3A_141] : memref<8x128xf32, #tpu.memory_space<vmem>>, vector<1x128xf32>
    tpu.vector_store %arg24[%swap3A_140, %swap3A_141], %add3A_139 {strides = array<i32>} : memref<8x128xf32, #tpu.memory_space<vmem>>, vector<1x128xf32>,
    return
  }
  func.func @transform_0(%arg0: i32) -> (i32, i32) {
    %c0_i32 = arith.constant 0 : i32
    %c0_i32_0 = arith.constant 0 : i32
    return %arg0, %c0_i32 : i32, i32
  }
  func.func @transform_1(%arg0: i32) -> (i32, i32, i32) {
    %c0_i32 = arith.constant 0 : i32
    %c0_i32_0 = arith.constant 0 : i32
    %c0_i32_1 = arith.constant 0 : i32
    return %c0_i32, %arg0, %c0_i32_0 : i32, i32, i32
  }
  func.func @transform_2(%arg0: i32) -> (i32, i32, i32) {
    %c1_i32 = arith.constant 1 : i32
    %c0_i32 = arith.constant 0 : i32
    %c0_i32_0 = arith.constant 0 : i32
    return %c1_i32, %arg0, %c0_i32 : i32, i32, i32
  }
  func.func @transform_3(%arg0: i32) -> (i32, i32) {
    %c0_i32 = arith.constant 0 : i32
    %c0_i32_0 = arith.constant 0 : i32
    return %arg0, %c0_i32 : i32, i32
  }
  func.func @transform_4(%arg0: i32) -> (i32, i32) {
    %c0_i32 = arith.constant 0 : i32
    %c0_i32_0 = arith.constant 0 : i32
    return %arg0, %c0_i32 : i32, i32
  }
  func.func @transform_5(%arg0: i32) -> (i32, i32) {
    %c0_i32 = arith.constant 0 : i32
    %c0_i32_0 = arith.constant 0 : i32
    return %arg0, %c0_i32 : i32, i32
  }
  func.func @transform_6(%arg0: i32) -> (i32, i32) {
    %c0_i32 = arith.constant 0 : i32
    %c0_i32_0 = arith.constant 0 : i32
    return %arg0, %c0_i32 : i32, i32
  }
  func.func @transform_7(%arg0: i32) -> (i32, i32) {
    %c0_i32 = arith.constant 0 : i32
    %c0_i32_0 = arith.constant 0 : i32
    return %arg0, %c0_i32 : i32, i32
  }
  func.func @transform_8(%arg0: i32) -> (i32, i32) {
    %c0_i32 = arith.constant 0 : i32
    %c0_i32_0 = arith.constant 0 : i32
    %c0_i32_1 = arith.constant 0 : i32
    return %c0_i32, %c0_i32_0 : i32, i32
  }
  func.func @transform_9(%arg0: i32) -> (i32, i32) {
    %c0_i32 = arith.constant 0 : i32
    %c0_i32_0 = arith.constant 0 : i32
    %c0_i32_1 = arith.constant 0 : i32
    return %c0_i32, %c0_i32_0 : i32, i32
  }
  func.func @transform_10(%arg0: i32) -> (i32, i32) {
    %c0_i32 = arith.constant 0 : i32
    %c0_i32_0 = arith.constant 0 : i32
    %c0_i32_1 = arith.constant 0 : i32
    return %c0_i32, %c0_i32_0 : i32, i32
  }
  func.func @transform_11(%arg0: i32) -> (i32, i32) {
    %c0_i32 = arith.constant 0 : i32
    %c0_i32_0 = arith.constant 0 : i32
    %c0_i32_1 = arith.constant 0 : i32
    return %c0_i32, %c0_i32_0 : i32, i32
  }
  func.func @transform_12(%arg0: i32) -> (i32, i32) {
    %c0_i32 = arith.constant 0 : i32
    %c0_i32_0 = arith.constant 0 : i32
    %c0_i32_1 = arith.constant 0 : i32
    return %c0_i32, %c0_i32_0 : i32, i32
  }
  func.func @transform_13(%arg0: i32) -> (i32, i32) {
    %c0_i32 = arith.constant 0 : i32
    %c0_i32_0 = arith.constant 0 : i32
    %c0_i32_1 = arith.constant 0 : i32
    return %c0_i32, %c0_i32_0 : i32, i32
  }
  func.func @transform_14(%arg0: i32) -> (i32, i32) {
    %c0_i32 = arith.constant 0 : i32
    %c0_i32_0 = arith.constant 0 : i32
    %c0_i32_1 = arith.constant 0 : i32
    return %c0_i32, %c0_i32_0 : i32, i32
  }
  func.func @transform_15(%arg0: i32) -> (i32, i32) {
    %c0_i32 = arith.constant 0 : i32
    %c0_i32_0 = arith.constant 0 : i32
    %c0_i32_1 = arith.constant 0 : i32
    return %c0_i32, %c0_i32_0 : i32, i32
  }
  func.func @transform_16(%arg0: i32) -> (i32, i32) {
    %c0_i32 = arith.constant 0 : i32
    %c0_i32_0 = arith.constant 0 : i32
    %c0_i32_1 = arith.constant 0 : i32
    return %c0_i32, %c0_i32_0 : i32, i32
  }
  func.func @transform_17(%arg0: i32) -> (i32, i32) {
    %c0_i32 = arith.constant 0 : i32
    %c0_i32_0 = arith.constant 0 : i32
    %c0_i32_1 = arith.constant 0 : i32
    return %c0_i32, %c0_i32_0 : i32, i32
  }
  func.func @transform_18(%arg0: i32) -> (i32, i32) {
    %c0_i32 = arith.constant 0 : i32
    %c0_i32_0 = arith.constant 0 : i32
    %c0_i32_1 = arith.constant 0 : i32
    return %c0_i32, %c0_i32_0 : i32, i32
  }
  func.func @transform_19(%arg0: i32) -> (i32, i32) {
    %c0_i32 = arith.constant 0 : i32
    %c0_i32_0 = arith.constant 0 : i32
    %c0_i32_1 = arith.constant 0 : i32
    return %c0_i32, %c0_i32_0 : i32, i32
  }
  func.func @transform_20(%arg0: i32) -> (i32, i32) {
    %c0_i32 = arith.constant 0 : i32
    %c0_i32_0 = arith.constant 0 : i32
    return %arg0, %c0_i32 : i32, i32
  }
  func.func @transform_21(%arg0: i32) -> (i32, i32) {
    %c0_i32 = arith.constant 0 : i32
    %c0_i32_0 = arith.constant 0 : i32
    return %arg0, %c0_i32 : i32, i32
  }
  func.func @transform_22(%arg0: i32) -> (i32, i32) {
    %c0_i32 = arith.constant 0 : i32
    %c0_i32_0 = arith.constant 0 : i32
    return %arg0, %c0_i32 : i32, i32
  }
  func.func @transform_23(%arg0: i32) -> (i32, i32) {
    %c0_i32 = arith.constant 0 : i32
    %c0_i32_0 = arith.constant 0 : i32
    %c0_i32_1 = arith.constant 0 : i32
    return %c0_i32, %c0_i32_0 : i32, i32
  }
}

module attributes {stable_mosaic.version = 14 : i64} {
  func.func @_rank_body(%arg0: i32, %arg1: memref<128x1xf32, #tpu.memory_space<vmem>>, %arg2: memref<1x10240xf32, #tpu.memory_space<vmem>>, %arg3: memref<128x1xi32, #tpu.memory_space<vmem>>) attributes {dimension_semantics = [#tpu.dimension_semantics<arbitrary>], iteration_bounds = array<i64: 80>, scalar_prefetch = 0 : i64, scratch_operands = 0 : i64, tpu.core_type = #tpu.core_type<tc>, window_params = [{transform_indices = @transform_0, window_bounds = array<i64: 128, 1>}, {pipeline_mode = #tpu.pipeline_mode<synchronous>, transform_indices = @transform_1, window_bounds = array<i64: 1, 10240>}, {transform_indices = @transform_2, window_bounds = array<i64: 128, 1>}]} {
    %get3A = arith.constant 0 : index
    %get3A_0 = arith.constant 0 : index
    %get3A_1 = vector.load %arg1[%get3A, %get3A_0] : memref<128x1xf32, #tpu.memory_space<vmem>>, vector<128x1xf32>
    %broadcast_in_dim3A = vector.shape_cast %get3A_1 : vector<128x1xf32> to vector<128x1xf32>
    %broadcast_in_dim3A_2 = vector.broadcast %broadcast_in_dim3A : vector<128x1xf32> to vector<128x128xf32>
    %broadcast_in_dim3A_3 = arith.constant 0.000000e+00 : f32
    %broadcast_in_dim3A_4 = vector.broadcast %broadcast_in_dim3A_3 : f32 to vector<128x128xf32>
    %jit3A = arith.constant 2 : i32
    %div3A = arith.divsi %arg0, %jit3A : i32
    %sign3A = arith.constant 0 : i32
    %sign3A_5 = arith.cmpi sgt, %arg0, %sign3A : i32
    %sign3A_6 = arith.extui %sign3A_5 : i1 to i32
    %sign3A_7 = arith.constant 0 : i32
    %sign3A_8 = arith.cmpi slt, %arg0, %sign3A_7 : i32
    %sign3A_9 = arith.extui %sign3A_8 : i1 to i32
    %sign3A_10 = arith.subi %sign3A_6, %sign3A_9 : i32
    %sign3A_11 = arith.constant 0 : i32
    %sign3A_12 = arith.cmpi sgt, %jit3A, %sign3A_11 : i32
    %sign3A_13 = arith.extui %sign3A_12 : i1 to i32
    %sign3A_14 = arith.constant 0 : i32
    %sign3A_15 = arith.cmpi slt, %jit3A, %sign3A_14 : i32
    %sign3A_16 = arith.extui %sign3A_15 : i1 to i32
    %sign3A_17 = arith.subi %sign3A_13, %sign3A_16 : i32
    %ne3A = arith.cmpi ne, %sign3A_10, %sign3A_17 : i32
    %rem3A = arith.remsi %arg0, %jit3A : i32
    %ne3A_18 = arith.constant 0 : i32
    %ne3A_19 = arith.cmpi ne, %rem3A, %ne3A_18 : i32
    %and3A = arith.andi %ne3A, %ne3A_19 : i1
    %sub3A = arith.constant 1 : i32
    %sub3A_20 = arith.subi %div3A, %sub3A : i32
    %select_n3A = arith.select %and3A, %sub3A_20, %div3A : i32
    %while3A = arith.constant 1.000000e+00 : f32
    %while3A_21 = arith.constant 0.000000e+00 : f32
    %while3A_22 = arith.constant 0 : i32
    %while3A_23 = arith.subi %select_n3A, %while3A_22 : i32
    %while3A_24 = arith.addi %while3A_22, %while3A_23 : i32
    %while3A_25 = arith.constant 1 : i32
    %while3A_26 = arith.divsi %while3A_23, %while3A_25 : i32
    %while3A_27 = arith.muli %while3A_26, %while3A_25 : i32
    %while3A_28 = arith.addi %while3A_22, %while3A_27 : i32
    %while3A_29 = arith.constant 1 : i32
    %while3A_30 = scf.for %while3A_157 = %while3A_22 to %while3A_28 step %while3A_29 iter_args(%while3A_158 = %broadcast_in_dim3A_4) -> (vector<128x128xf32>)  : i32 {
      %mul3A_159 = arith.constant 2 : i32
      %mul3A_160 = arith.muli %mul3A_159, %while3A_157 : i32
      %add3A_161 = arith.constant 1 : i32
      %add3A_162 = arith.addi %mul3A_160, %add3A_161 : i32
      %mul3A_163 = arith.constant 2 : i32
      %mul3A_164 = arith.muli %mul3A_163, %while3A_157 : i32
      %mul3A_165 = arith.constant 128 : i32
      %mul3A_166 = arith.muli %mul3A_164, %mul3A_165 : i32
      %get3A_167 = arith.constant 0 : index
      %get3A_168 = arith.index_cast %mul3A_166 : i32 to index
      %get3A_169 = vector.load %arg2[%get3A_167, %get3A_168] : memref<1x10240xf32, #tpu.memory_space<vmem>>, vector<1x128xf32>
      %broadcast_in_dim3A_170 = vector.shape_cast %get3A_169 : vector<1x128xf32> to vector<1x128xf32>
      %broadcast_in_dim3A_171 = vector.broadcast %broadcast_in_dim3A_170 : vector<1x128xf32> to vector<128x128xf32>
      %ge3A = arith.cmpf oge, %broadcast_in_dim3A_171, %broadcast_in_dim3A_2 : vector<128x128xf32>
      %broadcast_in_dim3A_172 = vector.broadcast %while3A : f32 to vector<128x128xf32>
      %broadcast_in_dim3A_173 = vector.broadcast %while3A_21 : f32 to vector<128x128xf32>
      %select_n3A_174 = arith.select %ge3A, %broadcast_in_dim3A_172, %broadcast_in_dim3A_173 : vector<128x128xi1>, vector<128x128xf32>
      %add3A_175 = arith.addf %while3A_158, %select_n3A_174 : vector<128x128xf32>
      %mul3A_176 = arith.constant 128 : i32
      %mul3A_177 = arith.muli %add3A_162, %mul3A_176 : i32
      %get3A_178 = arith.constant 0 : index
      %get3A_179 = arith.index_cast %mul3A_177 : i32 to index
      %get3A_180 = vector.load %arg2[%get3A_178, %get3A_179] : memref<1x10240xf32, #tpu.memory_space<vmem>>, vector<1x128xf32>
      %broadcast_in_dim3A_181 = vector.shape_cast %get3A_180 : vector<1x128xf32> to vector<1x128xf32>
      %broadcast_in_dim3A_182 = vector.broadcast %broadcast_in_dim3A_181 : vector<1x128xf32> to vector<128x128xf32>
      %ge3A_183 = arith.cmpf oge, %broadcast_in_dim3A_182, %broadcast_in_dim3A_2 : vector<128x128xf32>
      %broadcast_in_dim3A_184 = vector.broadcast %while3A : f32 to vector<128x128xf32>
      %broadcast_in_dim3A_185 = vector.broadcast %while3A_21 : f32 to vector<128x128xf32>
      %select_n3A_186 = arith.select %ge3A_183, %broadcast_in_dim3A_184, %broadcast_in_dim3A_185 : vector<128x128xi1>, vector<128x128xf32>
      %add3A_187 = arith.addf %add3A_175, %select_n3A_186 : vector<128x128xf32>
      scf.yield %add3A_187 : vector<128x128xf32>
    }
    %while3A_31 = arith.constant 1 : i32
    %while3A_32 = scf.for %while3A_157 = %while3A_28 to %while3A_24 step %while3A_31 iter_args(%while3A_158 = %while3A_30) -> (vector<128x128xf32>)  : i32 {
      %mul3A_159 = arith.constant 2 : i32
      %mul3A_160 = arith.muli %mul3A_159, %while3A_157 : i32
      %add3A_161 = arith.constant 1 : i32
      %add3A_162 = arith.addi %mul3A_160, %add3A_161 : i32
      %mul3A_163 = arith.constant 2 : i32
      %mul3A_164 = arith.muli %mul3A_163, %while3A_157 : i32
      %mul3A_165 = arith.constant 128 : i32
      %mul3A_166 = arith.muli %mul3A_164, %mul3A_165 : i32
      %get3A_167 = arith.constant 0 : index
      %get3A_168 = arith.index_cast %mul3A_166 : i32 to index
      %get3A_169 = vector.load %arg2[%get3A_167, %get3A_168] : memref<1x10240xf32, #tpu.memory_space<vmem>>, vector<1x128xf32>
      %broadcast_in_dim3A_170 = vector.shape_cast %get3A_169 : vector<1x128xf32> to vector<1x128xf32>
      %broadcast_in_dim3A_171 = vector.broadcast %broadcast_in_dim3A_170 : vector<1x128xf32> to vector<128x128xf32>
      %ge3A = arith.cmpf oge, %broadcast_in_dim3A_171, %broadcast_in_dim3A_2 : vector<128x128xf32>
      %broadcast_in_dim3A_172 = vector.broadcast %while3A : f32 to vector<128x128xf32>
      %broadcast_in_dim3A_173 = vector.broadcast %while3A_21 : f32 to vector<128x128xf32>
      %select_n3A_174 = arith.select %ge3A, %broadcast_in_dim3A_172, %broadcast_in_dim3A_173 : vector<128x128xi1>, vector<128x128xf32>
      %add3A_175 = arith.addf %while3A_158, %select_n3A_174 : vector<128x128xf32>
      %mul3A_176 = arith.constant 128 : i32
      %mul3A_177 = arith.muli %add3A_162, %mul3A_176 : i32
      %get3A_178 = arith.constant 0 : index
      %get3A_179 = arith.index_cast %mul3A_177 : i32 to index
      %get3A_180 = vector.load %arg2[%get3A_178, %get3A_179] : memref<1x10240xf32, #tpu.memory_space<vmem>>, vector<1x128xf32>
      %broadcast_in_dim3A_181 = vector.shape_cast %get3A_180 : vector<1x128xf32> to vector<1x128xf32>
      %broadcast_in_dim3A_182 = vector.broadcast %broadcast_in_dim3A_181 : vector<1x128xf32> to vector<128x128xf32>
      %ge3A_183 = arith.cmpf oge, %broadcast_in_dim3A_182, %broadcast_in_dim3A_2 : vector<128x128xf32>
      %broadcast_in_dim3A_184 = vector.broadcast %while3A : f32 to vector<128x128xf32>
      %broadcast_in_dim3A_185 = vector.broadcast %while3A_21 : f32 to vector<128x128xf32>
      %select_n3A_186 = arith.select %ge3A_183, %broadcast_in_dim3A_184, %broadcast_in_dim3A_185 : vector<128x128xi1>, vector<128x128xf32>
      %add3A_187 = arith.addf %add3A_175, %select_n3A_186 : vector<128x128xf32>
      scf.yield %add3A_187 : vector<128x128xf32>
    }
    %jit3A_33 = arith.constant 2 : i32
    %eq3A = arith.constant 0 : i32
    %eq3A_34 = arith.cmpi eq, %jit3A_33, %eq3A : i32
    %jit3A_35 = arith.constant 1 : i32
    %select_n3A_36 = arith.select %eq3A_34, %jit3A_35, %jit3A_33 : i32
    %rem3A_37 = arith.remsi %arg0, %select_n3A_36 : i32
    %ne3A_38 = arith.constant 0 : i32
    %ne3A_39 = arith.cmpi ne, %rem3A_37, %ne3A_38 : i32
    %lt3A = arith.constant 0 : i32
    %lt3A_40 = arith.cmpi slt, %rem3A_37, %lt3A : i32
    %lt3A_41 = arith.constant 0 : i32
    %lt3A_42 = arith.cmpi slt, %select_n3A_36, %lt3A_41 : i32
    %ne3A_43 = arith.xori %lt3A_40, %lt3A_42 : i1
    %and3A_44 = arith.andi %ne3A_43, %ne3A_39 : i1
    %add3A = arith.addi %rem3A_37, %select_n3A_36 : i32
    %select_n3A_45 = arith.select %and3A_44, %add3A, %rem3A_37 : i32
    %eq3A_46 = arith.constant 1 : i32
    %eq3A_47 = arith.cmpi eq, %select_n3A_45, %eq3A_46 : i32
    %convert_element_type3A = arith.extui %eq3A_47 : i1 to i32
    %cond3A = arith.constant 1.000000e+00 : f32
    %cond3A_48 = arith.constant 0.000000e+00 : f32
    %cond3A_49 = arith.constant 0 : i32
    %cond3A_50 = arith.cmpi ne, %convert_element_type3A, %cond3A_49 : i32
    %cond3A_51 = scf.if %cond3A_50 -> (vector<128x128xf32>) {
      %sub3A_157 = arith.constant 1 : i32
      %sub3A_158 = arith.subi %arg0, %sub3A_157 : i32
      %mul3A_159 = arith.constant 128 : i32
      %mul3A_160 = arith.muli %sub3A_158, %mul3A_159 : i32
      %get3A_161 = arith.constant 0 : index
      %get3A_162 = arith.index_cast %mul3A_160 : i32 to index
      %get3A_163 = vector.load %arg2[%get3A_161, %get3A_162] : memref<1x10240xf32, #tpu.memory_space<vmem>>, vector<1x128xf32>
      %broadcast_in_dim3A_164 = vector.shape_cast %get3A_163 : vector<1x128xf32> to vector<1x128xf32>
      %broadcast_in_dim3A_165 = vector.broadcast %broadcast_in_dim3A_164 : vector<1x128xf32> to vector<128x128xf32>
      %ge3A = arith.cmpf oge, %broadcast_in_dim3A_165, %broadcast_in_dim3A_2 : vector<128x128xf32>
      %broadcast_in_dim3A_166 = vector.broadcast %cond3A : f32 to vector<128x128xf32>
      %broadcast_in_dim3A_167 = vector.broadcast %cond3A_48 : f32 to vector<128x128xf32>
      %select_n3A_168 = arith.select %ge3A, %broadcast_in_dim3A_166, %broadcast_in_dim3A_167 : vector<128x128xi1>, vector<128x128xf32>
      %add3A_169 = arith.addf %while3A_32, %select_n3A_168 : vector<128x128xf32>
      scf.yield %add3A_169 : vector<128x128xf32>
    } else {
      scf.yield %while3A_32 : vector<128x128xf32>
    }
    %sub3A_52 = arith.constant 80 : i32
    %sub3A_53 = arith.subi %sub3A_52, %arg0 : i32
    %sub3A_54 = arith.constant 1 : i32
    %sub3A_55 = arith.subi %sub3A_53, %sub3A_54 : i32
    %jit3A_56 = arith.constant 2 : i32
    %eq3A_57 = arith.constant 0 : i32
    %eq3A_58 = arith.cmpi eq, %jit3A_56, %eq3A_57 : i32
    %jit3A_59 = arith.constant 1 : i32
    %select_n3A_60 = arith.select %eq3A_58, %jit3A_59, %jit3A_56 : i32
    %rem3A_61 = arith.remsi %sub3A_55, %select_n3A_60 : i32
    %ne3A_62 = arith.constant 0 : i32
    %ne3A_63 = arith.cmpi ne, %rem3A_61, %ne3A_62 : i32
    %lt3A_64 = arith.constant 0 : i32
    %lt3A_65 = arith.cmpi slt, %rem3A_61, %lt3A_64 : i32
    %lt3A_66 = arith.constant 0 : i32
    %lt3A_67 = arith.cmpi slt, %select_n3A_60, %lt3A_66 : i32
    %ne3A_68 = arith.xori %lt3A_65, %lt3A_67 : i1
    %and3A_69 = arith.andi %ne3A_68, %ne3A_63 : i1
    %add3A_70 = arith.addi %rem3A_61, %select_n3A_60 : i32
    %select_n3A_71 = arith.select %and3A_69, %add3A_70, %rem3A_61 : i32
    %eq3A_72 = arith.constant 1 : i32
    %eq3A_73 = arith.cmpi eq, %select_n3A_71, %eq3A_72 : i32
    %convert_element_type3A_74 = arith.extui %eq3A_73 : i1 to i32
    %cond3A_75 = arith.constant 1.000000e+00 : f32
    %cond3A_76 = arith.constant 0.000000e+00 : f32
    %cond3A_77 = arith.constant 0 : i32
    %cond3A_78 = arith.cmpi ne, %convert_element_type3A_74, %cond3A_77 : i32
    %cond3A_79 = scf.if %cond3A_78 -> (vector<128x128xf32>) {
      %add3A_157 = arith.constant 1 : i32
      %add3A_158 = arith.addi %arg0, %add3A_157 : i32
      %mul3A_159 = arith.constant 128 : i32
      %mul3A_160 = arith.muli %add3A_158, %mul3A_159 : i32
      %get3A_161 = arith.constant 0 : index
      %get3A_162 = arith.index_cast %mul3A_160 : i32 to index
      %get3A_163 = vector.load %arg2[%get3A_161, %get3A_162] : memref<1x10240xf32, #tpu.memory_space<vmem>>, vector<1x128xf32>
      %broadcast_in_dim3A_164 = vector.shape_cast %get3A_163 : vector<1x128xf32> to vector<1x128xf32>
      %broadcast_in_dim3A_165 = vector.broadcast %broadcast_in_dim3A_164 : vector<1x128xf32> to vector<128x128xf32>
      %gt3A_166 = arith.cmpf ogt, %broadcast_in_dim3A_165, %broadcast_in_dim3A_2 : vector<128x128xf32>
      %broadcast_in_dim3A_167 = vector.broadcast %cond3A_75 : f32 to vector<128x128xf32>
      %broadcast_in_dim3A_168 = vector.broadcast %cond3A_76 : f32 to vector<128x128xf32>
      %select_n3A_169 = arith.select %gt3A_166, %broadcast_in_dim3A_167, %broadcast_in_dim3A_168 : vector<128x128xi1>, vector<128x128xf32>
      %add3A_170 = arith.addf %cond3A_51, %select_n3A_169 : vector<128x128xf32>
      scf.yield %add3A_170 : vector<128x128xf32>
    } else {
      scf.yield %cond3A_51 : vector<128x128xf32>
    }
    %add3A_80 = arith.constant 1 : i32
    %add3A_81 = arith.addi %arg0, %add3A_80 : i32
    %jit3A_82 = arith.constant 2 : i32
    %eq3A_83 = arith.constant 0 : i32
    %eq3A_84 = arith.cmpi eq, %jit3A_82, %eq3A_83 : i32
    %jit3A_85 = arith.constant 1 : i32
    %select_n3A_86 = arith.select %eq3A_84, %jit3A_85, %jit3A_82 : i32
    %rem3A_87 = arith.remsi %sub3A_55, %select_n3A_86 : i32
    %ne3A_88 = arith.constant 0 : i32
    %ne3A_89 = arith.cmpi ne, %rem3A_87, %ne3A_88 : i32
    %lt3A_90 = arith.constant 0 : i32
    %lt3A_91 = arith.cmpi slt, %rem3A_87, %lt3A_90 : i32
    %lt3A_92 = arith.constant 0 : i32
    %lt3A_93 = arith.cmpi slt, %select_n3A_86, %lt3A_92 : i32
    %ne3A_94 = arith.xori %lt3A_91, %lt3A_93 : i1
    %and3A_95 = arith.andi %ne3A_94, %ne3A_89 : i1
    %add3A_96 = arith.addi %rem3A_87, %select_n3A_86 : i32
    %select_n3A_97 = arith.select %and3A_95, %add3A_96, %rem3A_87 : i32
    %add3A_98 = arith.addi %add3A_81, %select_n3A_97 : i32
    %jit3A_99 = arith.constant 2 : i32
    %div3A_100 = arith.divsi %sub3A_55, %jit3A_99 : i32
    %sign3A_101 = arith.constant 0 : i32
    %sign3A_102 = arith.cmpi sgt, %sub3A_55, %sign3A_101 : i32
    %sign3A_103 = arith.extui %sign3A_102 : i1 to i32
    %sign3A_104 = arith.constant 0 : i32
    %sign3A_105 = arith.cmpi slt, %sub3A_55, %sign3A_104 : i32
    %sign3A_106 = arith.extui %sign3A_105 : i1 to i32
    %sign3A_107 = arith.subi %sign3A_103, %sign3A_106 : i32
    %sign3A_108 = arith.constant 0 : i32
    %sign3A_109 = arith.cmpi sgt, %jit3A_99, %sign3A_108 : i32
    %sign3A_110 = arith.extui %sign3A_109 : i1 to i32
    %sign3A_111 = arith.constant 0 : i32
    %sign3A_112 = arith.cmpi slt, %jit3A_99, %sign3A_111 : i32
    %sign3A_113 = arith.extui %sign3A_112 : i1 to i32
    %sign3A_114 = arith.subi %sign3A_110, %sign3A_113 : i32
    %ne3A_115 = arith.cmpi ne, %sign3A_107, %sign3A_114 : i32
    %rem3A_116 = arith.remsi %sub3A_55, %jit3A_99 : i32
    %ne3A_117 = arith.constant 0 : i32
    %ne3A_118 = arith.cmpi ne, %rem3A_116, %ne3A_117 : i32
    %and3A_119 = arith.andi %ne3A_115, %ne3A_118 : i1
    %sub3A_120 = arith.constant 1 : i32
    %sub3A_121 = arith.subi %div3A_100, %sub3A_120 : i32
    %select_n3A_122 = arith.select %and3A_119, %sub3A_121, %div3A_100 : i32
    %while3A_123 = arith.constant 1.000000e+00 : f32
    %while3A_124 = arith.constant 0.000000e+00 : f32
    %while3A_125 = arith.constant 0 : i32
    %while3A_126 = arith.subi %select_n3A_122, %while3A_125 : i32
    %while3A_127 = arith.addi %while3A_125, %while3A_126 : i32
    %while3A_128 = arith.constant 1 : i32
    %while3A_129 = arith.divsi %while3A_126, %while3A_128 : i32
    %while3A_130 = arith.muli %while3A_129, %while3A_128 : i32
    %while3A_131 = arith.addi %while3A_125, %while3A_130 : i32
    %while3A_132 = arith.constant 1 : i32
    %while3A_133 = scf.for %while3A_157 = %while3A_125 to %while3A_131 step %while3A_132 iter_args(%while3A_158 = %cond3A_79) -> (vector<128x128xf32>)  : i32 {
      %mul3A_159 = arith.constant 2 : i32
      %mul3A_160 = arith.muli %mul3A_159, %while3A_157 : i32
      %add3A_161 = arith.addi %add3A_98, %mul3A_160 : i32
      %add3A_162 = arith.constant 1 : i32
      %add3A_163 = arith.addi %add3A_161, %add3A_162 : i32
      %mul3A_164 = arith.constant 2 : i32
      %mul3A_165 = arith.muli %mul3A_164, %while3A_157 : i32
      %add3A_166 = arith.addi %add3A_98, %mul3A_165 : i32
      %mul3A_167 = arith.constant 128 : i32
      %mul3A_168 = arith.muli %add3A_166, %mul3A_167 : i32
      %get3A_169 = arith.constant 0 : index
      %get3A_170 = arith.index_cast %mul3A_168 : i32 to index
      %get3A_171 = vector.load %arg2[%get3A_169, %get3A_170] : memref<1x10240xf32, #tpu.memory_space<vmem>>, vector<1x128xf32>
      %broadcast_in_dim3A_172 = vector.shape_cast %get3A_171 : vector<1x128xf32> to vector<1x128xf32>
      %broadcast_in_dim3A_173 = vector.broadcast %broadcast_in_dim3A_172 : vector<1x128xf32> to vector<128x128xf32>
      %gt3A_174 = arith.cmpf ogt, %broadcast_in_dim3A_173, %broadcast_in_dim3A_2 : vector<128x128xf32>
      %broadcast_in_dim3A_175 = vector.broadcast %while3A_123 : f32 to vector<128x128xf32>
      %broadcast_in_dim3A_176 = vector.broadcast %while3A_124 : f32 to vector<128x128xf32>
      %select_n3A_177 = arith.select %gt3A_174, %broadcast_in_dim3A_175, %broadcast_in_dim3A_176 : vector<128x128xi1>, vector<128x128xf32>
      %add3A_178 = arith.addf %while3A_158, %select_n3A_177 : vector<128x128xf32>
      %mul3A_179 = arith.constant 128 : i32
      %mul3A_180 = arith.muli %add3A_163, %mul3A_179 : i32
      %get3A_181 = arith.constant 0 : index
      %get3A_182 = arith.index_cast %mul3A_180 : i32 to index
      %get3A_183 = vector.load %arg2[%get3A_181, %get3A_182] : memref<1x10240xf32, #tpu.memory_space<vmem>>, vector<1x128xf32>
      %broadcast_in_dim3A_184 = vector.shape_cast %get3A_183 : vector<1x128xf32> to vector<1x128xf32>
      %broadcast_in_dim3A_185 = vector.broadcast %broadcast_in_dim3A_184 : vector<1x128xf32> to vector<128x128xf32>
      %gt3A_186 = arith.cmpf ogt, %broadcast_in_dim3A_185, %broadcast_in_dim3A_2 : vector<128x128xf32>
      %broadcast_in_dim3A_187 = vector.broadcast %while3A_123 : f32 to vector<128x128xf32>
      %broadcast_in_dim3A_188 = vector.broadcast %while3A_124 : f32 to vector<128x128xf32>
      %select_n3A_189 = arith.select %gt3A_186, %broadcast_in_dim3A_187, %broadcast_in_dim3A_188 : vector<128x128xi1>, vector<128x128xf32>
      %add3A_190 = arith.addf %add3A_178, %select_n3A_189 : vector<128x128xf32>
      scf.yield %add3A_190 : vector<128x128xf32>
    }
    %while3A_134 = arith.constant 1 : i32
    %while3A_135 = scf.for %while3A_157 = %while3A_131 to %while3A_127 step %while3A_134 iter_args(%while3A_158 = %while3A_133) -> (vector<128x128xf32>)  : i32 {
      %mul3A_159 = arith.constant 2 : i32
      %mul3A_160 = arith.muli %mul3A_159, %while3A_157 : i32
      %add3A_161 = arith.addi %add3A_98, %mul3A_160 : i32
      %add3A_162 = arith.constant 1 : i32
      %add3A_163 = arith.addi %add3A_161, %add3A_162 : i32
      %mul3A_164 = arith.constant 2 : i32
      %mul3A_165 = arith.muli %mul3A_164, %while3A_157 : i32
      %add3A_166 = arith.addi %add3A_98, %mul3A_165 : i32
      %mul3A_167 = arith.constant 128 : i32
      %mul3A_168 = arith.muli %add3A_166, %mul3A_167 : i32
      %get3A_169 = arith.constant 0 : index
      %get3A_170 = arith.index_cast %mul3A_168 : i32 to index
      %get3A_171 = vector.load %arg2[%get3A_169, %get3A_170] : memref<1x10240xf32, #tpu.memory_space<vmem>>, vector<1x128xf32>
      %broadcast_in_dim3A_172 = vector.shape_cast %get3A_171 : vector<1x128xf32> to vector<1x128xf32>
      %broadcast_in_dim3A_173 = vector.broadcast %broadcast_in_dim3A_172 : vector<1x128xf32> to vector<128x128xf32>
      %gt3A_174 = arith.cmpf ogt, %broadcast_in_dim3A_173, %broadcast_in_dim3A_2 : vector<128x128xf32>
      %broadcast_in_dim3A_175 = vector.broadcast %while3A_123 : f32 to vector<128x128xf32>
      %broadcast_in_dim3A_176 = vector.broadcast %while3A_124 : f32 to vector<128x128xf32>
      %select_n3A_177 = arith.select %gt3A_174, %broadcast_in_dim3A_175, %broadcast_in_dim3A_176 : vector<128x128xi1>, vector<128x128xf32>
      %add3A_178 = arith.addf %while3A_158, %select_n3A_177 : vector<128x128xf32>
      %mul3A_179 = arith.constant 128 : i32
      %mul3A_180 = arith.muli %add3A_163, %mul3A_179 : i32
      %get3A_181 = arith.constant 0 : index
      %get3A_182 = arith.index_cast %mul3A_180 : i32 to index
      %get3A_183 = vector.load %arg2[%get3A_181, %get3A_182] : memref<1x10240xf32, #tpu.memory_space<vmem>>, vector<1x128xf32>
      %broadcast_in_dim3A_184 = vector.shape_cast %get3A_183 : vector<1x128xf32> to vector<1x128xf32>
      %broadcast_in_dim3A_185 = vector.broadcast %broadcast_in_dim3A_184 : vector<1x128xf32> to vector<128x128xf32>
      %gt3A_186 = arith.cmpf ogt, %broadcast_in_dim3A_185, %broadcast_in_dim3A_2 : vector<128x128xf32>
      %broadcast_in_dim3A_187 = vector.broadcast %while3A_123 : f32 to vector<128x128xf32>
      %broadcast_in_dim3A_188 = vector.broadcast %while3A_124 : f32 to vector<128x128xf32>
      %select_n3A_189 = arith.select %gt3A_186, %broadcast_in_dim3A_187, %broadcast_in_dim3A_188 : vector<128x128xi1>, vector<128x128xf32>
      %add3A_190 = arith.addf %add3A_178, %select_n3A_189 : vector<128x128xf32>
      scf.yield %add3A_190 : vector<128x128xf32>
    }
    %mul3A = arith.constant 128 : i32
    %mul3A_136 = arith.muli %arg0, %mul3A : i32
    %get3A_137 = arith.constant 0 : index
    %get3A_138 = arith.index_cast %mul3A_136 : i32 to index
    %get3A_139 = vector.load %arg2[%get3A_137, %get3A_138] : memref<1x10240xf32, #tpu.memory_space<vmem>>, vector<1x128xf32>
    %broadcast_in_dim3A_140 = vector.shape_cast %get3A_139 : vector<1x128xf32> to vector<1x128xf32>
    %broadcast_in_dim3A_141 = vector.broadcast %broadcast_in_dim3A_140 : vector<1x128xf32> to vector<128x128xf32>
    %iota3A = tpu.iota {dimensions = array<i32: 0>} : vector<128x128xi32>
    %iota3A_142 = tpu.iota {dimensions = array<i32: 1>} : vector<128x128xi32>
    %gt3A = arith.cmpf ogt, %broadcast_in_dim3A_141, %broadcast_in_dim3A_2 : vector<128x128xf32>
    %eq3A_143 = arith.cmpf oeq, %broadcast_in_dim3A_141, %broadcast_in_dim3A_2 : vector<128x128xf32>
    %lt3A_144 = arith.cmpi slt, %iota3A_142, %iota3A : vector<128x128xi32>
    %and3A_145 = arith.andi %eq3A_143, %lt3A_144 : vector<128x128xi1>
    %or3A = arith.ori %gt3A, %and3A_145 : vector<128x128xi1>
    %jit3A_146 = arith.constant 1.000000e+00 : f32
    %jit3A_147 = arith.constant 0.000000e+00 : f32
    %broadcast_in_dim3A_148 = vector.broadcast %jit3A_146 : f32 to vector<128x128xf32>
    %broadcast_in_dim3A_149 = vector.broadcast %jit3A_147 : f32 to vector<128x128xf32>
    %select_n3A_150 = arith.select %or3A, %broadcast_in_dim3A_148, %broadcast_in_dim3A_149 : vector<128x128xi1>, vector<128x128xf32>
    %add3A_151 = arith.addf %while3A_135, %select_n3A_150 : vector<128x128xf32>
    %reduce_sum3A = arith.constant dense<0.000000e+00> : vector<128xf32>
    %reduce_sum3A_152 = vector.multi_reduction <add>, %add3A_151, %reduce_sum3A [1] : vector<128x128xf32> to vector<128xf32>
    %broadcast_in_dim3A_153 = vector.shape_cast %reduce_sum3A_152 : vector<128xf32> to vector<128x1xf32>
    %convert_element_type3A_154 = arith.fptosi %broadcast_in_dim3A_153 : vector<128x1xf32> to vector<128x1xi32>
    %swap3A = arith.constant 0 : index
    %swap3A_155 = arith.constant 0 : index
    %swap3A_156 = vector.load %arg3[%swap3A, %swap3A_155] : memref<128x1xi32, #tpu.memory_space<vmem>>, vector<128x1xi32>
    tpu.vector_store %arg3[%swap3A, %swap3A_155], %convert_element_type3A_154 {strides = array<i32>} : memref<128x1xi32, #tpu.memory_space<vmem>>, vector<128x1xi32>,
    return
  }
  func.func @transform_0(%arg0: i32) -> (i32, i32) {
    %c0_i32 = arith.constant 0 : i32
    %c0_i32_0 = arith.constant 0 : i32
    return %arg0, %c0_i32 : i32, i32
  }
  func.func @transform_1(%arg0: i32) -> (i32, i32) {
    %c0_i32 = arith.constant 0 : i32
    %c0_i32_0 = arith.constant 0 : i32
    %c0_i32_1 = arith.constant 0 : i32
    return %c0_i32, %c0_i32_0 : i32, i32
  }
  func.func @transform_2(%arg0: i32) -> (i32, i32) {
    %c0_i32 = arith.constant 0 : i32
    %c0_i32_0 = arith.constant 0 : i32
    return %arg0, %c0_i32 : i32, i32
  }
}

module attributes {stable_mosaic.version = 14 : i64} {
  func.func @_cumsum_body(%arg0: i32, %arg1: memref<512x128xf32, #tpu.memory_space<vmem>>, %arg2: memref<512x128xf32, #tpu.memory_space<vmem>>, %arg3: memref<8x128xf32, #tpu.memory_space<vmem>>) attributes {dimension_semantics = [#tpu.dimension_semantics<arbitrary>], iteration_bounds = array<i64: 20>, scalar_prefetch = 0 : i64, scratch_operands = 1 : i64, tpu.core_type = #tpu.core_type<tc>, window_params = [{transform_indices = @transform_0, window_bounds = array<i64: 512, 128>}, {transform_indices = @transform_1, window_bounds = array<i64: 512, 128>}]} {
    %eq3A = arith.constant 0 : i32
    %eq3A_0 = arith.cmpi eq, %arg0, %eq3A : i32
    %convert_element_type3A = arith.extui %eq3A_0 : i1 to i32
    %cond3A = arith.constant 0 : i32
    %cond3A_1 = arith.cmpi ne, %convert_element_type3A, %cond3A : i32
    scf.if %cond3A_1 {
      %broadcast_in_dim3A_19 = arith.constant 0.000000e+00 : f32
      %broadcast_in_dim3A_20 = vector.broadcast %broadcast_in_dim3A_19 : f32 to vector<8x128xf32>
      %swap3A_21 = arith.constant 0 : index
      %swap3A_22 = arith.constant 0 : index
      %swap3A_23 = vector.load %arg3[%swap3A_21, %swap3A_22] : memref<8x128xf32, #tpu.memory_space<vmem>>, vector<8x128xf32>
      tpu.vector_store %arg3[%swap3A_21, %swap3A_22], %broadcast_in_dim3A_20 {strides = array<i32>} : memref<8x128xf32, #tpu.memory_space<vmem>>, vector<8x128xf32>,
    } else {
    }
    %get3A = arith.constant 0 : index
    %get3A_2 = arith.constant 0 : index
    %get3A_3 = vector.load %arg1[%get3A, %get3A_2] : memref<512x128xf32, #tpu.memory_space<vmem>>, vector<512x128xf32>
    %iota3A = tpu.iota {dimensions = array<i32: 0>} : vector<512x512xi32>
    %iota3A_4 = tpu.iota {dimensions = array<i32: 1>} : vector<512x512xi32>
    %ge3A = arith.cmpi sge, %iota3A, %iota3A_4 : vector<512x512xi32>
    %convert_element_type3A_5 = arith.extui %ge3A : vector<512x512xi1> to vector<512x512xi32>
    %convert_element_type3A_6 = arith.sitofp %convert_element_type3A_5 : vector<512x512xi32> to vector<512x512xf32>
    %get3A_7 = arith.constant 0 : index
    %get3A_8 = arith.constant 0 : index
    %get3A_9 = vector.load %arg3[%get3A_7, %get3A_8] : memref<8x128xf32, #tpu.memory_space<vmem>>, vector<1x128xf32>
    %dot_general3A = arith.constant dense<0.000000e+00> : vector<512x128xf32>
    %dot_general3A_10 = tpu.matmul %convert_element_type3A_6, %get3A_3, %dot_general3A {dimension_numbers = #tpu.dot_dimension_numbers<[1], [0], [0], [1], [0, 0, 1, 1], [], []>, transpose_lhs_hint = false} : vector<512x512xf32>, vector<512x128xf32>, vector<512x128xf32> -> vector<512x128xf32>
    %add3A = vector.broadcast %get3A_9 : vector<1x128xf32> to vector<512x128xf32>
    %add3A_11 = arith.addf %dot_general3A_10, %add3A : vector<512x128xf32>
    %swap3A = arith.constant 0 : index
    %swap3A_12 = arith.constant 0 : index
    %swap3A_13 = vector.load %arg2[%swap3A, %swap3A_12] : memref<512x128xf32, #tpu.memory_space<vmem>>, vector<512x128xf32>
    tpu.vector_store %arg2[%swap3A, %swap3A_12], %add3A_11 {strides = array<i32>} : memref<512x128xf32, #tpu.memory_space<vmem>>, vector<512x128xf32>,
    %reduce_sum3A = arith.constant dense<0.000000e+00> : vector<128xf32>
    %reduce_sum3A_14 = vector.multi_reduction <add>, %get3A_3, %reduce_sum3A [0] : vector<512x128xf32> to vector<128xf32>
    %broadcast_in_dim3A = vector.shape_cast %reduce_sum3A_14 : vector<128xf32> to vector<1x128xf32>
    %add3A_15 = arith.addf %get3A_9, %broadcast_in_dim3A : vector<1x128xf32>
    %swap3A_16 = arith.constant 0 : index
    %swap3A_17 = arith.constant 0 : index
    %swap3A_18 = vector.load %arg3[%swap3A_16, %swap3A_17] : memref<8x128xf32, #tpu.memory_space<vmem>>, vector<1x128xf32>
    tpu.vector_store %arg3[%swap3A_16, %swap3A_17], %add3A_15 {strides = array<i32>} : memref<8x128xf32, #tpu.memory_space<vmem>>, vector<1x128xf32>,
    return
  }
  func.func @transform_0(%arg0: i32) -> (i32, i32) {
    %c0_i32 = arith.constant 0 : i32
    %c0_i32_0 = arith.constant 0 : i32
    return %arg0, %c0_i32 : i32, i32
  }
  func.func @transform_1(%arg0: i32) -> (i32, i32) {
    %c0_i32 = arith.constant 0 : i32
    %c0_i32_0 = arith.constant 0 : i32
    return %arg0, %c0_i32 : i32, i32
  }
}

module attributes {stable_mosaic.version = 14 : i64} {
  func.func @_final_body(%arg0: i32, %arg1: memref<1000x128xf32, #tpu.memory_space<vmem>>, %arg2: memref<1000x128xf32, #tpu.memory_space<vmem>>, %arg3: memref<1000x128xf32, #tpu.memory_space<vmem>>, %arg4: memref<1000x128xf32, #tpu.memory_space<vmem>>, %arg5: memref<8x128xf32, #tpu.memory_space<vmem>>, %arg6: memref<1x128xf32, #tpu.memory_space<vmem>>, %arg7: memref<1x128xf32, #tpu.memory_space<vmem>>, %arg8: memref<1x1xf32, #tpu.memory_space<vmem>>, %arg9: memref<1000x128xf32, #tpu.memory_space<vmem>>) attributes {dimension_semantics = [#tpu.dimension_semantics<arbitrary>], iteration_bounds = array<i64: 10>, scalar_prefetch = 0 : i64, scratch_operands = 0 : i64, tpu.core_type = #tpu.core_type<tc>, window_params = [{transform_indices = @transform_0, window_bounds = array<i64: 1000, 128>}, {transform_indices = @transform_1, window_bounds = array<i64: 1000, 128>}, {transform_indices = @transform_2, window_bounds = array<i64: 1000, 128>}, {transform_indices = @transform_3, window_bounds = array<i64: 1000, 128>}, {pipeline_mode = #tpu.pipeline_mode<synchronous>, transform_indices = @transform_4, window_bounds = array<i64: 8, 128>}, {pipeline_mode = #tpu.pipeline_mode<synchronous>, transform_indices = @transform_5, window_bounds = array<i64: 1, 128>}, {pipeline_mode = #tpu.pipeline_mode<synchronous>, transform_indices = @transform_6, window_bounds = array<i64: 1, 128>}, {pipeline_mode = #tpu.pipeline_mode<synchronous>, transform_indices = @transform_7, window_bounds = array<i64: 1, 1>}, {transform_indices = @transform_8, window_bounds = array<i64: 1000, 128>}]} {
    %get3A = arith.constant 0 : index
    %get3A_0 = arith.constant 0 : index
    %get3A_1 = vector.load %arg6[%get3A, %get3A_0] : memref<1x128xf32, #tpu.memory_space<vmem>>, vector<1x128xf32>
    %get3A_2 = arith.constant 0 : index
    %get3A_3 = arith.constant 0 : index
    %get3A_4 = vector.load %arg7[%get3A_2, %get3A_3] : memref<1x128xf32, #tpu.memory_space<vmem>>, vector<1x128xf32>
    %get3A_5 = arith.constant 0 : index
    %get3A_6 = arith.constant 0 : index
    %get3A_7 = vector.load %arg5[%get3A_5, %get3A_6] : memref<8x128xf32, #tpu.memory_space<vmem>>, vector<1x128xf32>
    %mul3A = arith.mulf %get3A_4, %get3A_7 : vector<1x128xf32>
    %get3A_8 = arith.constant 1 : index
    %get3A_9 = arith.constant 0 : index
    %get3A_10 = vector.load %arg5[%get3A_8, %get3A_9] : memref<8x128xf32, #tpu.memory_space<vmem>>, vector<1x128xf32>
    %mul3A_11 = arith.mulf %get3A_4, %get3A_10 : vector<1x128xf32>
    %get3A_12 = arith.constant 0 : index
    %get3A_13 = arith.constant 0 : index
    %get3A_14 = vector.load %arg8[%get3A_12, %get3A_13] : memref<1x1xf32, #tpu.memory_space<vmem>>, vector<1x1xf32>
    %get3A_15 = vector.extract %get3A_14[0, 0] : f32 from vector<1x1xf32>
    %get3A_16 = arith.constant 0 : index
    %get3A_17 = arith.constant 0 : index
    %get3A_18 = vector.load %arg2[%get3A_16, %get3A_17] : memref<1000x128xf32, #tpu.memory_space<vmem>>, vector<1000x128xf32>
    %mul3A_19 = vector.broadcast %get3A_1 : vector<1x128xf32> to vector<1000x128xf32>
    %mul3A_20 = arith.mulf %get3A_18, %mul3A_19 : vector<1000x128xf32>
    %exp3A = math.exp %mul3A_20 : vector<1000x128xf32>
    %mul3A_21 = vector.broadcast %mul3A : vector<1x128xf32> to vector<1000x128xf32>
    %mul3A_22 = arith.mulf %exp3A, %mul3A_21 : vector<1000x128xf32>
    %get3A_23 = arith.constant 0 : index
    %get3A_24 = arith.constant 0 : index
    %get3A_25 = vector.load %arg3[%get3A_23, %get3A_24] : memref<1000x128xf32, #tpu.memory_space<vmem>>, vector<1000x128xf32>
    %mul3A_26 = vector.broadcast %mul3A_11 : vector<1x128xf32> to vector<1000x128xf32>
    %mul3A_27 = arith.mulf %get3A_25, %mul3A_26 : vector<1000x128xf32>
    %add3A = arith.addf %mul3A_22, %mul3A_27 : vector<1000x128xf32>
    %get3A_28 = arith.constant 0 : index
    %get3A_29 = arith.constant 0 : index
    %get3A_30 = vector.load %arg4[%get3A_28, %get3A_29] : memref<1000x128xf32, #tpu.memory_space<vmem>>, vector<1000x128xf32>
    %mul3A_31 = vector.broadcast %get3A_15 : f32 to vector<1000x128xf32>
    %mul3A_32 = arith.mulf %get3A_30, %mul3A_31 : vector<1000x128xf32>
    %add3A_33 = arith.addf %add3A, %mul3A_32 : vector<1000x128xf32>
    %reduce_sum3A = arith.constant dense<0.000000e+00> : vector<1000xf32>
    %reduce_sum3A_34 = vector.multi_reduction <add>, %add3A_33, %reduce_sum3A [1] : vector<1000x128xf32> to vector<1000xf32>
    %broadcast_in_dim3A = vector.shape_cast %reduce_sum3A_34 : vector<1000xf32> to vector<1000x1xf32>
    %div3A = arith.constant 1.280000e+02 : f32
    %div3A_35 = vector.broadcast %div3A : f32 to vector<1000x1xf32>
    %div3A_36 = arith.divf %broadcast_in_dim3A, %div3A_35 : vector<1000x1xf32>
    %sub3A = vector.broadcast %div3A_36 : vector<1000x1xf32> to vector<1000x128xf32>
    %sub3A_37 = arith.subf %add3A_33, %sub3A : vector<1000x128xf32>
    %mul3A_38 = arith.mulf %sub3A_37, %sub3A_37 : vector<1000x128xf32>
    %reduce_sum3A_39 = arith.constant dense<0.000000e+00> : vector<1000xf32>
    %reduce_sum3A_40 = vector.multi_reduction <add>, %mul3A_38, %reduce_sum3A_39 [1] : vector<1000x128xf32> to vector<1000xf32>
    %broadcast_in_dim3A_41 = vector.shape_cast %reduce_sum3A_40 : vector<1000xf32> to vector<1000x1xf32>
    %div3A_42 = arith.constant 1.280000e+02 : f32
    %div3A_43 = vector.broadcast %div3A_42 : f32 to vector<1000x1xf32>
    %div3A_44 = arith.divf %broadcast_in_dim3A_41, %div3A_43 : vector<1000x1xf32>
    %get3A_45 = arith.constant 0 : index
    %get3A_46 = arith.constant 0 : index
    %get3A_47 = vector.load %arg1[%get3A_45, %get3A_46] : memref<1000x128xf32, #tpu.memory_space<vmem>>, vector<1000x128xf32>
    %add3A_48 = arith.constant 9.99999974E-6 : f32
    %add3A_49 = vector.broadcast %add3A_48 : f32 to vector<1000x1xf32>
    %add3A_50 = arith.addf %div3A_44, %add3A_49 : vector<1000x1xf32>
    %rsqrt3A = math.rsqrt %add3A_50 : vector<1000x1xf32>
    %mul3A_51 = vector.broadcast %rsqrt3A : vector<1000x1xf32> to vector<1000x128xf32>
    %mul3A_52 = arith.mulf %sub3A_37, %mul3A_51 : vector<1000x128xf32>
    %add3A_53 = arith.addf %get3A_47, %mul3A_52 : vector<1000x128xf32>
    %swap3A = arith.constant 0 : index
    %swap3A_54 = arith.constant 0 : index
    %swap3A_55 = vector.load %arg9[%swap3A, %swap3A_54] : memref<1000x128xf32, #tpu.memory_space<vmem>>, vector<1000x128xf32>
    tpu.vector_store %arg9[%swap3A, %swap3A_54], %add3A_53 {strides = array<i32>} : memref<1000x128xf32, #tpu.memory_space<vmem>>, vector<1000x128xf32>,
    return
  }
  func.func @transform_0(%arg0: i32) -> (i32, i32) {
    %c0_i32 = arith.constant 0 : i32
    %c0_i32_0 = arith.constant 0 : i32
    return %arg0, %c0_i32 : i32, i32
  }
  func.func @transform_1(%arg0: i32) -> (i32, i32) {
    %c0_i32 = arith.constant 0 : i32
    %c0_i32_0 = arith.constant 0 : i32
    return %arg0, %c0_i32 : i32, i32
  }
  func.func @transform_2(%arg0: i32) -> (i32, i32) {
    %c0_i32 = arith.constant 0 : i32
    %c0_i32_0 = arith.constant 0 : i32
    return %arg0, %c0_i32 : i32, i32
  }
  func.func @transform_3(%arg0: i32) -> (i32, i32) {
    %c0_i32 = arith.constant 0 : i32
    %c0_i32_0 = arith.constant 0 : i32
    return %arg0, %c0_i32 : i32, i32
  }
  func.func @transform_4(%arg0: i32) -> (i32, i32) {
    %c0_i32 = arith.constant 0 : i32
    %c0_i32_0 = arith.constant 0 : i32
    %c0_i32_1 = arith.constant 0 : i32
    return %c0_i32, %c0_i32_0 : i32, i32
  }
  func.func @transform_5(%arg0: i32) -> (i32, i32) {
    %c0_i32 = arith.constant 0 : i32
    %c0_i32_0 = arith.constant 0 : i32
    %c0_i32_1 = arith.constant 0 : i32
    return %c0_i32, %c0_i32_0 : i32, i32
  }
  func.func @transform_6(%arg0: i32) -> (i32, i32) {
    %c0_i32 = arith.constant 0 : i32
    %c0_i32_0 = arith.constant 0 : i32
    %c0_i32_1 = arith.constant 0 : i32
    return %c0_i32, %c0_i32_0 : i32, i32
  }
  func.func @transform_7(%arg0: i32) -> (i32, i32) {
    %c0_i32 = arith.constant 0 : i32
    %c0_i32_0 = arith.constant 0 : i32
    %c0_i32_1 = arith.constant 0 : i32
    return %c0_i32, %c0_i32_0 : i32, i32
  }
  func.func @transform_8(%arg0: i32) -> (i32, i32) {
    %c0_i32 = arith.constant 0 : i32
    %c0_i32_0 = arith.constant 0 : i32
    return %arg0, %c0_i32 : i32, i32
  }
}

</mosaic_0001>

<sc_bundles>
// kernel: kernel.12.cloned.1.call-start
scs
__scs_entry_jumppad:
0x0: {  	(pc) =	sbr.rel $0x88, $3  }
0x1: {  	(tag) =	ssettag $0x0;
	lr =	simm.s32 $0x1  }
0x2: {  	[smem:$0x3F92] =	sst lr;
	_ =	strace $0xD0000000  }
0x3: {  	_ = 	snop  }
0x4: {  	_ = 	snop  }
0x5: {  	_ = 	snop  }
0x6: {  	_ = 	snop  }
0x7: {  	_ = 	snop  }
__scs_overlays_trampoline_lowered:
0x8: {  	[smem:$0x3FA1] =	sst s0  }
0x9: {  	[smem:$0x3FA2] =	sst s1  }
0xa: {  	[smem:$0x3FA3] =	sst s2  }
0xb: {  	[smem:$0x3FA4] =	sst s3  }
0xc: {  	[smem:$0x3FA5] =	sst s4  }
0xd: {  	[smem:$0x3FA6] =	sst s5  }
0xe: {  	[smem:$0x3FA7] =	sst s6  }
0xf: {  	[smem:$0x3FA8] =	sst s7  }
0x10: {  	[smem:$0x3FA9] =	sst s8  }
0x11: {  	[smem:$0x3FAA] =	sst s9;
	s0 =	simm.s32 @!p0 $0x0  }
0x12: {  	s1 =	sld [smem:$0x3F90];
	s0 =	simm.s32 @p0 $0x1  }
0x13: {  	[smem:$0x3FAB] =	sst s0;
	s0 =	simm.s32 @!p1 $0x0  }
0x14: {  	s2 =	sld [smem:$0x3F8F];
	s0 =	simm.s32 @p1 $0x1  }
0x15: {  	[smem:$0x3FAC] =	sst s0;
	s0 =	simm.s32 @!p2 $0x0  }
0x16: {  	s3 =	sld [smem:$0x3FDB];
	s0 =	simm.s32 @p2 $0x1  }
0x17: {  	s4 =	simm.s32 $0x1BF5;
	[smem:$0x3FAE] =	sst s0  }
0x18: {  	s0 =	sld [smem:$0x3F91];
	_ =	swait.ge [sflag:s4], $0x0  }
0x19: {  	s7 =	sld [smem:$0x3F92]  }
0x1a: {  	s8 =	sadd.s32 $0xFFFFE003, lr  }
0x1b: {  	s9 =	sadd.s32 $0xFFFFFEF7, lr;
	s5 =	simm.s32 $0xFFFFFFFF;
	p2 =	slt.u32 s8, $0xFFFFF086  }
0x1c: {  	p1 =	slt.u32 s9, $0xF7A;
	s5 =	simm.s32 @!p2 $0x0  }
0x1d: {  	s5 =	simm.s32 @p1 $0x1;
	p0 =	seq.s32 s7, s2  }
0x1e: {  	s7 =	smul.u32 @!p0 $0xF7A, s2;
	p2 =	seq.s32 @!p0 s5, $0x0  }
0x1f: {  	s9 =	smul.u32 $0xF7A, s1;
	s8 =	simm.s32 @!p0 $0x1BF5;
	p2 =	por !p2, p0  }
0x20: {  	[sflag:s8] =	ssyncset.s32 @!p0 $0xFFFFF086;
	s6 =	sadd.s32 @!p0 s3, s7;
	s7 =	simm.s32 @!p0 $0x108  }
0x21: {  	s3 =	sadd.s32 s3, s9;
	s6 =	sadd.s32 @!p0 $0x88, s6;
	s7 =	simm.s32 @p2 $0x1082  }
0x22: {  	[simem:s7], [sflag:s8] =	dma.local @!p0 [hbm:s6], $0xF7A  }
0x23: {  	s9 =	sor.u32 $0xD0000000, s2;
	s6 =	simm.s32 $0x108;
	_ =	swait.ge @!p0 [sflag:s8], $0x0  }
0x24: {  	s3 =	sadd.s32 $0x88, s3;
	s6 =	simm.s32 @!p1 $0x1082;
	[sflag:s4] =	ssyncset.s32 $0xFFFFF086  }
0x25: {  	[simem:s6], [sflag:s4] =	dma.local [hbm:s3], $0xF7A  }
0x26: {  	[smem:$0x3F92] =	sst s1;
	(tag) =	ssettag s2;
	_ =	strace s9  }
0x27: {  	s1 =	sld [smem:$0x3FA2]  }
0x28: {  	s2 =	sld [smem:$0x3FA3]  }
0x29: {  	s4 =	sld [smem:$0x3FA5]  }
0x2a: {  	p0 =	seq.s32 s5, $0x0;
	s5 =	sld [smem:$0x3FA6]  }
0x2b: {  	s6 =	sld [smem:$0x3FA7]  }
0x2c: {  	s7 =	sld [smem:$0x3FA8]  }
0x2d: {  	s3 =	simm.s32 $0x108;
	s8 =	sld [smem:$0x3FA9]  }
0x2e: {  	s3 =	simm.s32 @!p0 $0x1082;
	s9 =	sld [smem:$0x3FAA]  }
0x2f: {  	lr =	sadd.s32 s0, s3;
	s0 =	sld [smem:$0x3FA1]  }
0x30: {  	s3 =	sld [smem:$0x3FA4]  }
0x31: {  	[smem:$0x3FAD] =	sst s10  }
0x32: {  	s10 =	sld [smem:$0x3FAB];
	_ =	sdelay $0x3  }
0x33: {  	p0 =	seq.s32 s10, $0x1;
	s10 =	sld [smem:$0x3FAD];
	_ =	sdelay $0x3  }
0x34: {  	[smem:$0x3FAD] =	sst s10  }
0x35: {  	s10 =	sld [smem:$0x3FAC];
	_ =	sdelay $0x3  }
0x36: {  	p1 =	seq.s32 s10, $0x1;
	s10 =	sld [smem:$0x3FAD];
	_ =	sdelay $0x3  }
0x37: {  	[smem:$0x3FAD] =	sst s10  }
0x38: {  	s10 =	sld [smem:$0x3FAE]  }
0x39: {  	_ = 	snop;
	(pc) =	sbr.ind lr, $3  }
0x3a: {  	_ = 	snop  }
0x3b: {  	_ = 	snop  }
0x3c: {  	p2 =	seq.s32 s10, $0x1;
	s10 =	sld [smem:$0x3FAD]  }
0x3d: {  	_ =	shalt  }
0x3e: {  	_ =	shalt  }
0x3f: {  	_ =	shalt  }
0x40: {  	_ =	shalt  }
0x41: {  	_ =	shalt  }
0x42: {  	_ =	shalt  }
0x43: {  	_ =	shalt  }
0x44: {  	_ =	shalt  }
0x45: {  	_ =	shalt  }
0x46: {  	_ =	shalt  }
0x47: {  	_ =	shalt  }
0x48: {  	_ =	shalt  }
0x49: {  	_ =	shalt  }
0x4a: {  	_ =	shalt  }
0x4b: {  	_ =	shalt  }
0x4c: {  	_ =	shalt  }
0x4d: {  	_ =	shalt  }
0x4e: {  	_ =	shalt  }
0x4f: {  	_ =	shalt  }
0x50: {  	_ =	shalt  }
0x51: {  	_ =	shalt  }
0x52: {  	_ =	shalt  }
0x53: {  	_ =	shalt  }
0x54: {  	_ =	shalt  }
0x55: {  	_ =	shalt  }
0x56: {  	_ =	shalt  }
0x57: {  	_ =	shalt  }
0x58: {  	_ =	shalt  }
0x59: {  	_ =	shalt  }
0x5a: {  	_ =	shalt  }
0x5b: {  	_ =	shalt  }
0x5c: {  	_ =	shalt  }
0x5d: {  	_ =	shalt  }
0x5e: {  	_ =	shalt  }
0x5f: {  	_ =	shalt  }
0x60: {  	_ =	shalt  }
0x61: {  	_ =	shalt  }
0x62: {  	_ =	shalt  }
0x63: {  	_ =	shalt  }
0x64: {  	_ =	shalt  }
0x65: {  	_ =	shalt  }
0x66: {  	_ =	shalt  }
0x67: {  	_ =	shalt  }
0x68: {  	_ =	shalt  }
0x69: {  	_ =	shalt  }
0x6a: {  	_ =	shalt  }
0x6b: {  	_ =	shalt  }
0x6c: {  	_ =	shalt  }
0x6d: {  	_ =	shalt  }
0x6e: {  	_ =	shalt  }
0x6f: {  	_ =	shalt  }
0x70: {  	_ =	shalt  }
0x71: {  	_ =	shalt  }
0x72: {  	_ =	shalt  }
0x73: {  	_ =	shalt  }
0x74: {  	_ =	shalt  }
0x75: {  	_ =	shalt  }
0x76: {  	_ =	shalt  }
0x77: {  	_ =	shalt  }
0x78: {  	_ =	shalt  }
0x79: {  	_ =	shalt  }
0x7a: {  	_ =	shalt  }
0x7b: {  	_ =	shalt  }
0x7c: {  	_ =	shalt  }
0x7d: {  	_ =	shalt  }
0x7e: {  	_ =	shalt  }
0x7f: {  	_ =	shalt  }
0x80: {  	_ =	shalt  }
0x81: {  	_ =	shalt  }
0x82: {  	_ =	shalt  }
0x83: {  	_ =	shalt  }
0x84: {  	_ =	shalt  }
0x85: {  	_ =	shalt  }
0x86: {  	_ =	shalt  }
0x87: {  	_ =	shalt  }
.Lfunc_end0:
.L_simem_size_0:
called_computation.1_lowered:
.L_overlay_start_0:
0x88: {  	s2 =	sld [smem:$0x3FD9]  }
0x89: {  	s3 =	sld [smem:$0x3FFE];
	_ =	sdelay $0x1  }
0x8a: {  	s1 =	srdreg.scid  }
0x8b: {  	s0 =	sand.u32 $0x1, s1  }
0x8c: {  	s17 =	sshll.u32 s0, $0xA;
	s2 =	sadd.s32 s3, s2  }
0x8d: {  	s2 =	sadd.s32 s2, s17  }
0x8e: {  	[smem:$0x3FB9] =	sst s2  }
0x8f: {  	_ = 	snop  }
0x90: {  	s2 =	sld [smem:$0x3FD0];
	(tm) =	ssettm $0x1  }
0x91: {  	s18 =	sld [smem:$0x3FFB];
	_ =	sdelay $0x3  }
0x92: {  	_ =	strace s18  }
0x93: {  	s3 =	sld [smem:$0x3FFC];
	_ =	sdelay $0x3  }
0x94: {  	_ =	strace s3  }
0x95: {  	s3 =	sld [smem:$0x3FFD];
	_ =	sdelay $0x3  }
0x96: {  	_ =	strace s3  }
0x97: {  	_ =	strace $0x8FFFFFFF  }
0x98: {  	s19 =	sld [smem:$0x3FDB];
	_ =	sdelay $0x1  }
0x99: {  	s4 =	simm.s32 $_scs_section_size  }
0x9a: {  	s5 =	simm.s32 $_size__tile_overlayer_lowered;
	s6 =	simm.s32 $_tile_overlayer_lowered  }
0x9b: {  	s22 =	simm.s32 $0x1BFF;
	s21 =	sshll.u32 s6, $0x1;
	s3 =	sadd.s32 s4, s19  }
0x9c: {  	s7 =	simm.s32 $0x0;
	s20 =	sshll.u32 s5, $0x1;
	s5 =	sadd.s32 s21, s3  }
0x9d: {  	[timem:s7], [sflag:s22] =	dma.local [hbm:s5], s20  }
0x9e: {  	_ =	swait.ge [sflag:s22], s20  }
0x9f: {  	s4 =	ssub.s32 $0x0, s20;
	[sflag:s22] =	ssyncset.done $0x0  }
0xa0: {  	[sflag:s22] =	ssyncadd.s32 s4;
	_ =	sdelay $0x1  }
0xa1: {  	s23 =	simm.s32 $0x1B8B  }
0xa2: {  	_ =	swait.ge [sflag:s23], $0x1  }
0xa3: {  	[sflag:s23] =	ssyncset.done $0x0  }
0xa4: {  	s25 =	simm.s32 $0x1B8E;
	s24 =	sld [smem:$0x3FFE];
	[sflag:s23] =	ssyncadd.s32 $0xFFFFFFFF  }
0xa5: {  	s26 =	simm.s32 $execute0_lowered;
	[smem:$0x3FD2] =	sst s25  }
0xa6: {  	s5 =	sshll.u32 s26, $0x1;
	_ =	strace $0x80000049;
	[dreg:$0x1] =	wrdreg $0xFFFFFFFF  }
0xa7: {  	s28 =	simm.s32 $_size_execute0_lowered;
	s3 =	sadd.s32 s3, s5;
	[dreg:$0x0] =	wrdreg $0x0  }
0xa8: {  	s5 =	sshll.u32 s28, $0x1;
	[dreg:$0x2] =	wrdreg s3  }
0xa9: {  	[dreg:$0x3] =	wrdreg s5  }
0xaa: {  	[dreg:$0x4] =	wrdreg $0xC0  }
0xab: {  	_ =	task [dreg:s7], $0x5FFFF  }
0xac: {  	[dreg:$0x1] =	wrdreg $0xFFFFFFFF  }
0xad: {  	[dreg:$0x0] =	wrdreg $0x60  }
0xae: {  	[dreg:$0x2] =	wrdreg s24  }
0xaf: {  	[dreg:$0x3] =	wrdreg s2  }
0xb0: {  	[dreg:$0x4] =	wrdreg $0x9  }
0xb1: {  	_ =	task.clear_ibuf [dreg:s7], $0x5FFFF;
	_ =	strace $0x90000049  }
0xb2: {  	s29 =	simm.s32 $0x9;
	_ =	strace $0x8000004B  }
0xb3: {  	_ =	swait.ge [sflag:s29], $0x1  }
0xb4: {  	[sflag:s29] =	ssyncadd.s32 $0xFFFFFFFF  }
0xb5: {  	_ =	strace $0x9000004B  }
0xb6: {  	_ =	sfence  }
0xb7: {  	s30 =	sld [smem:$0x0];
	_ =	sdelay $0x2  }
0xb8: {  	s31 =	sshll.u32 s1, $0xD;
	s1 =	sshrl.u32 s1, $0x2  }
0xb9: {  	s3 =	sand.u32 $0x4000, s31;
	s1 =	sadd.s32 s1, s30  }
0xba: {  	s0 =	sor.u32 s3, s0;
	s1 =	sshll.u32 s1, $0x11  }
0xbb: {  	s0 =	sor.u32 s1, s0  }
0xbc: {  	s0 =	sadd.s32 $0x8F2B, s0  }
0xbd: {  	[sflag:s0] =	ssyncadd.remote.s32 $0x1  }
0xbe: {  	_ =	sfence.sel $0xFFFF  }
0xbf: {  	[dreg:$0x0] =	wrdreg $0xFFFFFFFF;
	(pc) =	sbr.abs _section_cstart, $3  }
0xc0: {  	[dreg:$0x1] =	wrdreg $0xFFFFFFFF  }
0xc1: {  	_ =	task.clear_ibuf [dreg:s7], $0x2FFFF;
	_ =	strace $0x9FFFFFFF  }
0xc2: {  	(tm) =	ssettm $0x7FFFFFFF  }
0xc3: {  	_ =	shalt  }
tec
execute0_lowered:
.L_overlay_start_1:
0x0: {  	(tag) =	ssettag $0x1  }
0x1: {  	s1 =	srdreg.scid;
	s0 =	stileid.u32  }
0x2: {  	s15 =	sand.u32 $0x1, s1;
	s29 =	sshll.u32 s0, $0x1  }
0x3: {  	s5 =	sor.u32 s15, s29  }
0x4: {  	s7 =	rddreg [dreg:$0x0];
	s16 =	smul.u32 $0x140, s5  }
0x5: {  	s14 =	rddreg [dreg:$0x1];
	s2 =	simm.s32 $0x0  }
0x6: {  	s4 =	simm.s32 $0x2;
	[smem:$0x7FF] =	sst s2;
	s3 =	sshrl.u32 s16, $0x3  }
0x7: {  	s1 =	rddreg [dreg:$0x2];
	_ =	strace $0x8000004A;
	s3 =	sadd.s32 s14, s3  }
0x8: {  	[tilespmem:s2], [sflag:$0x2] =	stream.linear.gather [hbm4b:s3+s2], $0x50, $0x38;
	[tilespmem:$0x2880] =	vst v63  }
0x9: {  	s5 =	smul.u32 $0x1400, s5;
	_ =	swait.ge [sflag:s4], $0x50  }
0xa: {  	s17 =	sadd.s32 $0x7BA00, s7;
	[sflag:s4] =	ssyncset.done $0x0  }
0xb: {  	s6 =	simm.s32 $0x80;
	s5 =	sadd.s32 s17, s5;
	[sflag:s4] =	ssyncadd.s32 $0xFFFFFFB0  }
0xc: {  	[tilespmem:s6], [sflag:$0x2] =	stream.linear.gather [hbm4b:s5+s2], $0x2800, $0x38;
	[tilespmem:$0x2880] =	vst v63  }
0xd: {  	_ =	swait.ge [sflag:s4], $0x2800  }
0xe: {  	s9 =	simm.s32 $0x50;
	[sflag:s4] =	ssyncset.done $0x0  }
0xf: {  	s8 =	simm.s32 $0x1;
	s7 =	sadd.s32 $0x4200, s7;
	[sflag:s4] =	ssyncadd.s32 $0xFFFFD800  }
0x10: {  	[hbm4b:s7+s9] =	stream.indirect.scatter [tilespmem:s6], [sflag:$0x1], $0x80, s2, s9, $0xb8;
	[tilespmem:$0x2880] =	vst v63  }
0x11: {  	s11 =	sadd.s32 $0x50, s16;
	_ =	swait.ge [sflag:s8], $0x2800  }
0x12: {  	s10 =	sshrl.u32 s11, $0x3;
	[sflag:s8] =	ssyncset.done $0x0  }
0x13: {  	s10 =	sadd.s32 s14, s10;
	[sflag:s8] =	ssyncadd.s32 $0xFFFFD800  }
0x14: {  	[tilespmem:s2], [sflag:$0x2] =	stream.linear.gather [hbm4b:s10+s2], $0x50, $0x38;
	[tilespmem:$0x2880] =	vst v63  }
0x15: {  	_ =	swait.ge [sflag:s4], $0x50  }
0x16: {  	s11 =	sshll.u32 s11, $0x4;
	[sflag:s4] =	ssyncset.done $0x0  }
0x17: {  	s11 =	sadd.s32 s17, s11;
	[sflag:s4] =	ssyncadd.s32 $0xFFFFFFB0  }
0x18: {  	[tilespmem:s6], [sflag:$0x2] =	stream.linear.gather [hbm4b:s11+s2], $0x2800, $0x38;
	[tilespmem:$0x2880] =	vst v63  }
0x19: {  	_ =	swait.ge [sflag:s4], $0x2800  }
0x1a: {  	[sflag:s4] =	ssyncset.done $0x0  }
0x1b: {  	[sflag:s4] =	ssyncadd.s32 $0xFFFFD800  }
0x1c: {  	[hbm4b:s7+s9] =	stream.indirect.scatter [tilespmem:s6], [sflag:$0x1], $0x80, s2, s9, $0xb8;
	[tilespmem:$0x2880] =	vst v63  }
0x1d: {  	s13 =	sadd.s32 $0xA0, s16;
	_ =	swait.ge [sflag:s8], $0x2800  }
0x1e: {  	s12 =	sshrl.u32 s13, $0x3;
	[sflag:s8] =	ssyncset.done $0x0  }
0x1f: {  	s12 =	sadd.s32 s14, s12;
	[sflag:s8] =	ssyncadd.s32 $0xFFFFD800  }
0x20: {  	[tilespmem:s2], [sflag:$0x2] =	stream.linear.gather [hbm4b:s12+s2], $0x50, $0x38;
	[tilespmem:$0x2880] =	vst v63  }
0x21: {  	_ =	swait.ge [sflag:s4], $0x50  }
0x22: {  	s13 =	sshll.u32 s13, $0x4;
	[sflag:s4] =	ssyncset.done $0x0  }
0x23: {  	s13 =	sadd.s32 s17, s13;
	[sflag:s4] =	ssyncadd.s32 $0xFFFFFFB0  }
0x24: {  	[tilespmem:s6], [sflag:$0x2] =	stream.linear.gather [hbm4b:s13+s2], $0x2800, $0x38;
	[tilespmem:$0x2880] =	vst v63  }
0x25: {  	_ =	swait.ge [sflag:s4], $0x2800  }
0x26: {  	[sflag:s4] =	ssyncset.done $0x0  }
0x27: {  	[sflag:s4] =	ssyncadd.s32 $0xFFFFD800  }
0x28: {  	[hbm4b:s7+s9] =	stream.indirect.scatter [tilespmem:s6], [sflag:$0x1], $0x80, s2, s9, $0xb8;
	[tilespmem:$0x2880] =	vst v63  }
0x29: {  	s16 =	sadd.s32 $0xF0, s16;
	_ =	swait.ge [sflag:s8], $0x2800  }
0x2a: {  	s18 =	sshrl.u32 s16, $0x3;
	[sflag:s8] =	ssyncset.done $0x0  }
0x2b: {  	s30 =	ssub.s32 $0x2, s15;
	s14 =	sadd.s32 s14, s18;
	[sflag:s8] =	ssyncadd.s32 $0xFFFFD800  }
0x2c: {  	[tilespmem:s2], [sflag:$0x2] =	stream.linear.gather [hbm4b:s14+s2], $0x50, $0x38;
	[tilespmem:$0x2880] =	vst v63  }
0x2d: {  	s31 =	sshrl.u32 s30, $0x1;
	s16 =	sshll.u32 s16, $0x4;
	_ =	swait.ge [sflag:s4], $0x50  }
0x2e: {  	s15 =	sadd.s32 s17, s16;
	s16 =	ssub.s32 s30, s31;
	[sflag:s4] =	ssyncset.done $0x0  }
0x2f: {  	s16 =	smax.u32 s16, $0x1;
	[sflag:s4] =	ssyncadd.s32 $0xFFFFFFB0  }
0x30: {  	[tilespmem:s6], [sflag:$0x2] =	stream.linear.gather [hbm4b:s15+s2], $0x2800, $0x38;
	[tilespmem:$0x2880] =	vst v63  }
0x31: {  	p0 =	sne.s32 s16, $0x1;
	_ =	swait.ge [sflag:s4], $0x2800  }
.Ltmp0:
0x32: {  	[sflag:s4] =	ssyncset.done $0x0;
	(pc) =	sbr.rel @!p0 .LBB2_2-.Ltmp0, $4  }
0x33: {  	[sflag:s4] =	ssyncadd.s32 $0xFFFFD800  }
0x34: {  	[hbm4b:s7+s9] =	stream.indirect.scatter [tilespmem:s6], [sflag:$0x1], $0x80, s2, s9, $0xb8;
	[tilespmem:$0x2880] =	vst v63  }
0x35: {  	_ =	swait.ge [sflag:s8], $0x2800  }
0x36: {  	s16 =	sadd.s32 $0xFFFFFFFF, s16;
	[sflag:s8] =	ssyncset.done $0x0  }
.LBB2_1:
0x37: {  	p0 =	sne.s32 s16, $0x1;
	s16 =	sadd.s32 $0xFFFFFFFF, s16;
	[sflag:s8] =	ssyncadd.s32 $0xFFFFD800  }
0x38: {  	[tilespmem:s2], [sflag:$0x2] =	stream.linear.gather [hbm4b:s3+s2], $0x50, $0x38;
	[tilespmem:$0x2880] =	vst v63  }
0x39: {  	_ =	swait.ge [sflag:s4], $0x50  }
0x3a: {  	[sflag:s4] =	ssyncset.done $0x0  }
0x3b: {  	[sflag:s4] =	ssyncadd.s32 $0xFFFFFFB0  }
0x3c: {  	[tilespmem:s6], [sflag:$0x2] =	stream.linear.gather [hbm4b:s5+s2], $0x2800, $0x38;
	[tilespmem:$0x2880] =	vst v63  }
0x3d: {  	_ =	swait.ge [sflag:s4], $0x2800  }
0x3e: {  	[sflag:s4] =	ssyncset.done $0x0  }
0x3f: {  	[sflag:s4] =	ssyncadd.s32 $0xFFFFD800  }
0x40: {  	[hbm4b:s7+s9] =	stream.indirect.scatter [tilespmem:s6], [sflag:$0x1], $0x80, s2, s9, $0xb8;
	[tilespmem:$0x2880] =	vst v63  }
0x41: {  	_ =	swait.ge [sflag:s8], $0x2800  }
0x42: {  	[sflag:s8] =	ssyncset.done $0x0  }
0x43: {  	[sflag:s8] =	ssyncadd.s32 $0xFFFFD800  }
0x44: {  	[tilespmem:s2], [sflag:$0x2] =	stream.linear.gather [hbm4b:s10+s2], $0x50, $0x38;
	[tilespmem:$0x2880] =	vst v63  }
0x45: {  	_ =	swait.ge [sflag:s4], $0x50  }
0x46: {  	[sflag:s4] =	ssyncset.done $0x0  }
0x47: {  	[sflag:s4] =	ssyncadd.s32 $0xFFFFFFB0  }
0x48: {  	[tilespmem:s6], [sflag:$0x2] =	stream.linear.gather [hbm4b:s11+s2], $0x2800, $0x38;
	[tilespmem:$0x2880] =	vst v63  }
0x49: {  	_ =	swait.ge [sflag:s4], $0x2800  }
0x4a: {  	[sflag:s4] =	ssyncset.done $0x0  }
0x4b: {  	[sflag:s4] =	ssyncadd.s32 $0xFFFFD800  }
0x4c: {  	[hbm4b:s7+s9] =	stream.indirect.scatter [tilespmem:s6], [sflag:$0x1], $0x80, s2, s9, $0xb8;
	[tilespmem:$0x2880] =	vst v63  }
0x4d: {  	_ =	swait.ge [sflag:s8], $0x2800  }
0x4e: {  	[sflag:s8] =	ssyncset.done $0x0  }
0x4f: {  	[sflag:s8] =	ssyncadd.s32 $0xFFFFD800  }
0x50: {  	[tilespmem:s2], [sflag:$0x2] =	stream.linear.gather [hbm4b:s12+s2], $0x50, $0x38;
	[tilespmem:$0x2880] =	vst v63  }
0x51: {  	_ =	swait.ge [sflag:s4], $0x50  }
0x52: {  	[sflag:s4] =	ssyncset.done $0x0  }
0x53: {  	[sflag:s4] =	ssyncadd.s32 $0xFFFFFFB0  }
0x54: {  	[tilespmem:s6], [sflag:$0x2] =	stream.linear.gather [hbm4b:s13+s2], $0x2800, $0x38;
	[tilespmem:$0x2880] =	vst v63  }
0x55: {  	_ =	swait.ge [sflag:s4], $0x2800  }
0x56: {  	[sflag:s4] =	ssyncset.done $0x0  }
0x57: {  	[sflag:s4] =	ssyncadd.s32 $0xFFFFD800  }
0x58: {  	[hbm4b:s7+s9] =	stream.indirect.scatter [tilespmem:s6], [sflag:$0x1], $0x80, s2, s9, $0xb8;
	[tilespmem:$0x2880] =	vst v63  }
0x59: {  	_ =	swait.ge [sflag:s8], $0x2800  }
0x5a: {  	[sflag:s8] =	ssyncset.done $0x0  }
0x5b: {  	[sflag:s8] =	ssyncadd.s32 $0xFFFFD800  }
0x5c: {  	[tilespmem:s2], [sflag:$0x2] =	stream.linear.gather [hbm4b:s14+s2], $0x50, $0x38;
	[tilespmem:$0x2880] =	vst v63  }
0x5d: {  	_ =	swait.ge [sflag:s4], $0x50  }
0x5e: {  	[sflag:s4] =	ssyncset.done $0x0  }
0x5f: {  	[sflag:s4] =	ssyncadd.s32 $0xFFFFFFB0  }
0x60: {  	[tilespmem:s6], [sflag:$0x2] =	stream.linear.gather [hbm4b:s15+s2], $0x2800, $0x38;
	[tilespmem:$0x2880] =	vst v63  }
0x61: {  	_ =	swait.ge [sflag:s4], $0x2800  }
.Ltmp1:
0x62: {  	[sflag:s4] =	ssyncset.done $0x0;
	(pc) =	sbr.rel @p0 .LBB2_1-.Ltmp1, $4  }
0x63: {  	[sflag:s4] =	ssyncadd.s32 $0xFFFFD800  }
0x64: {  	[hbm4b:s7+s9] =	stream.indirect.scatter [tilespmem:s6], [sflag:$0x1], $0x80, s2, s9, $0xb8;
	[tilespmem:$0x2880] =	vst v63  }
0x65: {  	_ =	swait.ge [sflag:s8], $0x2800  }
0x66: {  	[sflag:s8] =	ssyncset.done $0x0  }
.LBB2_2:
0x67: {  	[sflag:s8] =	ssyncadd.s32 $0xFFFFD800  }
0x68: {  	_ =	sfence.sel $0x180000  }
0x69: {  	[bflag:$0x0] =	sbarrier.arrive $0xFFFF  }
0x6a: {  	p0 =	sne.s32 s0, $0x0;
	_ =	strace $0x9000004A  }
0x6b: {  	s0 =	sadd.s32 @!p0 $0x100000, s1;
	[bflag:$0x2] =	sbarrier.arrive $0xFFFF  }
0x6c: {  	[sflag:s0] =	ssyncadd.tile.s32 @!p0 $0x1;
	_ =	shalt  }
.Lfunc_end2:
_tile_overlayer_lowered:
.L_overlay_start_2:
0x6d: {  	(tag) =	ssettag $0x2  }
0x6e: {  	s0 =	rddreg [dreg:$0x0];
	s2 =	stileid.u32  }
0x6f: {  	s1 =	rddreg [dreg:$0x1];
	p0 =	sne.s32 s2, $0x0  }
0x70: {  	s3 =	rddreg [dreg:$0x2];
	[bflag:$0x3] =	sbarrier.arrive $0xFFFF;
	s2 =	simm.s32 @!p0 $0x1C02  }
0x71: {  	[timem:s3], [sflag:s2] =	dma.local @!p0 [hbm:s0], s1  }
0x72: {  	s0 =	simm.s32 @!p0 $0x2  }
0x73: {  	_ =	swait.ge @!p0 [sflag:s0], s1  }
0x74: {  	s1 =	ssub.s32 @!p0 $0x0, s1;
	[sflag:s0] =	ssyncset.done @!p0 $0x0  }
0x75: {  	[sflag:s0] =	ssyncadd.s32 @!p0 s1  }
0x76: {  	[bflag:$0x3] =	sbarrier.arrive $0xFFFF  }
0x77: {  	_ =	shalt  }

// kernel: kernel.15.cloned.1.call-start
scs
__scs_entry_jumppad:
0x0: {  	(pc) =	sbr.rel $0x88, $3  }
0x1: {  	(tag) =	ssettag $0x0;
	lr =	simm.s32 $0x1  }
0x2: {  	[smem:$0x3F92] =	sst lr;
	_ =	strace $0xD0000000  }
0x3: {  	_ = 	snop  }
0x4: {  	_ = 	snop  }
0x5: {  	_ = 	snop  }
0x6: {  	_ = 	snop  }
0x7: {  	_ = 	snop  }
__scs_overlays_trampoline_lowered:
0x8: {  	[smem:$0x3FA1] =	sst s0  }
0x9: {  	[smem:$0x3FA2] =	sst s1  }
0xa: {  	[smem:$0x3FA3] =	sst s2  }
0xb: {  	[smem:$0x3FA4] =	sst s3  }
0xc: {  	[smem:$0x3FA5] =	sst s4  }
0xd: {  	[smem:$0x3FA6] =	sst s5  }
0xe: {  	[smem:$0x3FA7] =	sst s6  }
0xf: {  	[smem:$0x3FA8] =	sst s7  }
0x10: {  	[smem:$0x3FA9] =	sst s8  }
0x11: {  	[smem:$0x3FAA] =	sst s9;
	s0 =	simm.s32 @!p0 $0x0  }
0x12: {  	s1 =	sld [smem:$0x3F90];
	s0 =	simm.s32 @p0 $0x1  }
0x13: {  	[smem:$0x3FAB] =	sst s0;
	s0 =	simm.s32 @!p1 $0x0  }
0x14: {  	s2 =	sld [smem:$0x3F8F];
	s0 =	simm.s32 @p1 $0x1  }
0x15: {  	[smem:$0x3FAC] =	sst s0;
	s0 =	simm.s32 @!p2 $0x0  }
0x16: {  	s3 =	sld [smem:$0x3FDB];
	s0 =	simm.s32 @p2 $0x1  }
0x17: {  	s4 =	simm.s32 $0x1BF5;
	[smem:$0x3FAE] =	sst s0  }
0x18: {  	s0 =	sld [smem:$0x3F91];
	_ =	swait.ge [sflag:s4], $0x0  }
0x19: {  	s7 =	sld [smem:$0x3F92]  }
0x1a: {  	s8 =	sadd.s32 $0xFFFFE003, lr  }
0x1b: {  	s9 =	sadd.s32 $0xFFFFFEF7, lr;
	s5 =	simm.s32 $0xFFFFFFFF;
	p2 =	slt.u32 s8, $0xFFFFF086  }
0x1c: {  	p1 =	slt.u32 s9, $0xF7A;
	s5 =	simm.s32 @!p2 $0x0  }
0x1d: {  	s5 =	simm.s32 @p1 $0x1;
	p0 =	seq.s32 s7, s2  }
0x1e: {  	s7 =	smul.u32 @!p0 $0xF7A, s2;
	p2 =	seq.s32 @!p0 s5, $0x0  }
0x1f: {  	s9 =	smul.u32 $0xF7A, s1;
	s8 =	simm.s32 @!p0 $0x1BF5;
	p2 =	por !p2, p0  }
0x20: {  	[sflag:s8] =	ssyncset.s32 @!p0 $0xFFFFF086;
	s6 =	sadd.s32 @!p0 s3, s7;
	s7 =	simm.s32 @!p0 $0x108  }
0x21: {  	s3 =	sadd.s32 s3, s9;
	s6 =	sadd.s32 @!p0 $0x88, s6;
	s7 =	simm.s32 @p2 $0x1082  }
0x22: {  	[simem:s7], [sflag:s8] =	dma.local @!p0 [hbm:s6], $0xF7A  }
0x23: {  	s9 =	sor.u32 $0xD0000000, s2;
	s6 =	simm.s32 $0x108;
	_ =	swait.ge @!p0 [sflag:s8], $0x0  }
0x24: {  	s3 =	sadd.s32 $0x88, s3;
	s6 =	simm.s32 @!p1 $0x1082;
	[sflag:s4] =	ssyncset.s32 $0xFFFFF086  }
0x25: {  	[simem:s6], [sflag:s4] =	dma.local [hbm:s3], $0xF7A  }
0x26: {  	[smem:$0x3F92] =	sst s1;
	(tag) =	ssettag s2;
	_ =	strace s9  }
0x27: {  	s1 =	sld [smem:$0x3FA2]  }
0x28: {  	s2 =	sld [smem:$0x3FA3]  }
0x29: {  	s4 =	sld [smem:$0x3FA5]  }
0x2a: {  	p0 =	seq.s32 s5, $0x0;
	s5 =	sld [smem:$0x3FA6]  }
0x2b: {  	s6 =	sld [smem:$0x3FA7]  }
0x2c: {  	s7 =	sld [smem:$0x3FA8]  }
0x2d: {  	s3 =	simm.s32 $0x108;
	s8 =	sld [smem:$0x3FA9]  }
0x2e: {  	s3 =	simm.s32 @!p0 $0x1082;
	s9 =	sld [smem:$0x3FAA]  }
0x2f: {  	lr =	sadd.s32 s0, s3;
	s0 =	sld [smem:$0x3FA1]  }
0x30: {  	s3 =	sld [smem:$0x3FA4]  }
0x31: {  	[smem:$0x3FAD] =	sst s10  }
0x32: {  	s10 =	sld [smem:$0x3FAB];
	_ =	sdelay $0x3  }
0x33: {  	p0 =	seq.s32 s10, $0x1;
	s10 =	sld [smem:$0x3FAD];
	_ =	sdelay $0x3  }
0x34: {  	[smem:$0x3FAD] =	sst s10  }
0x35: {  	s10 =	sld [smem:$0x3FAC];
	_ =	sdelay $0x3  }
0x36: {  	p1 =	seq.s32 s10, $0x1;
	s10 =	sld [smem:$0x3FAD];
	_ =	sdelay $0x3  }
0x37: {  	[smem:$0x3FAD] =	sst s10  }
0x38: {  	s10 =	sld [smem:$0x3FAE]  }
0x39: {  	_ = 	snop;
	(pc) =	sbr.ind lr, $3  }
0x3a: {  	_ = 	snop  }
0x3b: {  	_ = 	snop  }
0x3c: {  	p2 =	seq.s32 s10, $0x1;
	s10 =	sld [smem:$0x3FAD]  }
0x3d: {  	_ =	shalt  }
0x3e: {  	_ =	shalt  }
0x3f: {  	_ =	shalt  }
0x40: {  	_ =	shalt  }
0x41: {  	_ =	shalt  }
0x42: {  	_ =	shalt  }
0x43: {  	_ =	shalt  }
0x44: {  	_ =	shalt  }
0x45: {  	_ =	shalt  }
0x46: {  	_ =	shalt  }
0x47: {  	_ =	shalt  }
0x48: {  	_ =	shalt  }
0x49: {  	_ =	shalt  }
0x4a: {  	_ =	shalt  }
0x4b: {  	_ =	shalt  }
0x4c: {  	_ =	shalt  }
0x4d: {  	_ =	shalt  }
0x4e: {  	_ =	shalt  }
0x4f: {  	_ =	shalt  }
0x50: {  	_ =	shalt  }
0x51: {  	_ =	shalt  }
0x52: {  	_ =	shalt  }
0x53: {  	_ =	shalt  }
0x54: {  	_ =	shalt  }
0x55: {  	_ =	shalt  }
0x56: {  	_ =	shalt  }
0x57: {  	_ =	shalt  }
0x58: {  	_ =	shalt  }
0x59: {  	_ =	shalt  }
0x5a: {  	_ =	shalt  }
0x5b: {  	_ =	shalt  }
0x5c: {  	_ =	shalt  }
0x5d: {  	_ =	shalt  }
0x5e: {  	_ =	shalt  }
0x5f: {  	_ =	shalt  }
0x60: {  	_ =	shalt  }
0x61: {  	_ =	shalt  }
0x62: {  	_ =	shalt  }
0x63: {  	_ =	shalt  }
0x64: {  	_ =	shalt  }
0x65: {  	_ =	shalt  }
0x66: {  	_ =	shalt  }
0x67: {  	_ =	shalt  }
0x68: {  	_ =	shalt  }
0x69: {  	_ =	shalt  }
0x6a: {  	_ =	shalt  }
0x6b: {  	_ =	shalt  }
0x6c: {  	_ =	shalt  }
0x6d: {  	_ =	shalt  }
0x6e: {  	_ =	shalt  }
0x6f: {  	_ =	shalt  }
0x70: {  	_ =	shalt  }
0x71: {  	_ =	shalt  }
0x72: {  	_ =	shalt  }
0x73: {  	_ =	shalt  }
0x74: {  	_ =	shalt  }
0x75: {  	_ =	shalt  }
0x76: {  	_ =	shalt  }
0x77: {  	_ =	shalt  }
0x78: {  	_ =	shalt  }
0x79: {  	_ =	shalt  }
0x7a: {  	_ =	shalt  }
0x7b: {  	_ =	shalt  }
0x7c: {  	_ =	shalt  }
0x7d: {  	_ =	shalt  }
0x7e: {  	_ =	shalt  }
0x7f: {  	_ =	shalt  }
0x80: {  	_ =	shalt  }
0x81: {  	_ =	shalt  }
0x82: {  	_ =	shalt  }
0x83: {  	_ =	shalt  }
0x84: {  	_ =	shalt  }
0x85: {  	_ =	shalt  }
0x86: {  	_ =	shalt  }
0x87: {  	_ =	shalt  }
.Lfunc_end0:
.L_simem_size_0:
called_computation.2_lowered:
.L_overlay_start_0:
0x88: {  	s2 =	sld [smem:$0x3FD9]  }
0x89: {  	s3 =	sld [smem:$0x3FFE];
	_ =	sdelay $0x1  }
0x8a: {  	s1 =	srdreg.scid  }
0x8b: {  	s0 =	sand.u32 $0x1, s1  }
0x8c: {  	s17 =	sshll.u32 s0, $0xA;
	s2 =	sadd.s32 s3, s2  }
0x8d: {  	s2 =	sadd.s32 s2, s17  }
0x8e: {  	[smem:$0x3FB9] =	sst s2  }
0x8f: {  	_ = 	snop  }
0x90: {  	s2 =	sld [smem:$0x3FD0];
	(tm) =	ssettm $0x1  }
0x91: {  	s18 =	sld [smem:$0x3FFB];
	_ =	sdelay $0x3  }
0x92: {  	_ =	strace s18  }
0x93: {  	s3 =	sld [smem:$0x3FFC];
	_ =	sdelay $0x3  }
0x94: {  	_ =	strace s3  }
0x95: {  	s3 =	sld [smem:$0x3FFD];
	_ =	sdelay $0x3  }
0x96: {  	_ =	strace s3  }
0x97: {  	_ =	strace $0x8FFFFFFF  }
0x98: {  	s19 =	sld [smem:$0x3FDB];
	_ =	sdelay $0x1  }
0x99: {  	s4 =	simm.s32 $_scs_section_size  }
0x9a: {  	s5 =	simm.s32 $_size__tile_overlayer_lowered;
	s6 =	simm.s32 $_tile_overlayer_lowered  }
0x9b: {  	s22 =	simm.s32 $0x1BFF;
	s21 =	sshll.u32 s6, $0x1;
	s3 =	sadd.s32 s4, s19  }
0x9c: {  	s7 =	simm.s32 $0x0;
	s20 =	sshll.u32 s5, $0x1;
	s5 =	sadd.s32 s21, s3  }
0x9d: {  	[timem:s7], [sflag:s22] =	dma.local [hbm:s5], s20  }
0x9e: {  	_ =	swait.ge [sflag:s22], s20  }
0x9f: {  	s4 =	ssub.s32 $0x0, s20;
	[sflag:s22] =	ssyncset.done $0x0  }
0xa0: {  	[sflag:s22] =	ssyncadd.s32 s4;
	_ =	sdelay $0x1  }
0xa1: {  	s23 =	simm.s32 $0x1B8B  }
0xa2: {  	_ =	swait.ge [sflag:s23], $0x1  }
0xa3: {  	[sflag:s23] =	ssyncset.done $0x0  }
0xa4: {  	s25 =	simm.s32 $0x1B8E;
	s24 =	sld [smem:$0x3FFE];
	[sflag:s23] =	ssyncadd.s32 $0xFFFFFFFF  }
0xa5: {  	s26 =	simm.s32 $execute0_lowered;
	[smem:$0x3FD2] =	sst s25  }
0xa6: {  	s5 =	sshll.u32 s26, $0x1;
	_ =	strace $0x8000004C;
	[dreg:$0x1] =	wrdreg $0xFFFFFFFF  }
0xa7: {  	s28 =	simm.s32 $_size_execute0_lowered;
	s3 =	sadd.s32 s3, s5;
	[dreg:$0x0] =	wrdreg $0x0  }
0xa8: {  	s5 =	sshll.u32 s28, $0x1;
	[dreg:$0x2] =	wrdreg s3  }
0xa9: {  	[dreg:$0x3] =	wrdreg s5  }
0xaa: {  	[dreg:$0x4] =	wrdreg $0xC0  }
0xab: {  	_ =	task [dreg:s7], $0x5FFFF  }
0xac: {  	[dreg:$0x1] =	wrdreg $0xFFFFFFFF  }
0xad: {  	[dreg:$0x0] =	wrdreg $0x60  }
0xae: {  	[dreg:$0x2] =	wrdreg s24  }
0xaf: {  	[dreg:$0x3] =	wrdreg s2  }
0xb0: {  	[dreg:$0x4] =	wrdreg $0x9  }
0xb1: {  	_ =	task.clear_ibuf [dreg:s7], $0x5FFFF;
	_ =	strace $0x9000004C  }
0xb2: {  	s29 =	simm.s32 $0x9;
	_ =	strace $0x8000004E  }
0xb3: {  	_ =	swait.ge [sflag:s29], $0x1  }
0xb4: {  	[sflag:s29] =	ssyncadd.s32 $0xFFFFFFFF  }
0xb5: {  	_ =	strace $0x9000004E  }
0xb6: {  	_ =	sfence  }
0xb7: {  	s30 =	sld [smem:$0x0];
	_ =	sdelay $0x2  }
0xb8: {  	s31 =	sshll.u32 s1, $0xD;
	s1 =	sshrl.u32 s1, $0x2  }
0xb9: {  	s3 =	sand.u32 $0x4000, s31;
	s1 =	sadd.s32 s1, s30  }
0xba: {  	s0 =	sor.u32 s3, s0;
	s1 =	sshll.u32 s1, $0x11  }
0xbb: {  	s0 =	sor.u32 s1, s0  }
0xbc: {  	s0 =	sadd.s32 $0x8F2B, s0  }
0xbd: {  	[sflag:s0] =	ssyncadd.remote.s32 $0x1  }
0xbe: {  	_ =	sfence.sel $0xFFFF  }
0xbf: {  	[dreg:$0x0] =	wrdreg $0xFFFFFFFF;
	(pc) =	sbr.abs _section_cstart, $3  }
0xc0: {  	[dreg:$0x1] =	wrdreg $0xFFFFFFFF  }
0xc1: {  	_ =	task.clear_ibuf [dreg:s7], $0x2FFFF;
	_ =	strace $0x9FFFFFFF  }
0xc2: {  	(tm) =	ssettm $0x7FFFFFFF  }
0xc3: {  	_ =	shalt  }
tec
execute0_lowered:
.L_overlay_start_1:
0x0: {  	(tag) =	ssettag $0x1  }
0x1: {  	s1 =	srdreg.scid;
	s0 =	stileid.u32  }
0x2: {  	s15 =	sand.u32 $0x1, s1;
	s26 =	sshll.u32 s0, $0x1  }
0x3: {  	s9 =	rddreg [dreg:$0x0];
	s10 =	sor.u32 s15, s26  }
0x4: {  	s14 =	rddreg [dreg:$0x1];
	s16 =	smul.u32 $0x140, s10  }
0x5: {  	s2 =	simm.s32 $0x0;
	s1 =	rddreg [dreg:$0x2]  }
0x6: {  	[smem:$0x7FF] =	sst s2;
	s3 =	sshrl.u32 s16, $0x3  }
0x7: {  	_ =	strace $0x8000004D;
	s4 =	sadd.s32 s14, s3;
	s3 =	simm.s32 $0x2  }
0x8: {  	[tilespmem:s2], [sflag:$0x2] =	stream.linear.gather [hbm4b:s4+s2], $0x50, $0x38;
	[tilespmem:$0x2880] =	vst v63  }
0x9: {  	_ =	swait.ge [sflag:s3], $0x50  }
0xa: {  	s6 =	simm.s32 $0x50;
	s7 =	simm.s32 $0x80;
	[sflag:s3] =	ssyncset.done $0x0  }
0xb: {  	s8 =	simm.s32 $0x1;
	s5 =	sadd.s32 $0x4200, s9;
	[sflag:s3] =	ssyncadd.s32 $0xFFFFFFB0  }
0xc: {  	[tilespmem:s7], [sflag:$0x1] =	stream.indirect.gather [hbm4b:s5+s6], $0x80, s2, s6, $0xb8;
	[tilespmem:$0x2880] =	vst v63  }
0xd: {  	s10 =	smul.u32 $0x1400, s10;
	_ =	swait.ge [sflag:s8], $0x2800  }
0xe: {  	s17 =	sadd.s32 $0x2C200, s9;
	[sflag:s8] =	ssyncset.done $0x0  }
0xf: {  	s9 =	sadd.s32 s17, s10;
	[sflag:s8] =	ssyncadd.s32 $0xFFFFD800  }
0x10: {  	[hbm4b:s9+s2] =	stream.linear.scatter [tilespmem:s7], [sflag:$0x2], $0x2800, $0x38;
	[tilespmem:$0x2880] =	vst v63  }
0x11: {  	s11 =	sadd.s32 $0x50, s16;
	_ =	swait.ge [sflag:s3], $0x2800  }
0x12: {  	s28 =	sshrl.u32 s11, $0x3;
	[sflag:s3] =	ssyncset.done $0x0  }
0x13: {  	s10 =	sadd.s32 s14, s28;
	[sflag:s3] =	ssyncadd.s32 $0xFFFFD800  }
0x14: {  	[tilespmem:s2], [sflag:$0x2] =	stream.linear.gather [hbm4b:s10+s2], $0x50, $0x38;
	[tilespmem:$0x2880] =	vst v63  }
0x15: {  	_ =	swait.ge [sflag:s3], $0x50  }
0x16: {  	[sflag:s3] =	ssyncset.done $0x0  }
0x17: {  	[sflag:s3] =	ssyncadd.s32 $0xFFFFFFB0  }
0x18: {  	[tilespmem:s7], [sflag:$0x1] =	stream.indirect.gather [hbm4b:s5+s6], $0x80, s2, s6, $0xb8;
	[tilespmem:$0x2880] =	vst v63  }
0x19: {  	_ =	swait.ge [sflag:s8], $0x2800  }
0x1a: {  	s11 =	sshll.u32 s11, $0x4;
	[sflag:s8] =	ssyncset.done $0x0  }
0x1b: {  	s11 =	sadd.s32 s17, s11;
	[sflag:s8] =	ssyncadd.s32 $0xFFFFD800  }
0x1c: {  	[hbm4b:s11+s2] =	stream.linear.scatter [tilespmem:s7], [sflag:$0x2], $0x2800, $0x38;
	[tilespmem:$0x2880] =	vst v63  }
0x1d: {  	s13 =	sadd.s32 $0xA0, s16;
	_ =	swait.ge [sflag:s3], $0x2800  }
0x1e: {  	s12 =	sshrl.u32 s13, $0x3;
	[sflag:s3] =	ssyncset.done $0x0  }
0x1f: {  	s12 =	sadd.s32 s14, s12;
	[sflag:s3] =	ssyncadd.s32 $0xFFFFD800  }
0x20: {  	[tilespmem:s2], [sflag:$0x2] =	stream.linear.gather [hbm4b:s12+s2], $0x50, $0x38;
	[tilespmem:$0x2880] =	vst v63  }
0x21: {  	_ =	swait.ge [sflag:s3], $0x50  }
0x22: {  	[sflag:s3] =	ssyncset.done $0x0  }
0x23: {  	[sflag:s3] =	ssyncadd.s32 $0xFFFFFFB0  }
0x24: {  	[tilespmem:s7], [sflag:$0x1] =	stream.indirect.gather [hbm4b:s5+s6], $0x80, s2, s6, $0xb8;
	[tilespmem:$0x2880] =	vst v63  }
0x25: {  	_ =	swait.ge [sflag:s8], $0x2800  }
0x26: {  	s13 =	sshll.u32 s13, $0x4;
	[sflag:s8] =	ssyncset.done $0x0  }
0x27: {  	s13 =	sadd.s32 s17, s13;
	[sflag:s8] =	ssyncadd.s32 $0xFFFFD800  }
0x28: {  	[hbm4b:s13+s2] =	stream.linear.scatter [tilespmem:s7], [sflag:$0x2], $0x2800, $0x38;
	[tilespmem:$0x2880] =	vst v63  }
0x29: {  	s16 =	sadd.s32 $0xF0, s16;
	_ =	swait.ge [sflag:s3], $0x2800  }
0x2a: {  	s18 =	sshrl.u32 s16, $0x3;
	[sflag:s3] =	ssyncset.done $0x0  }
0x2b: {  	s15 =	ssub.s32 $0x2, s15;
	s14 =	sadd.s32 s14, s18;
	[sflag:s3] =	ssyncadd.s32 $0xFFFFD800  }
0x2c: {  	[tilespmem:s2], [sflag:$0x2] =	stream.linear.gather [hbm4b:s14+s2], $0x50, $0x38;
	[tilespmem:$0x2880] =	vst v63  }
0x2d: {  	s29 =	sshrl.u32 s15, $0x1;
	_ =	swait.ge [sflag:s3], $0x50  }
0x2e: {  	s18 =	ssub.s32 s15, s29;
	[sflag:s3] =	ssyncset.done $0x0  }
0x2f: {  	s31 =	smax.u32 s18, $0x1;
	[sflag:s3] =	ssyncadd.s32 $0xFFFFFFB0  }
0x30: {  	[tilespmem:s7], [sflag:$0x1] =	stream.indirect.gather [hbm4b:s5+s6], $0x80, s2, s6, $0xb8;
	[tilespmem:$0x2880] =	vst v63  }
0x31: {  	p0 =	sne.s32 s31, $0x1;
	_ =	swait.ge [sflag:s8], $0x2800  }
.Ltmp0:
0x32: {  	s30 =	sshll.u32 s16, $0x4;
	[sflag:s8] =	ssyncset.done $0x0;
	(pc) =	sbr.rel @!p0 .LBB2_2-.Ltmp0, $4  }
0x33: {  	s15 =	sadd.s32 s17, s30;
	[sflag:s8] =	ssyncadd.s32 $0xFFFFD800  }
0x34: {  	[hbm4b:s15+s2] =	stream.linear.scatter [tilespmem:s7], [sflag:$0x2], $0x2800, $0x38;
	[tilespmem:$0x2880] =	vst v63  }
0x35: {  	_ =	swait.ge [sflag:s3], $0x2800  }
0x36: {  	s16 =	sadd.s32 $0xFFFFFFFF, s31;
	[sflag:s3] =	ssyncset.done $0x0  }
.LBB2_1:
0x37: {  	p0 =	sne.s32 s16, $0x1;
	s16 =	sadd.s32 $0xFFFFFFFF, s16;
	[sflag:s3] =	ssyncadd.s32 $0xFFFFD800  }
0x38: {  	[tilespmem:s2], [sflag:$0x2] =	stream.linear.gather [hbm4b:s4+s2], $0x50, $0x38;
	[tilespmem:$0x2880] =	vst v63  }
0x39: {  	_ =	swait.ge [sflag:s3], $0x50  }
0x3a: {  	[sflag:s3] =	ssyncset.done $0x0  }
0x3b: {  	[sflag:s3] =	ssyncadd.s32 $0xFFFFFFB0  }
0x3c: {  	[tilespmem:s7], [sflag:$0x1] =	stream.indirect.gather [hbm4b:s5+s6], $0x80, s2, s6, $0xb8;
	[tilespmem:$0x2880] =	vst v63  }
0x3d: {  	_ =	swait.ge [sflag:s8], $0x2800  }
0x3e: {  	[sflag:s8] =	ssyncset.done $0x0  }
0x3f: {  	[sflag:s8] =	ssyncadd.s32 $0xFFFFD800  }
0x40: {  	[hbm4b:s9+s2] =	stream.linear.scatter [tilespmem:s7], [sflag:$0x2], $0x2800, $0x38;
	[tilespmem:$0x2880] =	vst v63  }
0x41: {  	_ =	swait.ge [sflag:s3], $0x2800  }
0x42: {  	[sflag:s3] =	ssyncset.done $0x0  }
0x43: {  	[sflag:s3] =	ssyncadd.s32 $0xFFFFD800  }
0x44: {  	[tilespmem:s2], [sflag:$0x2] =	stream.linear.gather [hbm4b:s10+s2], $0x50, $0x38;
	[tilespmem:$0x2880] =	vst v63  }
0x45: {  	_ =	swait.ge [sflag:s3], $0x50  }
0x46: {  	[sflag:s3] =	ssyncset.done $0x0  }
0x47: {  	[sflag:s3] =	ssyncadd.s32 $0xFFFFFFB0  }
0x48: {  	[tilespmem:s7], [sflag:$0x1] =	stream.indirect.gather [hbm4b:s5+s6], $0x80, s2, s6, $0xb8;
	[tilespmem:$0x2880] =	vst v63  }
0x49: {  	_ =	swait.ge [sflag:s8], $0x2800  }
0x4a: {  	[sflag:s8] =	ssyncset.done $0x0  }
0x4b: {  	[sflag:s8] =	ssyncadd.s32 $0xFFFFD800  }
0x4c: {  	[hbm4b:s11+s2] =	stream.linear.scatter [tilespmem:s7], [sflag:$0x2], $0x2800, $0x38;
	[tilespmem:$0x2880] =	vst v63  }
0x4d: {  	_ =	swait.ge [sflag:s3], $0x2800  }
0x4e: {  	[sflag:s3] =	ssyncset.done $0x0  }
0x4f: {  	[sflag:s3] =	ssyncadd.s32 $0xFFFFD800  }
0x50: {  	[tilespmem:s2], [sflag:$0x2] =	stream.linear.gather [hbm4b:s12+s2], $0x50, $0x38;
	[tilespmem:$0x2880] =	vst v63  }
0x51: {  	_ =	swait.ge [sflag:s3], $0x50  }
0x52: {  	[sflag:s3] =	ssyncset.done $0x0  }
0x53: {  	[sflag:s3] =	ssyncadd.s32 $0xFFFFFFB0  }
0x54: {  	[tilespmem:s7], [sflag:$0x1] =	stream.indirect.gather [hbm4b:s5+s6], $0x80, s2, s6, $0xb8;
	[tilespmem:$0x2880] =	vst v63  }
0x55: {  	_ =	swait.ge [sflag:s8], $0x2800  }
0x56: {  	[sflag:s8] =	ssyncset.done $0x0  }
0x57: {  	[sflag:s8] =	ssyncadd.s32 $0xFFFFD800  }
0x58: {  	[hbm4b:s13+s2] =	stream.linear.scatter [tilespmem:s7], [sflag:$0x2], $0x2800, $0x38;
	[tilespmem:$0x2880] =	vst v63  }
0x59: {  	_ =	swait.ge [sflag:s3], $0x2800  }
0x5a: {  	[sflag:s3] =	ssyncset.done $0x0  }
0x5b: {  	[sflag:s3] =	ssyncadd.s32 $0xFFFFD800  }
0x5c: {  	[tilespmem:s2], [sflag:$0x2] =	stream.linear.gather [hbm4b:s14+s2], $0x50, $0x38;
	[tilespmem:$0x2880] =	vst v63  }
0x5d: {  	_ =	swait.ge [sflag:s3], $0x50  }
0x5e: {  	[sflag:s3] =	ssyncset.done $0x0  }
0x5f: {  	[sflag:s3] =	ssyncadd.s32 $0xFFFFFFB0  }
0x60: {  	[tilespmem:s7], [sflag:$0x1] =	stream.indirect.gather [hbm4b:s5+s6], $0x80, s2, s6, $0xb8;
	[tilespmem:$0x2880] =	vst v63  }
0x61: {  	_ =	swait.ge [sflag:s8], $0x2800  }
.Ltmp1:
0x62: {  	[sflag:s8] =	ssyncset.done $0x0;
	(pc) =	sbr.rel @p0 .LBB2_1-.Ltmp1, $4  }
0x63: {  	[sflag:s8] =	ssyncadd.s32 $0xFFFFD800  }
0x64: {  	[hbm4b:s15+s2] =	stream.linear.scatter [tilespmem:s7], [sflag:$0x2], $0x2800, $0x38;
	[tilespmem:$0x2880] =	vst v63  }
0x65: {  	_ =	swait.ge [sflag:s3], $0x2800  }
0x66: {  	[sflag:s3] =	ssyncset.done $0x0  }
.LBB2_2:
0x67: {  	[sflag:s3] =	ssyncadd.s32 $0xFFFFD800  }
0x68: {  	_ =	sfence.sel $0x180000  }
0x69: {  	[bflag:$0x0] =	sbarrier.arrive $0xFFFF  }
0x6a: {  	p0 =	sne.s32 s0, $0x0;
	_ =	strace $0x9000004D  }
0x6b: {  	s0 =	sadd.s32 @!p0 $0x100000, s1;
	[bflag:$0x2] =	sbarrier.arrive $0xFFFF  }
0x6c: {  	[sflag:s0] =	ssyncadd.tile.s32 @!p0 $0x1;
	_ =	shalt  }
.Lfunc_end2:
_tile_overlayer_lowered:
.L_overlay_start_2:
0x6d: {  	(tag) =	ssettag $0x2  }
0x6e: {  	s0 =	rddreg [dreg:$0x0];
	s2 =	stileid.u32  }
0x6f: {  	s1 =	rddreg [dreg:$0x1];
	p0 =	sne.s32 s2, $0x0  }
0x70: {  	s3 =	rddreg [dreg:$0x2];
	[bflag:$0x3] =	sbarrier.arrive $0xFFFF;
	s2 =	simm.s32 @!p0 $0x1C02  }
0x71: {  	[timem:s3], [sflag:s2] =	dma.local @!p0 [hbm:s0], s1  }
0x72: {  	s0 =	simm.s32 @!p0 $0x2  }
0x73: {  	_ =	swait.ge @!p0 [sflag:s0], s1  }
0x74: {  	s1 =	ssub.s32 @!p0 $0x0, s1;
	[sflag:s0] =	ssyncset.done @!p0 $0x0  }
0x75: {  	[sflag:s0] =	ssyncadd.s32 @!p0 s1  }
0x76: {  	[bflag:$0x3] =	sbarrier.arrive $0xFFFF  }
0x77: {  	_ =	shalt  }

// kernel: kernel.9.cloned.1.call-start
scs
__scs_entry_jumppad:
0x0: {  	(pc) =	sbr.rel $0x88, $3  }
0x1: {  	(tag) =	ssettag $0x0;
	lr =	simm.s32 $0x1  }
0x2: {  	[smem:$0x3F92] =	sst lr;
	_ =	strace $0xD0000000  }
0x3: {  	_ = 	snop  }
0x4: {  	_ = 	snop  }
0x5: {  	_ = 	snop  }
0x6: {  	_ = 	snop  }
0x7: {  	_ = 	snop  }
__scs_overlays_trampoline_lowered:
0x8: {  	[smem:$0x3FA1] =	sst s0  }
0x9: {  	[smem:$0x3FA2] =	sst s1  }
0xa: {  	[smem:$0x3FA3] =	sst s2  }
0xb: {  	[smem:$0x3FA4] =	sst s3  }
0xc: {  	[smem:$0x3FA5] =	sst s4  }
0xd: {  	[smem:$0x3FA6] =	sst s5  }
0xe: {  	[smem:$0x3FA7] =	sst s6  }
0xf: {  	[smem:$0x3FA8] =	sst s7  }
0x10: {  	[smem:$0x3FA9] =	sst s8  }
0x11: {  	[smem:$0x3FAA] =	sst s9;
	s0 =	simm.s32 @!p0 $0x0  }
0x12: {  	s1 =	sld [smem:$0x3F90];
	s0 =	simm.s32 @p0 $0x1  }
0x13: {  	[smem:$0x3FAB] =	sst s0;
	s0 =	simm.s32 @!p1 $0x0  }
0x14: {  	s2 =	sld [smem:$0x3F8F];
	s0 =	simm.s32 @p1 $0x1  }
0x15: {  	[smem:$0x3FAC] =	sst s0;
	s0 =	simm.s32 @!p2 $0x0  }
0x16: {  	s3 =	sld [smem:$0x3FDB];
	s0 =	simm.s32 @p2 $0x1  }
0x17: {  	s4 =	simm.s32 $0x1BF5;
	[smem:$0x3FAE] =	sst s0  }
0x18: {  	s0 =	sld [smem:$0x3F91];
	_ =	swait.ge [sflag:s4], $0x0  }
0x19: {  	s7 =	sld [smem:$0x3F92]  }
0x1a: {  	s8 =	sadd.s32 $0xFFFFE003, lr  }
0x1b: {  	s9 =	sadd.s32 $0xFFFFFEF7, lr;
	s5 =	simm.s32 $0xFFFFFFFF;
	p2 =	slt.u32 s8, $0xFFFFF086  }
0x1c: {  	p1 =	slt.u32 s9, $0xF7A;
	s5 =	simm.s32 @!p2 $0x0  }
0x1d: {  	s5 =	simm.s32 @p1 $0x1;
	p0 =	seq.s32 s7, s2  }
0x1e: {  	s7 =	smul.u32 @!p0 $0xF7A, s2;
	p2 =	seq.s32 @!p0 s5, $0x0  }
0x1f: {  	s9 =	smul.u32 $0xF7A, s1;
	s8 =	simm.s32 @!p0 $0x1BF5;
	p2 =	por !p2, p0  }
0x20: {  	[sflag:s8] =	ssyncset.s32 @!p0 $0xFFFFF086;
	s6 =	sadd.s32 @!p0 s3, s7;
	s7 =	simm.s32 @!p0 $0x108  }
0x21: {  	s3 =	sadd.s32 s3, s9;
	s6 =	sadd.s32 @!p0 $0x88, s6;
	s7 =	simm.s32 @p2 $0x1082  }
0x22: {  	[simem:s7], [sflag:s8] =	dma.local @!p0 [hbm:s6], $0xF7A  }
0x23: {  	s9 =	sor.u32 $0xD0000000, s2;
	s6 =	simm.s32 $0x108;
	_ =	swait.ge @!p0 [sflag:s8], $0x0  }
0x24: {  	s3 =	sadd.s32 $0x88, s3;
	s6 =	simm.s32 @!p1 $0x1082;
	[sflag:s4] =	ssyncset.s32 $0xFFFFF086  }
0x25: {  	[simem:s6], [sflag:s4] =	dma.local [hbm:s3], $0xF7A  }
0x26: {  	[smem:$0x3F92] =	sst s1;
	(tag) =	ssettag s2;
	_ =	strace s9  }
0x27: {  	s1 =	sld [smem:$0x3FA2]  }
0x28: {  	s2 =	sld [smem:$0x3FA3]  }
0x29: {  	s4 =	sld [smem:$0x3FA5]  }
0x2a: {  	p0 =	seq.s32 s5, $0x0;
	s5 =	sld [smem:$0x3FA6]  }
0x2b: {  	s6 =	sld [smem:$0x3FA7]  }
0x2c: {  	s7 =	sld [smem:$0x3FA8]  }
0x2d: {  	s3 =	simm.s32 $0x108;
	s8 =	sld [smem:$0x3FA9]  }
0x2e: {  	s3 =	simm.s32 @!p0 $0x1082;
	s9 =	sld [smem:$0x3FAA]  }
0x2f: {  	lr =	sadd.s32 s0, s3;
	s0 =	sld [smem:$0x3FA1]  }
0x30: {  	s3 =	sld [smem:$0x3FA4]  }
0x31: {  	[smem:$0x3FAD] =	sst s10  }
0x32: {  	s10 =	sld [smem:$0x3FAB];
	_ =	sdelay $0x3  }
0x33: {  	p0 =	seq.s32 s10, $0x1;
	s10 =	sld [smem:$0x3FAD];
	_ =	sdelay $0x3  }
0x34: {  	[smem:$0x3FAD] =	sst s10  }
0x35: {  	s10 =	sld [smem:$0x3FAC];
	_ =	sdelay $0x3  }
0x36: {  	p1 =	seq.s32 s10, $0x1;
	s10 =	sld [smem:$0x3FAD];
	_ =	sdelay $0x3  }
0x37: {  	[smem:$0x3FAD] =	sst s10  }
0x38: {  	s10 =	sld [smem:$0x3FAE]  }
0x39: {  	_ = 	snop;
	(pc) =	sbr.ind lr, $3  }
0x3a: {  	_ = 	snop  }
0x3b: {  	_ = 	snop  }
0x3c: {  	p2 =	seq.s32 s10, $0x1;
	s10 =	sld [smem:$0x3FAD]  }
0x3d: {  	_ =	shalt  }
0x3e: {  	_ =	shalt  }
0x3f: {  	_ =	shalt  }
0x40: {  	_ =	shalt  }
0x41: {  	_ =	shalt  }
0x42: {  	_ =	shalt  }
0x43: {  	_ =	shalt  }
0x44: {  	_ =	shalt  }
0x45: {  	_ =	shalt  }
0x46: {  	_ =	shalt  }
0x47: {  	_ =	shalt  }
0x48: {  	_ =	shalt  }
0x49: {  	_ =	shalt  }
0x4a: {  	_ =	shalt  }
0x4b: {  	_ =	shalt  }
0x4c: {  	_ =	shalt  }
0x4d: {  	_ =	shalt  }
0x4e: {  	_ =	shalt  }
0x4f: {  	_ =	shalt  }
0x50: {  	_ =	shalt  }
0x51: {  	_ =	shalt  }
0x52: {  	_ =	shalt  }
0x53: {  	_ =	shalt  }
0x54: {  	_ =	shalt  }
0x55: {  	_ =	shalt  }
0x56: {  	_ =	shalt  }
0x57: {  	_ =	shalt  }
0x58: {  	_ =	shalt  }
0x59: {  	_ =	shalt  }
0x5a: {  	_ =	shalt  }
0x5b: {  	_ =	shalt  }
0x5c: {  	_ =	shalt  }
0x5d: {  	_ =	shalt  }
0x5e: {  	_ =	shalt  }
0x5f: {  	_ =	shalt  }
0x60: {  	_ =	shalt  }
0x61: {  	_ =	shalt  }
0x62: {  	_ =	shalt  }
0x63: {  	_ =	shalt  }
0x64: {  	_ =	shalt  }
0x65: {  	_ =	shalt  }
0x66: {  	_ =	shalt  }
0x67: {  	_ =	shalt  }
0x68: {  	_ =	shalt  }
0x69: {  	_ =	shalt  }
0x6a: {  	_ =	shalt  }
0x6b: {  	_ =	shalt  }
0x6c: {  	_ =	shalt  }
0x6d: {  	_ =	shalt  }
0x6e: {  	_ =	shalt  }
0x6f: {  	_ =	shalt  }
0x70: {  	_ =	shalt  }
0x71: {  	_ =	shalt  }
0x72: {  	_ =	shalt  }
0x73: {  	_ =	shalt  }
0x74: {  	_ =	shalt  }
0x75: {  	_ =	shalt  }
0x76: {  	_ =	shalt  }
0x77: {  	_ =	shalt  }
0x78: {  	_ =	shalt  }
0x79: {  	_ =	shalt  }
0x7a: {  	_ =	shalt  }
0x7b: {  	_ =	shalt  }
0x7c: {  	_ =	shalt  }
0x7d: {  	_ =	shalt  }
0x7e: {  	_ =	shalt  }
0x7f: {  	_ =	shalt  }
0x80: {  	_ =	shalt  }
0x81: {  	_ =	shalt  }
0x82: {  	_ =	shalt  }
0x83: {  	_ =	shalt  }
0x84: {  	_ =	shalt  }
0x85: {  	_ =	shalt  }
0x86: {  	_ =	shalt  }
0x87: {  	_ =	shalt  }
.Lfunc_end0:
.L_simem_size_0:
called_computation_lowered:
.L_overlay_start_0:
0x88: {  	s2 =	sld [smem:$0x3FD9]  }
0x89: {  	s3 =	sld [smem:$0x3FFE];
	_ =	sdelay $0x1  }
0x8a: {  	s1 =	srdreg.scid  }
0x8b: {  	s0 =	sand.u32 $0x1, s1  }
0x8c: {  	s17 =	sshll.u32 s0, $0xA;
	s2 =	sadd.s32 s3, s2  }
0x8d: {  	s2 =	sadd.s32 s2, s17  }
0x8e: {  	[smem:$0x3FB9] =	sst s2  }
0x8f: {  	_ = 	snop  }
0x90: {  	s2 =	sld [smem:$0x3FC9]  }
0x91: {  	s18 =	sld [smem:$0x3FD0];
	(tm) =	ssettm $0x1  }
0x92: {  	s4 =	sld [smem:$0x3FFB];
	_ =	sdelay $0x3  }
0x93: {  	_ =	strace s4  }
0x94: {  	s4 =	sld [smem:$0x3FFC];
	_ =	sdelay $0x3  }
0x95: {  	_ =	strace s4  }
0x96: {  	s4 =	sld [smem:$0x3FFD];
	_ =	sdelay $0x3  }
0x97: {  	_ =	strace s4  }
0x98: {  	_ =	strace $0x8FFFFFFF  }
0x99: {  	s19 =	sld [smem:$0x3FDB];
	_ =	sdelay $0x1  }
0x9a: {  	s5 =	simm.s32 $_scs_section_size  }
0x9b: {  	s6 =	simm.s32 $_size__tile_overlayer_lowered;
	s7 =	simm.s32 $_tile_overlayer_lowered  }
0x9c: {  	s22 =	simm.s32 $0x1BFF;
	s21 =	sshll.u32 s7, $0x1;
	s4 =	sadd.s32 s5, s19  }
0x9d: {  	s8 =	simm.s32 $0x0;
	s20 =	sshll.u32 s6, $0x1;
	s6 =	sadd.s32 s21, s4  }
0x9e: {  	[timem:s8], [sflag:s22] =	dma.local [hbm:s6], s20  }
0x9f: {  	_ =	swait.ge [sflag:s22], s20  }
0xa0: {  	s5 =	ssub.s32 $0x0, s20;
	[sflag:s22] =	ssyncset.done $0x0  }
0xa1: {  	[sflag:s22] =	ssyncadd.s32 s5;
	_ =	sdelay $0x1  }
0xa2: {  	s23 =	simm.s32 $0x1B8B  }
0xa3: {  	_ =	swait.ge [sflag:s23], $0x1  }
0xa4: {  	[sflag:s23] =	ssyncset.done $0x0  }
0xa5: {  	s25 =	simm.s32 $0x1B8E;
	s24 =	sld [smem:$0x3FFE];
	[sflag:s23] =	ssyncadd.s32 $0xFFFFFFFF  }
0xa6: {  	s26 =	simm.s32 $execute0_lowered;
	[smem:$0x3FD2] =	sst s25  }
0xa7: {  	s6 =	sshll.u32 s26, $0x1;
	_ =	strace $0x80000046;
	[dreg:$0x1] =	wrdreg $0xFFFFFFFF  }
0xa8: {  	s28 =	simm.s32 $_size_execute0_lowered;
	s4 =	sadd.s32 s4, s6;
	[dreg:$0x0] =	wrdreg $0x0  }
0xa9: {  	s6 =	sshll.u32 s28, $0x1;
	[dreg:$0x2] =	wrdreg s4  }
0xaa: {  	[dreg:$0x3] =	wrdreg s6  }
0xab: {  	[dreg:$0x4] =	wrdreg $0xC0  }
0xac: {  	_ =	task [dreg:s8], $0x5FFFF  }
0xad: {  	[dreg:$0x1] =	wrdreg $0xFFFFFFFF  }
0xae: {  	[dreg:$0x0] =	wrdreg $0x60  }
0xaf: {  	[dreg:$0x2] =	wrdreg s2  }
0xb0: {  	[dreg:$0x3] =	wrdreg s18  }
0xb1: {  	[dreg:$0x4] =	wrdreg s24  }
0xb2: {  	[dreg:$0x5] =	wrdreg $0xC2800  }
0xb3: {  	[dreg:$0x6] =	wrdreg $0x1FB000  }
0xb4: {  	[dreg:$0x7] =	wrdreg $0x1FD780  }
0xb5: {  	[dreg:$0x8] =	wrdreg $0x9  }
0xb6: {  	_ =	task.clear_ibuf [dreg:s8], $0x9FFFF;
	_ =	strace $0x90000046  }
0xb7: {  	s29 =	simm.s32 $0x9;
	_ =	strace $0x80000048  }
0xb8: {  	_ =	swait.ge [sflag:s29], $0x1  }
0xb9: {  	[sflag:s29] =	ssyncadd.s32 $0xFFFFFFFF  }
0xba: {  	_ =	strace $0x90000048  }
0xbb: {  	_ =	sfence  }
0xbc: {  	s30 =	sld [smem:$0x0];
	_ =	sdelay $0x2  }
0xbd: {  	s31 =	sshll.u32 s1, $0xD;
	s1 =	sshrl.u32 s1, $0x2  }
0xbe: {  	s3 =	sand.u32 $0x4000, s31;
	s1 =	sadd.s32 s1, s30  }
0xbf: {  	s0 =	sor.u32 s3, s0;
	s1 =	sshll.u32 s1, $0x11  }
0xc0: {  	s0 =	sor.u32 s1, s0  }
0xc1: {  	s0 =	sadd.s32 $0x8F2B, s0  }
0xc2: {  	[sflag:s0] =	ssyncadd.remote.s32 $0x1  }
0xc3: {  	_ =	sfence.sel $0xFFFF  }
0xc4: {  	[dreg:$0x0] =	wrdreg $0xFFFFFFFF;
	(pc) =	sbr.abs _section_cstart, $3  }
0xc5: {  	[dreg:$0x1] =	wrdreg $0xFFFFFFFF  }
0xc6: {  	_ =	task.clear_ibuf [dreg:s8], $0x2FFFF;
	_ =	strace $0x9FFFFFFF  }
0xc7: {  	(tm) =	ssettm $0x7FFFFFFF  }
tec
execute0_lowered:
.L_overlay_start_1:
0x0: {  	(tag) =	ssettag $0x1  }
0x1: {  	s1 =	rddreg [dreg:$0x0]  }
0x2: {  	s2 =	rddreg [dreg:$0x1]  }
0x3: {  	s0 =	rddreg [dreg:$0x2]  }
0x4: {  	s3 =	rddreg [dreg:$0x3]  }
0x5: {  	s4 =	rddreg [dreg:$0x4]  }
0x6: {  	s6 =	rddreg [dreg:$0x5]  }
0x7: {  	s5 =	srdreg.scid;
	s14 =	stileid.u32  }
0x8: {  	s7 =	simm.s32 $0x0;
	s28 =	simm.s32 $0x200;
	s29 =	simm.s32 $0x5  }
0x9: {  	s30 =	simm.s32 $0x4;
	s5 =	sand.u32 $0x1, s5;
	s13 =	smul.u32 $0x50000, s14  }
0xa: {  	s8 =	sshll.u32 s14, $0x1;
	[smem:$0x7FF] =	sst s7;
	s18 =	smul.u32 $0x14000, s14  }
0xb: {  	s9 =	sadd.s32 $0x5600, s0;
	s21 =	smul.u32 $0x4E20, s14;
	p0 =	sne.s32 s14, $0xF  }
0xc: {  	p3 =	seq.s32 s14, $0xF;
	s8 =	sor.u32 s5, s8;
	s10 =	smul.u32 $0x9E0, s5  }
0xd: {  	_ =	strace $0x80000047;
	s11 =	ssub.s32 $0x2, s5;
	s31 =	smul.u32 $0x138800, s5  }
0xe: {  	s5 =	smul.u32 $0x2710, s5;
	p2 =	sne.s32 @p0 s14, $0x0;
	s26 =	sshrl.u32 s13, $0x2  }
0xf: {  	s8 =	smul.u32 $0x2710, s8;
	s12 =	sshrl.u32 s11, $0x1;
	s13 =	sadd.s32 s26, s3  }
0x10: {  	s5 =	sadd.s32 s5, s21;
	s21 =	sadd.s32 $0x133800, s3;
	[dreg:$0xa] =	wrdreg s13  }
0x11: {  	p1 =	por p2, !p0;
	s20 =	sadd.s32 $0x2800, s13;
	[dreg:$0x1c] =	wrdreg s21  }
0x12: {  	p2 =	por !p2, !p0;
	s16 =	sadd.s32 $0x5000, s13;
	[dreg:$0xc] =	wrdreg s20  }
0x13: {  	s0 =	sadd.s32 s10, s0;
	s22 =	sadd.s32 $0x7800, s13;
	[dreg:$0xd] =	wrdreg s16  }
0x14: {  	s10 =	ssub.s32 s11, s12;
	s23 =	sadd.s32 $0xA000, s13;
	[dreg:$0xe] =	wrdreg s22  }
0x15: {  	s11 =	sshrl.u32 s31, $0x3;
	s26 =	sadd.s32 $0x4200, s0;
	[dreg:$0xf] =	wrdreg s23  }
0x16: {  	s8 =	sshrl.u32 s8, $0x3;
	s0 =	sadd.s32 $0x4210, s0;
	[dreg:$0x12] =	wrdreg s26  }
0x17: {  	s11 =	sadd.s32 s9, s11;
	s14 =	sadd.s32 $0xC800, s13;
	[dreg:$0x13] =	wrdreg s0  }
0x18: {  	s25 =	sadd.s32 $0x150, s5;
	s24 =	sadd.s32 $0x25800, s11;
	[dreg:$0x16] =	wrdreg s14  }
0x19: {  	s21 =	simm.s32 $0x3B80;
	s16 =	sadd.s32 $0xF000, s13;
	[dreg:$0x11] =	wrdreg s24  }
0x1a: {  	s15 =	sadd.s32 s2, s8;
	s20 =	sadd.s32 $0x131000, s3;
	[dreg:$0x17] =	wrdreg s16  }
0x1b: {  	s11 =	sadd.s32 $0x4E2E0, s5;
	s14 =	simm.s32 $0x80;
	[dreg:$0x1b] =	wrdreg s20  }
0x1c: {  	s8 =	sadd.s32 $0x9C40, s15;
	s17 =	sadd.s32 $0xE, s15;
	[dreg:$0x7] =	wrdreg s15  }
0x1d: {  	s19 =	sadd.s32 $0x9C4E, s15;
	s12 =	sshrl.u32 s11, $0x3;
	[dreg:$0x8] =	wrdreg s8  }
0x1e: {  	s24 =	sadd.s32 $0x136000, s3;
	s26 =	sadd.s32 $0x4DE, s15;
	[dreg:$0x9] =	wrdreg s17  }
0x1f: {  	s16 =	simm.s32 $0x180;
	s20 =	simm.s32 $0x2;
	[dreg:$0xb] =	wrdreg s19  }
0x20: {  	s8 =	sadd.s32 s18, s31;
	s31 =	sshrl.u32 s25, $0x3;
	s25 =	sadd.s32 s12, s2  }
0x21: {  	s17 =	sadd.s32 $0x11800, s13;
	s18 =	sadd.s32 $0x12E800, s3;
	[dreg:$0x1d] =	wrdreg s24  }
0x22: {  	s19 =	sadd.s32 $0x12C000, s3;
	[dreg:$0x1e] =	wrdreg s26;
	s24 =	simm.s32 $0x7380  }
0x23: {  	s26 =	simm.s32 $0x9B00;
	s12 =	simm.s32 $0x50;
	[dreg:$0x18] =	wrdreg s17  }
0x24: {  	s13 =	simm.s32 $0x300;
	s8 =	sshrl.u32 s8, $0x3;
	[dreg:$0x19] =	wrdreg s18  }
0x25: {  	s22 =	sadd.s32 s31, s2;
	[dreg:$0x1a] =	wrdreg s19;
	s31 =	sadd.s32 $0xA11E, s15  }
0x26: {  	s15 =	simm.s32 $0x100;
	s17 =	simm.s32 $0x1;
	s18 =	simm.s32 $0x70  }
0x27: {  	s19 =	simm.s32 $0x380;
	s8 =	sadd.s32 s9, s8;
	[dreg:$0x1f] =	wrdreg s31  }
0x28: {  	s9 =	smax.u32 s10, $0x1;
	s10 =	sadd.s32 $0x4E350, s5;
	[dreg:$0x10] =	wrdreg s8  }
0x29: {  	s5 =	sadd.s32 $0xE0, s5;
	[dreg:$0x14] =	wrdreg s9;
	s0 =	sshrl.u32 s10, $0x3  }
0x2a: {  	[dreg:$0x15] =	wrdreg s5;
	s5 =	simm.s32 $0x3;
	s10 =	simm.s32 $0x7  }
0x2b: {  	v0 =	vimm.f32 $0.0e+00;
	v1 =	vimm.f32 $1.000000000e+00;
	v2 =	vlaneseq.u32;
	s9 =	simm.s32 $0x0;
	s23 =	sadd.s32 s0, s2;
	s0 =	simm.s32 $0x6  }
.LBB2_1:
0x2c: {  	s8 =	rddreg [dreg:$0x7]  }
0x2d: {  	[tilespmem:s7], [sflag:$0x1] =	stream.linear.gather [hbm4b:s8+s7], $0x70, $0x38;
	v63 =	vld [tilespmem:$0x0]  }
0x2e: {  	s31 =	rddreg [dreg:$0x8]  }
0x2f: {  	[tilespmem:s14], [sflag:$0x1] =	stream.linear.gather [hbm4b:s31+s7], $0x70, $0x38;
	v63 =	vld [tilespmem:$0x0]  }
0x30: {  	s11 =	rddreg [dreg:$0x9]  }
0x31: {  	[tilespmem:s15], [sflag:$0x2] =	stream.linear.gather [hbm4b:s11+s7], $0x70, $0x38;
	v63 =	vld [tilespmem:$0x0]  }
0x32: {  	s8 =	simm.s32 $0x0;
	s31 =	rddreg [dreg:$0xb]  }
0x33: {  	[tilespmem:s16], [sflag:$0x2] =	stream.linear.gather [hbm4b:s31+s7], $0x70, $0x38;
	v63 =	vld [tilespmem:$0x0]  }
.LBB2_2:
0x34: {  	p4 =	sne.s32 s8, $0x9C00  }
.Ltmp0:
0x35: {  	_ = 	snop;
	(pc) =	sbr.rel @p4 .LBB2_2-.Ltmp0, $4  }
0x36: {  	_ = 	snop  }
0x37: {  	s11 =	sshra.s32 s8, $0x2  }
0x38: {  	[tilespmem:s11+$0x7380] =	vst v0  }
0x39: {  	s8 =	sadd.s32 $0x40, s8;
	[tilespmem:s11+$0x9B00] =	vst v0  }
0x3a: {  	[smem:$0x7FD] =	sst s9;
	s8 =	simm.s32 $0x0;
	s11 =	simm.s32 $0x200  }
.LBB2_4:
0x3b: {  	p4 =	sne.s32 s11, $0xDE00;
	[tilespmem:s8+$0x3F0] =	vst v0  }
0x3c: {  	[tilespmem:s8+$0x380] =	vst v0  }
0x3d: {  	[tilespmem:s8+$0x390] =	vst v0  }
.Ltmp1:
0x3e: {  	[tilespmem:s8+$0x3A0] =	vst v0;
	(pc) =	sbr.rel @p4 .LBB2_4-.Ltmp1, $4  }
0x3f: {  	[tilespmem:s8+$0x3B0] =	vst v0  }
0x40: {  	[tilespmem:s8+$0x3C0] =	vst v0  }
0x41: {  	[tilespmem:s8+$0x3D0] =	vst v0  }
0x42: {  	[tilespmem:s8+$0x3E0] =	vst v0;
	s8 =	sshra.s32 s11, $0x2;
	s11 =	sadd.s32 $0x200, s11  }
0x43: {  	[tilespmem:s8+$0x3F0] =	vst v0  }
0x44: {  	[tilespmem:s8+$0x380] =	vst v0  }
0x45: {  	[tilespmem:s8+$0x390] =	vst v0  }
0x46: {  	[tilespmem:s8+$0x3A0] =	vst v0  }
0x47: {  	[tilespmem:s8+$0x3B0] =	vst v0  }
0x48: {  	[tilespmem:s8+$0x3C0] =	vst v0  }
0x49: {  	[tilespmem:s8+$0x3D0] =	vst v0  }
0x4a: {  	[tilespmem:s8+$0x3E0] =	vst v0;
	s8 =	simm.s32 @p0 $0x380;
	s9 =	rddreg [dreg:$0xa];
	s11 =	simm.s32 @p0 $0x7  }
0x4b: {  	[spmem:s9] =	stream.linear.scatter @p0 [tilespmem:s8], [sflag:$0x7], $0x2800, $0x38;
	v63 =	vld [tilespmem:$0x0]  }
0x4c: {  	_ =	swait.ge @p0 [sflag:s11], $0x2800  }
0x4d: {  	[sflag:s11] =	ssyncset.done @p0 $0x0  }
0x4e: {  	s9 =	rddreg [dreg:$0xc];
	[sflag:s11] =	ssyncadd.s32 @p0 $0xFFFFD800  }
0x4f: {  	[spmem:s9] =	stream.linear.scatter @p0 [tilespmem:s8], [sflag:$0x7], $0x2800, $0x38;
	v63 =	vld [tilespmem:$0x0]  }
0x50: {  	_ =	swait.ge @p0 [sflag:s11], $0x2800  }
0x51: {  	[sflag:s11] =	ssyncset.done @p0 $0x0  }
0x52: {  	s9 =	rddreg [dreg:$0xd];
	[sflag:s11] =	ssyncadd.s32 @p0 $0xFFFFD800  }
0x53: {  	[spmem:s9] =	stream.linear.scatter @p0 [tilespmem:s8], [sflag:$0x7], $0x2800, $0x38;
	v63 =	vld [tilespmem:$0x0]  }
0x54: {  	_ =	swait.ge @p0 [sflag:s11], $0x2800  }
0x55: {  	[sflag:s11] =	ssyncset.done @p0 $0x0  }
0x56: {  	s9 =	rddreg [dreg:$0xe];
	[sflag:s11] =	ssyncadd.s32 @p0 $0xFFFFD800  }
0x57: {  	[spmem:s9] =	stream.linear.scatter @p0 [tilespmem:s8], [sflag:$0x7], $0x2800, $0x38;
	v63 =	vld [tilespmem:$0x0]  }
0x58: {  	_ =	swait.ge @p0 [sflag:s11], $0x2800  }
0x59: {  	[sflag:s11] =	ssyncset.done @p0 $0x0  }
0x5a: {  	s9 =	rddreg [dreg:$0xf];
	[sflag:s11] =	ssyncadd.s32 @p0 $0xFFFFD800  }
0x5b: {  	[spmem:s9] =	stream.linear.scatter @p0 [tilespmem:s8], [sflag:$0x7], $0x2800, $0x38;
	v63 =	vld [tilespmem:$0x0]  }
0x5c: {  	_ =	swait.ge @p0 [sflag:s11], $0x2800  }
0x5d: {  	[sflag:s11] =	ssyncset.done @p0 $0x0  }
0x5e: {  	s9 =	rddreg [dreg:$0x16];
	[sflag:s11] =	ssyncadd.s32 @p0 $0xFFFFD800  }
0x5f: {  	[spmem:s9] =	stream.linear.scatter @p0 [tilespmem:s8], [sflag:$0x7], $0x2800, $0x38;
	v63 =	vld [tilespmem:$0x0]  }
0x60: {  	_ =	swait.ge @p0 [sflag:s11], $0x2800  }
0x61: {  	[sflag:s11] =	ssyncset.done @p0 $0x0  }
0x62: {  	s9 =	rddreg [dreg:$0x17];
	[sflag:s11] =	ssyncadd.s32 @p0 $0xFFFFD800  }
0x63: {  	[spmem:s9] =	stream.linear.scatter @p0 [tilespmem:s8], [sflag:$0x7], $0x2800, $0x38;
	v63 =	vld [tilespmem:$0x0]  }
0x64: {  	_ =	swait.ge @p0 [sflag:s11], $0x2800  }
0x65: {  	[sflag:s11] =	ssyncset.done @p0 $0x0  }
0x66: {  	s9 =	rddreg [dreg:$0x18];
	[sflag:s11] =	ssyncadd.s32 @p0 $0xFFFFD800  }
0x67: {  	[spmem:s9] =	stream.linear.scatter @p0 [tilespmem:s8], [sflag:$0x7], $0x2800, $0x38;
	v63 =	vld [tilespmem:$0x0]  }
0x68: {  	_ =	swait.ge @p0 [sflag:s11], $0x2800  }
0x69: {  	[sflag:s11] =	ssyncset.done @p0 $0x0  }
0x6a: {  	s8 =	simm.s32 @!p1 $0x7380;
	[sflag:s11] =	ssyncadd.s32 @p0 $0xFFFFD800  }
0x6b: {  	[spmem:s4] =	stream.linear.scatter @!p1 [tilespmem:s8], [sflag:$0x7], $0x2780, $0x38;
	v63 =	vld [tilespmem:$0x0]  }
0x6c: {  	s8 =	simm.s32 @!p1 $0x7  }
0x6d: {  	_ =	swait.ge @!p1 [sflag:s8], $0x2780  }
0x6e: {  	[sflag:s8] =	ssyncset.done @!p1 $0x0  }
0x6f: {  	s11 =	simm.s32 @!p1 $0x9B00;
	[sflag:s8] =	ssyncadd.s32 @!p1 $0xFFFFD880  }
0x70: {  	[spmem:s6] =	stream.linear.scatter @!p1 [tilespmem:s11], [sflag:$0x7], $0x2780, $0x38;
	v63 =	vld [tilespmem:$0x0]  }
0x71: {  	_ =	swait.ge @!p1 [sflag:s8], $0x2780  }
0x72: {  	s11 =	simm.s32 @!p0 $0x7;
	[sflag:s8] =	ssyncset.done @!p1 $0x0  }
0x73: {  	s9 =	rddreg [dreg:$0x1a];
	[sflag:s8] =	ssyncadd.s32 @!p1 $0xFFFFD880;
	s8 =	simm.s32 @!p0 $0x380  }
0x74: {  	[spmem:s9] =	stream.linear.scatter @!p0 [tilespmem:s8], [sflag:$0x7], $0x2800, $0x38;
	v63 =	vld [tilespmem:$0x0]  }
0x75: {  	_ =	swait.ge @!p0 [sflag:s11], $0x2800  }
0x76: {  	[sflag:s11] =	ssyncset.done @!p0 $0x0  }
0x77: {  	s9 =	rddreg [dreg:$0x19];
	[sflag:s11] =	ssyncadd.s32 @!p0 $0xFFFFD800  }
0x78: {  	[spmem:s9] =	stream.linear.scatter @!p0 [tilespmem:s8], [sflag:$0x7], $0x2800, $0x38;
	v63 =	vld [tilespmem:$0x0]  }
0x79: {  	_ =	swait.ge @!p0 [sflag:s11], $0x2800  }
0x7a: {  	[sflag:s11] =	ssyncset.done @!p0 $0x0  }
0x7b: {  	s9 =	rddreg [dreg:$0x1b];
	[sflag:s11] =	ssyncadd.s32 @!p0 $0xFFFFD800  }
0x7c: {  	[spmem:s9] =	stream.linear.scatter @!p0 [tilespmem:s8], [sflag:$0x7], $0x2800, $0x38;
	v63 =	vld [tilespmem:$0x0]  }
0x7d: {  	_ =	swait.ge @!p0 [sflag:s11], $0x2800  }
0x7e: {  	[sflag:s11] =	ssyncset.done @!p0 $0x0  }
0x7f: {  	s9 =	rddreg [dreg:$0x1c];
	[sflag:s11] =	ssyncadd.s32 @!p0 $0xFFFFD800  }
0x80: {  	[spmem:s9] =	stream.linear.scatter @!p0 [tilespmem:s8], [sflag:$0x7], $0x2800, $0x38;
	v63 =	vld [tilespmem:$0x0]  }
0x81: {  	_ =	swait.ge @!p0 [sflag:s11], $0x2800  }
0x82: {  	[sflag:s11] =	ssyncset.done @!p0 $0x0  }
0x83: {  	s9 =	rddreg [dreg:$0x1d];
	[sflag:s11] =	ssyncadd.s32 @!p0 $0xFFFFD800  }
0x84: {  	[spmem:s9] =	stream.linear.scatter @!p0 [tilespmem:s8], [sflag:$0x7], $0x2800, $0x38;
	v63 =	vld [tilespmem:$0x0]  }
0x85: {  	_ =	swait.ge @!p0 [sflag:s11], $0x2800  }
0x86: {  	[sflag:s11] =	ssyncset.done @!p0 $0x0  }
0x87: {  	[sflag:s11] =	ssyncadd.s32 @!p0 $0xFFFFD800  }
0x88: {  	[bflag:$0x0] =	sbarrier.arrive $0xFFFF  }
0x89: {  	_ =	swait.ge [sflag:s17], $0x70  }
0x8a: {  	[sflag:s17] =	ssyncset.done $0x0  }
0x8b: {  	[sflag:s17] =	ssyncadd.s32 $0xFFFFFF90  }
0x8c: {  	_ =	swait.ge [sflag:s17], $0x70  }
0x8d: {  	[sflag:s17] =	ssyncset.done $0x0  }
0x8e: {  	s8 =	simm.s32 $0x0;
	[sflag:s17] =	ssyncadd.s32 $0xFFFFFF90  }
0x8f: {  	[tilespmem:s19], [sflag:$0x3] =	stream.indirect.gather [hbm4b:s1+s18], $0x80, s8, s18, $0xb8;
	v63 =	vld [tilespmem:$0x0]  }
0x90: {  	_ =	swait.ge [sflag:s20], $0x70  }
0x91: {  	[sflag:s20] =	ssyncset.done $0x0  }
0x92: {  	[sflag:s20] =	ssyncadd.s32 $0xFFFFFF90  }
0x93: {  	p5 =	por @p0 $0x0, $0x0;
	p4 =	por @!p1 $0x1, $0x1;
	_ =	swait.ge [sflag:s20], $0x70  }
0x94: {  	p4 =	por @!p2 p5, p5;
	p5 =	por @!p0 $0x0, $0x0;
	[sflag:s20] =	ssyncset.done $0x0  }
0x95: {  	p4 =	por @!p0 p5, p5;
	s31 =	rddreg [dreg:$0x15];
	[sflag:s20] =	ssyncadd.s32 $0xFFFFFF90  }
0x96: {  	[tilespmem:s21], [sflag:$0x4] =	stream.indirect.gather [hbm4b:s1+s18], $0x80, s15, s18, $0xb8;
	v63 =	vld [tilespmem:$0x0]  }
.LBB2_6:
0x97: {  	_ =	swait.ge [sflag:s5], $0x3800  }
0x98: {  	[sflag:s5] =	ssyncset.done $0x0  }
0x99: {  	[sflag:s5] =	ssyncadd.s32 $0xFFFFC800  }
0x9a: {  	v3 =	vld [tilespmem:$0x80]  }
0x9b: {  	v4 =	vld [tilespmem:$0x0];
	_ =	sdelay $0x5  }
0x9c: {  	[tilespmem:$0x200] =	vst v3  }
0x9d: {  	[tilespmem:v3+s24+$0x0] =	vst.idx.add.f32.msk $0xffff, v1  }
0x9e: {  	[tilespmem:v4+s26+$0x0] =	vst.idx.add.f32.msk $0xffff, v1  }
0x9f: {  	v3 =	vld [tilespmem:$0x90]  }
0xa0: {  	v4 =	vld [tilespmem:$0x10];
	_ =	sdelay $0x5  }
0xa1: {  	[tilespmem:$0x210] =	vst v3  }
0xa2: {  	[tilespmem:v3+s24+$0x0] =	vst.idx.add.f32.msk $0xffff, v1  }
0xa3: {  	[tilespmem:v4+s26+$0x0] =	vst.idx.add.f32.msk $0xffff, v1  }
0xa4: {  	v3 =	vld [tilespmem:$0xA0]  }
0xa5: {  	v4 =	vld [tilespmem:$0x20];
	_ =	sdelay $0x5  }
0xa6: {  	[tilespmem:$0x220] =	vst v3  }
0xa7: {  	[tilespmem:v3+s24+$0x0] =	vst.idx.add.f32.msk $0xffff, v1  }
0xa8: {  	[tilespmem:v4+s26+$0x0] =	vst.idx.add.f32.msk $0xffff, v1  }
0xa9: {  	v3 =	vld [tilespmem:$0xB0]  }
0xaa: {  	v4 =	vld [tilespmem:$0x30];
	_ =	sdelay $0x5  }
0xab: {  	[tilespmem:$0x230] =	vst v3  }
0xac: {  	[tilespmem:v3+s24+$0x0] =	vst.idx.add.f32.msk $0xffff, v1  }
0xad: {  	[tilespmem:v4+s26+$0x0] =	vst.idx.add.f32.msk $0xffff, v1  }
0xae: {  	v3 =	vld [tilespmem:$0xC0]  }
0xaf: {  	v4 =	vld [tilespmem:$0x40];
	_ =	sdelay $0x5  }
0xb0: {  	[tilespmem:$0x240] =	vst v3  }
0xb1: {  	[tilespmem:v3+s24+$0x0] =	vst.idx.add.f32.msk $0xffff, v1  }
0xb2: {  	[tilespmem:v4+s26+$0x0] =	vst.idx.add.f32.msk $0xffff, v1  }
0xb3: {  	v3 =	vld [tilespmem:$0xD0]  }
0xb4: {  	v4 =	vld [tilespmem:$0x50];
	_ =	sdelay $0x5  }
0xb5: {  	[tilespmem:$0x250] =	vst v3  }
0xb6: {  	[tilespmem:v3+s24+$0x0] =	vst.idx.add.f32.msk $0xffff, v1  }
0xb7: {  	[tilespmem:v4+s26+$0x0] =	vst.idx.add.f32.msk $0xffff, v1  }
0xb8: {  	v3 =	vld [tilespmem:$0xE0]  }
0xb9: {  	v4 =	vld [tilespmem:$0x60];
	_ =	sdelay $0x5  }
0xba: {  	[tilespmem:$0x260] =	vst v3  }
0xbb: {  	[tilespmem:v3+s24+$0x0] =	vst.idx.add.f32.msk $0xffff, v1  }
0xbc: {  	s11 =	sshrl.u32 s31, $0x3;
	[tilespmem:v4+s26+$0x0] =	vst.idx.add.f32.msk $0xffff, v1  }
0xbd: {  	[spmem:s3] =	stream.indirect.scatter.add.f32 [tilespmem:s19], [sflag:$0x5], $0x80, s28, s18, $0xb8;
	v63 =	vld [tilespmem:$0x0]  }
0xbe: {  	s11 =	sadd.s32 s2, s11  }
0xbf: {  	[tilespmem:s7], [sflag:$0x1] =	stream.linear.gather [hbm4b:s11+s7], $0x70, $0x38;
	v63 =	vld [tilespmem:$0x0]  }
0xc0: {  	s9 =	sadd.s32 s8, s25  }
0xc1: {  	[tilespmem:s14], [sflag:$0x1] =	stream.linear.gather [hbm4b:s9+s7], $0x70, $0x38;
	v63 =	vld [tilespmem:$0x0]  }
0xc2: {  	_ =	swait.ge [sflag:s29], $0x3800  }
0xc3: {  	[sflag:s29] =	ssyncset.done $0x0  }
0xc4: {  	[sflag:s29] =	ssyncadd.s32 $0xFFFFC800  }
0xc5: {  	_ =	swait.ge [sflag:s17], $0x70  }
0xc6: {  	[sflag:s17] =	ssyncset.done $0x0  }
0xc7: {  	[sflag:s17] =	ssyncadd.s32 $0xFFFFFF90  }
0xc8: {  	_ =	swait.ge [sflag:s17], $0x70  }
0xc9: {  	[sflag:s17] =	ssyncset.done $0x0  }
0xca: {  	[sflag:s17] =	ssyncadd.s32 $0xFFFFFF90  }
0xcb: {  	[tilespmem:s19], [sflag:$0x3] =	stream.indirect.gather [hbm4b:s1+s18], $0x80, s7, s18, $0xb8;
	v63 =	vld [tilespmem:$0x0]  }
0xcc: {  	_ =	swait.ge [sflag:s30], $0x3800  }
0xcd: {  	[sflag:s30] =	ssyncset.done $0x0  }
0xce: {  	[sflag:s30] =	ssyncadd.s32 $0xFFFFC800  }
0xcf: {  	v3 =	vld [tilespmem:$0x180]  }
0xd0: {  	v62 =	vld [tilespmem:$0x100];
	_ =	sdelay $0x5  }
0xd1: {  	[tilespmem:$0x200] =	vst v3  }
0xd2: {  	[tilespmem:v3+s24+$0x0] =	vst.idx.add.f32.msk $0xffff, v1  }
0xd3: {  	[tilespmem:v62+s26+$0x0] =	vst.idx.add.f32.msk $0xffff, v1  }
0xd4: {  	v3 =	vld [tilespmem:$0x190]  }
0xd5: {  	v4 =	vld [tilespmem:$0x110];
	_ =	sdelay $0x5  }
0xd6: {  	[tilespmem:$0x210] =	vst v3  }
0xd7: {  	[tilespmem:v3+s24+$0x0] =	vst.idx.add.f32.msk $0xffff, v1  }
0xd8: {  	[tilespmem:v4+s26+$0x0] =	vst.idx.add.f32.msk $0xffff, v1  }
0xd9: {  	v3 =	vld [tilespmem:$0x1A0]  }
0xda: {  	v4 =	vld [tilespmem:$0x120];
	_ =	sdelay $0x5  }
0xdb: {  	[tilespmem:$0x220] =	vst v3  }
0xdc: {  	[tilespmem:v3+s24+$0x0] =	vst.idx.add.f32.msk $0xffff, v1  }
0xdd: {  	[tilespmem:v4+s26+$0x0] =	vst.idx.add.f32.msk $0xffff, v1  }
0xde: {  	v3 =	vld [tilespmem:$0x1B0]  }
0xdf: {  	v4 =	vld [tilespmem:$0x130];
	_ =	sdelay $0x5  }
0xe0: {  	[tilespmem:$0x230] =	vst v3  }
0xe1: {  	[tilespmem:v3+s24+$0x0] =	vst.idx.add.f32.msk $0xffff, v1  }
0xe2: {  	[tilespmem:v4+s26+$0x0] =	vst.idx.add.f32.msk $0xffff, v1  }
0xe3: {  	v3 =	vld [tilespmem:$0x1C0]  }
0xe4: {  	v4 =	vld [tilespmem:$0x140];
	_ =	sdelay $0x5  }
0xe5: {  	[tilespmem:$0x240] =	vst v3  }
0xe6: {  	[tilespmem:v3+s24+$0x0] =	vst.idx.add.f32.msk $0xffff, v1  }
0xe7: {  	[tilespmem:v4+s26+$0x0] =	vst.idx.add.f32.msk $0xffff, v1  }
0xe8: {  	v3 =	vld [tilespmem:$0x1D0]  }
0xe9: {  	v4 =	vld [tilespmem:$0x150];
	_ =	sdelay $0x5  }
0xea: {  	[tilespmem:$0x250] =	vst v3  }
0xeb: {  	[tilespmem:v3+s24+$0x0] =	vst.idx.add.f32.msk $0xffff, v1  }
0xec: {  	[tilespmem:v4+s26+$0x0] =	vst.idx.add.f32.msk $0xffff, v1  }
0xed: {  	v3 =	vld [tilespmem:$0x1E0]  }
0xee: {  	v4 =	vld [tilespmem:$0x160];
	_ =	sdelay $0x3  }
0xef: {  	p5 =	seq.s32 s8, $0x4B4  }
.Ltmp2:
0xf0: {  	_ = 	snop;
	(pc) =	sbr.rel @p5 .LBB2_8-.Ltmp2, $4  }
0xf1: {  	[tilespmem:$0x260] =	vst v3  }
0xf2: {  	[tilespmem:v3+s24+$0x0] =	vst.idx.add.f32.msk $0xffff, v1  }
0xf3: {  	[tilespmem:v4+s26+$0x0] =	vst.idx.add.f32.msk $0xffff, v1  }
0xf4: {  	[spmem:s3] =	stream.indirect.scatter.add.f32 [tilespmem:s21], [sflag:$0x6], $0x80, s28, s18, $0xb8;
	v63 =	vld [tilespmem:$0x0]  }
0xf5: {  	s11 =	sadd.s32 s8, s22  }
0xf6: {  	[tilespmem:s15], [sflag:$0x2] =	stream.linear.gather [hbm4b:s11+s7], $0x70, $0x38;
	v63 =	vld [tilespmem:$0x0]  }
0xf7: {  	s9 =	sadd.s32 s8, s23  }
0xf8: {  	[tilespmem:s16], [sflag:$0x2] =	stream.linear.gather [hbm4b:s9+s7], $0x70, $0x38;
	v63 =	vld [tilespmem:$0x0]  }
0xf9: {  	_ =	swait.ge [sflag:s0], $0x3800  }
0xfa: {  	[sflag:s0] =	ssyncset.done $0x0  }
0xfb: {  	[sflag:s0] =	ssyncadd.s32 $0xFFFFC800  }
0xfc: {  	_ =	swait.ge [sflag:s20], $0x70  }
0xfd: {  	[sflag:s20] =	ssyncset.done $0x0  }
.Ltmp3:
0xfe: {  	[sflag:s20] =	ssyncadd.s32 $0xFFFFFF90;
	(pc) =	sbr.rel .LBB2_6-.Ltmp3, $4  }
0xff: {  	_ =	swait.ge [sflag:s20], $0x70  }
0x100: {  	[sflag:s20] =	ssyncset.done $0x0  }
0x101: {  	s8 =	sadd.s32 $0x1C, s8;
	s31 =	sadd.s32 $0xE0, s31;
	[sflag:s20] =	ssyncadd.s32 $0xFFFFFF90  }
0x102: {  	[tilespmem:s21], [sflag:$0x4] =	stream.indirect.gather [hbm4b:s1+s18], $0x80, s15, s18, $0xb8;
	v63 =	vld [tilespmem:$0x0]  }
.LBB2_8:
0x103: {  	_ =	swait.ge [sflag:s0], $0x3800  }
0x104: {  	[sflag:s0] =	ssyncset.done $0x0  }
0x105: {  	[sflag:s0] =	ssyncadd.s32 $0xFFFFC800  }
0x106: {  	_ =	swait.ge [sflag:s5], $0x3800  }
0x107: {  	[sflag:s5] =	ssyncset.done $0x0  }
0x108: {  	[sflag:s5] =	ssyncadd.s32 $0xFFFFC800  }
0x109: {  	v3 =	vld [tilespmem:$0x80]  }
0x10a: {  	v4 =	vld [tilespmem:$0x0];
	_ =	sdelay $0x5  }
0x10b: {  	s8 =	simm.s32 $0x7380;
	[tilespmem:$0x200] =	vst v3  }
0x10c: {  	s31 =	simm.s32 $0x9B00;
	[tilespmem:v3+s8+$0x0] =	vst.idx.add.f32.msk $0xffff, v1  }
0x10d: {  	[tilespmem:v4+s31+$0x0] =	vst.idx.add.f32.msk $0xffff, v1  }
0x10e: {  	v3 =	vld [tilespmem:$0x90]  }
0x10f: {  	v4 =	vld [tilespmem:$0x10];
	_ =	sdelay $0x5  }
0x110: {  	[tilespmem:$0x210] =	vst v3  }
0x111: {  	[tilespmem:v3+s8+$0x0] =	vst.idx.add.f32.msk $0xffff, v1  }
0x112: {  	[tilespmem:v4+s31+$0x0] =	vst.idx.add.f32.msk $0xffff, v1  }
0x113: {  	v3 =	vld [tilespmem:$0xA0]  }
0x114: {  	v4 =	vld [tilespmem:$0x20];
	_ =	sdelay $0x5  }
0x115: {  	[tilespmem:$0x220] =	vst v3  }
0x116: {  	[tilespmem:v3+s8+$0x0] =	vst.idx.add.f32.msk $0xffff, v1  }
0x117: {  	[tilespmem:v4+s31+$0x0] =	vst.idx.add.f32.msk $0xffff, v1  }
0x118: {  	v3 =	vld [tilespmem:$0xB0]  }
0x119: {  	v4 =	vld [tilespmem:$0x30];
	_ =	sdelay $0x5  }
0x11a: {  	[tilespmem:$0x230] =	vst v3  }
0x11b: {  	[tilespmem:v3+s8+$0x0] =	vst.idx.add.f32.msk $0xffff, v1  }
0x11c: {  	[tilespmem:v4+s31+$0x0] =	vst.idx.add.f32.msk $0xffff, v1  }
0x11d: {  	v3 =	vld [tilespmem:$0xC0]  }
0x11e: {  	v4 =	vld [tilespmem:$0x40];
	_ =	sdelay $0x5  }
0x11f: {  	[tilespmem:$0x240] =	vst v3  }
0x120: {  	[tilespmem:v3+s8+$0x0] =	vst.idx.add.f32.msk $0xffff, v1  }
0x121: {  	[tilespmem:v4+s31+$0x0] =	vst.idx.add.f32.msk $0xffff, v1  }
0x122: {  	v3 =	vld [tilespmem:$0xD0]  }
0x123: {  	v4 =	vld [tilespmem:$0x50];
	_ =	sdelay $0x5  }
0x124: {  	[tilespmem:$0x250] =	vst v3  }
0x125: {  	[tilespmem:v3+s8+$0x0] =	vst.idx.add.f32.msk $0xffff, v1  }
0x126: {  	[tilespmem:v4+s31+$0x0] =	vst.idx.add.f32.msk $0xffff, v1  }
0x127: {  	v3 =	vld [tilespmem:$0xE0]  }
0x128: {  	v4 =	vld [tilespmem:$0x60];
	_ =	sdelay $0x5  }
0x129: {  	[tilespmem:$0x260] =	vst v3  }
0x12a: {  	[tilespmem:v3+s8+$0x0] =	vst.idx.add.f32.msk $0xffff, v1  }
0x12b: {  	[tilespmem:v4+s31+$0x0] =	vst.idx.add.f32.msk $0xffff, v1  }
0x12c: {  	[spmem:s3] =	stream.indirect.scatter.add.f32 [tilespmem:s19], [sflag:$0x5], $0x80, s28, s18, $0xb8;
	v63 =	vld [tilespmem:$0x0]  }
0x12d: {  	_ =	swait.ge [sflag:s29], $0x3800  }
0x12e: {  	[sflag:s29] =	ssyncset.done $0x0  }
0x12f: {  	s2 =	rddreg [dreg:$0x1e];
	[sflag:s29] =	ssyncadd.s32 $0xFFFFC800  }
0x130: {  	[tilespmem:s7], [sflag:$0x1] =	stream.linear.gather [hbm4b:s2+s7], $0x20, $0x38;
	v63 =	vld [tilespmem:$0x0]  }
0x131: {  	s11 =	rddreg [dreg:$0x1f]  }
0x132: {  	[tilespmem:s14], [sflag:$0x2] =	stream.linear.gather [hbm4b:s11+s7], $0x20, $0x38;
	v63 =	vld [tilespmem:$0x0]  }
0x133: {  	_ =	swait.ge [sflag:s17], $0x20  }
0x134: {  	[sflag:s17] =	ssyncset.done $0x0  }
0x135: {  	[sflag:s17] =	ssyncadd.s32 $0xFFFFFFE0  }
0x136: {  	_ =	swait.ge [sflag:s20], $0x20  }
0x137: {  	[sflag:s20] =	ssyncset.done $0x0  }
0x138: {  	s16 =	simm.s32 $0x20;
	[sflag:s20] =	ssyncadd.s32 $0xFFFFFFE0  }
0x139: {  	[tilespmem:s19], [sflag:$0x3] =	stream.indirect.gather [hbm4b:s1+s16], $0x80, s7, s16, $0xb8;
	v63 =	vld [tilespmem:$0x0]  }
0x13a: {  	_ =	swait.ge [sflag:s5], $0x1000  }
0x13b: {  	[sflag:s5] =	ssyncset.done $0x0  }
0x13c: {  	[sflag:s5] =	ssyncadd.s32 $0xFFFFF000  }
0x13d: {  	v3 =	vld [tilespmem:$0x80]  }
0x13e: {  	v60 =	vld [tilespmem:$0x0];
	_ =	sdelay $0x5  }
0x13f: {  	[tilespmem:$0x280] =	vst v3  }
0x140: {  	[tilespmem:v3+s8+$0x0] =	vst.idx.add.f32.msk $0xffff, v1  }
0x141: {  	[tilespmem:v60+s31+$0x0] =	vst.idx.add.f32.msk $0xffff, v1  }
0x142: {  	v3 =	vld [tilespmem:$0x90]  }
0x143: {  	v4 =	vld [tilespmem:$0x10];
	_ =	sdelay $0x5  }
0x144: {  	[tilespmem:$0x290] =	vst v3  }
0x145: {  	[tilespmem:v3+s8+$0x0] =	vst.idx.add.f32.msk $0xffff, v1  }
0x146: {  	s9 =	simm.s32 $0x280;
	[tilespmem:v4+s31+$0x0] =	vst.idx.add.f32.msk $0xffff, v1  }
0x147: {  	[spmem:s3] =	stream.indirect.scatter.add.f32 [tilespmem:s19], [sflag:$0x7], $0x80, s9, s16, $0xb8;
	v63 =	vld [tilespmem:$0x0]  }
0x148: {  	_ =	swait.ge [sflag:s10], $0x1000  }
0x149: {  	[sflag:s10] =	ssyncset.done $0x0  }
0x14a: {  	s11 =	simm.s32 $0x40;
	[sflag:s10] =	ssyncadd.s32 $0xFFFFF000  }
0x14b: {  	s2 =	simm.s32 $0x0;
	v3 =	vor.u32 s11, v2;
	[bflag:$0x0] =	sbarrier.arrive $0xFFFF  }
0x14c: {  	v61 =	vor.u32 s2, v2;
	s14 =	simm.s32 $0x10;
	[tilespmem:$0x340] =	vst v3  }
0x14d: {  	v62 =	vor.u32 s14, v2;
	s9 =	simm.s32 $0x30;
	[tilespmem:$0x300] =	vst v61  }
0x14e: {  	s16 =	simm.s32 $0x20;
	v3 =	vor.u32 s9, v2;
	[tilespmem:$0x310] =	vst v62  }
0x14f: {  	[tilespmem:$0x330] =	vst v3;
	v3 =	vor.u32 s16, v2  }
0x150: {  	[tilespmem:$0x320] =	vst v3  }
0x151: {  	[spmem:s4] =	stream.indirect.scatter.add.f32 [tilespmem:s8], [sflag:$0x7], $0x1, s13, s12, $0xb8;
	v63 =	vld [tilespmem:$0x0]  }
0x152: {  	_ =	swait.ge [sflag:s10], $0x50  }
0x153: {  	[sflag:s10] =	ssyncset.done $0x0  }
0x154: {  	s11 =	simm.s32 $0x90;
	[sflag:s10] =	ssyncadd.s32 $0xFFFFFFB0  }
0x155: {  	[spmem:s6] =	stream.indirect.scatter.add.f32 [tilespmem:s31], [sflag:$0x7], $0x1, s13, s12, $0xb8;
	v63 =	vld [tilespmem:$0x0]  }
.LBB2_9:
0x156: {  	_ =	swait.ge [sflag:s10], $0x50  }
0x157: {  	s31 =	sadd.s32 $0x50, s31;
	s8 =	sadd.s32 $0x50, s8;
	s9 =	smov.u32 s11  }
0x158: {  	p5 =	sne.s32 s11, $0x2700;
	s11 =	sadd.s32 $0x50, s11;
	[sflag:s10] =	ssyncset.done $0x0  }
0x159: {  	s2 =	sadd.s32 $0xFFFFFFC0, s9;
	v3 =	vor.u32 s9, v2;
	[sflag:s10] =	ssyncadd.s32 $0xFFFFFFB0  }
0x15a: {  	s16 =	sadd.s32 $0xFFFFFFE0, s9;
	v4 =	vor.u32 s2, v2;
	s2 =	sadd.s32 $0xFFFFFFD0, s9;
	s9 =	sadd.s32 $0xFFFFFFF0, s9;
	[tilespmem:$0x340] =	vst v3  }
0x15b: {  	v3 =	vor.u32 s2, v2;
	v5 =	vor.u32 s9, v2;
	[tilespmem:$0x300] =	vst v4;
	v4 =	vor.u32 s16, v2  }
0x15c: {  	[tilespmem:$0x330] =	vst v5  }
0x15d: {  	[tilespmem:$0x310] =	vst v3  }
0x15e: {  	[tilespmem:$0x320] =	vst v4  }
0x15f: {  	[spmem:s4] =	stream.indirect.scatter.add.f32 [tilespmem:s8], [sflag:$0x7], $0x1, s13, s12, $0xb8;
	v63 =	vld [tilespmem:$0x0]  }
.Ltmp4:
0x160: {  	_ = 	snop;
	(pc) =	sbr.rel @p5 .LBB2_9-.Ltmp4, $4  }
0x161: {  	_ =	swait.ge [sflag:s10], $0x50  }
0x162: {  	[sflag:s10] =	ssyncset.done $0x0  }
0x163: {  	[sflag:s10] =	ssyncadd.s32 $0xFFFFFFB0  }
0x164: {  	[spmem:s6] =	stream.indirect.scatter.add.f32 [tilespmem:s31], [sflag:$0x7], $0x1, s13, s12, $0xb8;
	v63 =	vld [tilespmem:$0x0]  }
0x165: {  	_ =	swait.ge [sflag:s10], $0x50  }
0x166: {  	[sflag:s10] =	ssyncset.done $0x0  }
0x167: {  	[sflag:s10] =	ssyncadd.s32 $0xFFFFFFB0  }
0x168: {  	[bflag:$0x0] =	sbarrier.arrive $0xFFFF  }
0x169: {  	s2 =	rddreg [dreg:$0x1a]  }
0x16a: {  	s8 =	simm.s32 @p3 $0x1FC7;
	s9 =	rddreg [dreg:$0x11];
	s2 =	sshrl.u32 @p3 s2, $0x3  }
0x16b: {  	[hbm:s9], [sflag:s8] =	dma.local @p3 [spmem:s2], $0x1900  }
0x16c: {  	s2 =	simm.s32 @p3 $0x7  }
0x16d: {  	s9 =	stileid.u32;
	_ =	swait.ge @p3 [sflag:s2], $0x1900  }
0x16e: {  	s8 =	sshll.u32 @!p3 s9, $0x6;
	[sflag:s2] =	ssyncset.done @p3 $0x0  }
0x16f: {  	[sflag:s2] =	ssyncadd.s32 @p3 $0xFFFFE700;
	s2 =	sor.u32 @!p3 $0x1C07, s8;
	s8 =	rddreg [dreg:$0xa]  }
0x170: {  	s11 =	rddreg [dreg:$0x10];
	s8 =	sshrl.u32 @!p3 s8, $0x3  }
0x171: {  	[hbm:s11], [sflag:s2] =	dma.local @!p3 [spmem:s8], $0x2800  }
0x172: {  	s16 =	simm.s32 @p4 $0x10;
	s2 =	simm.s32 @!p3 $0x7  }
0x173: {  	s8 =	sshll.u32 @p4 s9, $0x6;
	s9 =	simm.s32 @p4 $0x1;
	_ =	swait.ge @!p3 [sflag:s2], $0x2800  }
0x174: {  	s11 =	simm.s32 @p4 $0x20;
	[sflag:s2] =	ssyncset.done @!p3 $0x0;
	s31 =	rddreg [dreg:$0x12]  }
0x175: {  	[sflag:s2] =	ssyncadd.s32 @!p3 $0xFFFFD800;
	s2 =	sor.u32 @p4 $0x1C07, s8;
	s8 =	sshrl.u32 @p4 s4, $0x3  }
0x176: {  	[hbm:s31@s11], [sflag:s2] =	dma.strided @p4 [spmem:s8@s16], $0x4F0, s9, $0x10   }
0x177: {  	s8 =	simm.s32 @p4 $0x7  }
0x178: {  	_ =	swait.ge @p4 [sflag:s8], $0x4F0  }
0x179: {  	[sflag:s8] =	ssyncset.done @p4 $0x0  }
0x17a: {  	s31 =	sshrl.u32 @p4 s6, $0x3;
	s14 =	rddreg [dreg:$0x13];
	[sflag:s8] =	ssyncadd.s32 @p4 $0xFFFFFB10  }
0x17b: {  	[hbm:s14@s11], [sflag:s2] =	dma.strided @p4 [spmem:s31@s16], $0x4F0, s9, $0x10   }
0x17c: {  	_ =	swait.ge @p4 [sflag:s8], $0x4F0  }
0x17d: {  	s16 =	sld [smem:$0x7FD];
	_ =	sdelay $0x2  }
0x17e: {  	s31 =	rddreg [dreg:$0x14];
	s9 =	sadd.s32 $0x1, s16  }
0x17f: {  	p5 =	sne.s32 s9, s31  }
.Ltmp5:
0x180: {  	_ = 	snop;
	(pc) =	sbr.rel @p5 .LBB2_1-.Ltmp5, $4  }
0x181: {  	_ = 	snop  }
0x182: {  	[sflag:s8] =	ssyncset.done @p4 $0x0  }
0x183: {  	[sflag:s8] =	ssyncadd.s32 @p4 $0xFFFFFB10  }
0x184: {  	s14 =	simm.s32 $0x80;
	s2 =	rddreg [dreg:$0x1];
	s16 =	simm.s32 $0x180  }
0x185: {  	_ =	sfence.sel $0x180000  }
0x186: {  	[bflag:$0x0] =	sbarrier.arrive $0xFFFF  }
0x187: {  	_ =	strace $0x90000047  }
0x188: {  	s0 =	stileid.u32;
	[bflag:$0x2] =	sbarrier.arrive $0xFFFF  }
0x189: {  	p0 =	sne.s32 s0, $0x0;
	s0 =	rddreg [dreg:$0x6]  }
0x18a: {  	s0 =	sadd.s32 @!p0 $0x100000, s0  }
0x18b: {  	[sflag:s0] =	ssyncadd.tile.s32 @!p0 $0x1;
	_ =	shalt  }
.Lfunc_end2:
_tile_overlayer_lowered:
.L_overlay_start_2:
0x18c: {  	(tag) =	ssettag $0x2  }
0x18d: {  	s0 =	rddreg [dreg:$0x0];
	s2 =	stileid.u32  }
0x18e: {  	s1 =	rddreg [dreg:$0x1];
	p0 =	sne.s32 s2, $0x0  }
0x18f: {  	s3 =	rddreg [dreg:$0x2];
	[bflag:$0x3] =	sbarrier.arrive $0xFFFF;
	s2 =	simm.s32 @!p0 $0x1C07  }
0x190: {  	[timem:s3], [sflag:s2] =	dma.local @!p0 [hbm:s0], s1  }
0x191: {  	s0 =	simm.s32 @!p0 $0x7  }
0x192: {  	_ =	swait.ge @!p0 [sflag:s0], s1  }
0x193: {  	s1 =	ssub.s32 @!p0 $0x0, s1;
	[sflag:s0] =	ssyncset.done @!p0 $0x0  }
0x194: {  	[sflag:s0] =	ssyncadd.s32 @!p0 s1  }
0x195: {  	[bflag:$0x3] =	sbarrier.arrive $0xFFFF  }
0x196: {  	_ =	shalt  }

</sc_bundles>
